<compile_context>
chip_gen: v7x
topology: tpu7x:2x2x1
jax: 0.10.2.dev20260603
libtpu: 0.0.44.dev20260713+nightly
codegen_flags: <defaults>
</compile_context>

<pallas_src>
import functools
import jax
import jax.numpy as jnp
from jax import lax
from jax.experimental import pallas as pl
from jax.experimental.pallas import tpu as pltpu
from jax.experimental.pallas import tpu_sc as plsc

N = 10000
E = 320000
D = 128
G = 64

NC = 2
NS = 16
NW = NC * NS
NH = 5120
NHT = NH + 8
SR = NH // NS
ET = E // NS
CH = 80
NCH = ET // CH
ETC = ET + 96



@functools.cache
def _sc_mesh():
    return plsc.VectorSubcoreMesh(core_axis_name="c", subcore_axis_name="s",
                                  num_cores=NC, num_subcores=NS)


def _deg_body(dst_hbm, out_hbm, acc_sh, didx_v, ones_v, zb_v, sem):
    c = lax.axis_index("c")
    s = lax.axis_index("s")

    one16 = jnp.full((16,), 1.0, jnp.float32)
    zero16 = jnp.zeros((16,), jnp.float32)

    def fill(i, _):
        ones_v[i] = one16
        return 0
    lax.fori_loop(0, CH, fill, 0)

    def zfill(i, _):
        zb_v[i] = zero16
        return 0
    lax.fori_loop(0, SR, zfill, 0)
    pltpu.sync_copy(zb_v, acc_sh.at[pl.ds(s * SR, SR)])

    @pl.when(s == NS - 1)
    def _():
        pltpu.sync_copy(zb_v.at[pl.ds(0, 8)], acc_sh.at[pl.ds(NH, 8)])

    pltpu.sync_copy(dst_hbm.at[s], didx_v)
    nbase = c * NH

    def remap(r, _):
        for k in range(CH // 16):
            v = didx_v[r, pl.ds(k * 16, 16)] - nbase
            ok = (v >= 0) & (v < NH)
            didx_v[r, pl.ds(k * 16, 16)] = jnp.where(ok, v, NH)
        return 0
    lax.fori_loop(0, NCH, remap, 0)
    plsc.subcore_barrier()

    def chunk(j, _):
        pltpu.async_copy(ones_v, acc_sh.at[didx_v.at[j]], sem, add=True)
        return 0
    lax.fori_loop(0, NCH, chunk, 0)

    def drain(j, _):
        pltpu.make_async_copy(ones_v, acc_sh.at[didx_v.at[0]], sem).wait()
        return 0
    lax.fori_loop(0, NCH, drain, 0)
    plsc.subcore_barrier()

    pltpu.sync_copy(acc_sh.at[pl.ds(s * SR, SR)],
                    out_hbm.at[pl.ds(c * NH + s * SR, SR)])


@functools.cache
def _deg_kernel():
    return pl.kernel(
        _deg_body,
        out_type=jax.ShapeDtypeStruct((2 * NH, 16), jnp.float32),
        mesh=_sc_mesh(),
        scratch_types=[
            pltpu.VMEM_SHARED((NHT, 16), jnp.float32),
            pltpu.VMEM((NCH, CH), jnp.int32),
            pltpu.VMEM((CH, 16), jnp.float32),
            pltpu.VMEM((SR, 16), jnp.float32),
            pltpu.SemaphoreType.DMA,
        ],
    )


def _edge_body(z_hbm, src_hbm, dst_hbm, out_hbm,
               acc_sh, sidx_v, didx_v, rows_a, rows_b, sem_a, sem_b):
    c = lax.axis_index("c")
    s = lax.axis_index("s")

    zero16 = jnp.zeros((16,), jnp.float32)

    def zfill(i, _):
        for j in range(8):
            rows_a[i, pl.ds(j * 16, 16)] = zero16
        return 0
    lax.fori_loop(0, CH, zfill, 0)
    for r in range(SR // CH):
        pltpu.sync_copy(rows_a, acc_sh.at[pl.ds(s * SR + r * CH, CH)])

    @pl.when(s == NS - 1)
    def _():
        pltpu.sync_copy(rows_a.at[pl.ds(0, 8)], acc_sh.at[pl.ds(NH, 8)])

    pltpu.sync_copy(src_hbm.at[s], sidx_v)
    pltpu.sync_copy(dst_hbm.at[s], didx_v)
    base = c * NH

    def remap(r, _):
        for k in range(CH // 16):
            v = didx_v[r, pl.ds(k * 16, 16)] - base
            ok = (v >= 0) & (v < NH)
            didx_v[r, pl.ds(k * 16, 16)] = jnp.where(ok, v, NH)
        return 0
    lax.fori_loop(0, NCH, remap, 0)
    plsc.subcore_barrier()

    pltpu.async_copy(z_hbm.at[sidx_v.at[0]], rows_a, sem_a)

    def chunk2(i, _):
        j = 2 * i
        pltpu.async_copy(z_hbm.at[sidx_v.at[j + 1]], rows_b, sem_b)
        pltpu.make_async_copy(z_hbm.at[sidx_v.at[j]], rows_a, sem_a).wait()
        pltpu.sync_copy(rows_a, acc_sh.at[didx_v.at[j]], add=True)

        @pl.when(j + 2 < NCH)
        def _():
            pltpu.async_copy(z_hbm.at[sidx_v.at[j + 2]], rows_a, sem_a)

        pltpu.make_async_copy(z_hbm.at[sidx_v.at[j + 1]], rows_b, sem_b).wait()
        pltpu.sync_copy(rows_b, acc_sh.at[didx_v.at[j + 1]], add=True)
        return 0
    lax.fori_loop(0, NCH // 2, chunk2, 0)
    plsc.subcore_barrier()

    pltpu.sync_copy(acc_sh.at[pl.ds(s * SR, SR)],
                    out_hbm.at[pl.ds(c * NH + s * SR, SR)])


@functools.cache
def _edge_kernel():
    return pl.kernel(
        _edge_body,
        out_type=jax.ShapeDtypeStruct((2 * NH, D), jnp.float32),
        mesh=_sc_mesh(),
        scratch_types=[
            pltpu.VMEM_SHARED((NHT, D), jnp.float32),
            pltpu.VMEM((NCH, CH), jnp.int32),
            pltpu.VMEM((NCH, CH), jnp.int32),
            pltpu.VMEM((CH, D), jnp.float32),
            pltpu.VMEM((CH, D), jnp.float32),
            pltpu.SemaphoreType.DMA,
            pltpu.SemaphoreType.DMA,
        ],
    )



def _tc_head_body(deg_ref, x_ref, w_ref, dinv_ref, z_ref):
    deg = deg_ref[0:N, 0:1] + 1.0
    dinv = lax.rsqrt(deg)
    hw = jnp.dot(x_ref[...], w_ref[...], preferred_element_type=jnp.float32)
    dinv_ref[...] = dinv
    z_ref[...] = hw * dinv


def _tc_head(deg, x, w):
    return pl.pallas_call(
        _tc_head_body,
        out_shape=(jax.ShapeDtypeStruct((N, 1), jnp.float32),
                   jax.ShapeDtypeStruct((N, D), jnp.float32)),
    )(deg, x, w)


def _tc_mid_body(s_ref, z_ref, dinv_ref, b_ref, w_ref, zn_ref):
    dinv = dinv_ref[...]
    h = jnp.tanh((s_ref[0:N, :] + z_ref[...]) * dinv + b_ref[...])
    hw = jnp.dot(h, w_ref[...], preferred_element_type=jnp.float32)
    zn_ref[...] = hw * dinv


def _tc_mid(s, z, dinv, b, w):
    return pl.pallas_call(
        _tc_mid_body,
        out_shape=jax.ShapeDtypeStruct((N, D), jnp.float32),
    )(s, z, dinv, b, w)


def _tc_tail_body(s_ref, z_ref, dinv_ref, b_ref, batch_ref,
                  fc1w_ref, fc1b_ref, fc2w_ref, fc2b_ref, fc3w_ref, fc3b_ref,
                  out_ref):
    h = jnp.tanh((s_ref[0:N, :] + z_ref[...]) * dinv_ref[...] + b_ref[...])
    t = jnp.tanh(jnp.dot(h, fc1w_ref[...],
                         preferred_element_type=jnp.float32) + fc1b_ref[...])
    t = jnp.tanh(jnp.dot(t, fc2w_ref[...],
                         preferred_element_type=jnp.float32) + fc2b_ref[...])
    y = jnp.dot(t, fc3w_ref[...],
                preferred_element_type=jnp.float32) + fc3b_ref[...]
    b_ids = batch_ref[...]
    gids = lax.broadcasted_iota(jnp.int32, (G, N), 0)
    mask = (b_ids[None, :] == gids).astype(jnp.float32)
    ssum = jnp.dot(mask, y, preferred_element_type=jnp.float32)
    cnt = jnp.sum(mask, axis=1, keepdims=True)
    out_ref[...] = jax.nn.sigmoid(ssum / jnp.maximum(cnt, 1.0))


def _tc_tail(s, z, dinv, b, batch, fc1w, fc1b, fc2w, fc2b, fc3w, fc3b):
    return pl.pallas_call(
        _tc_tail_body,
        out_shape=jax.ShapeDtypeStruct((G, 1), jnp.float32),
    )(s, z, dinv, b, batch, fc1w, fc1b, fc2w, fc2b, fc3w, fc3b)



def kernel(x, edge_index, batch, W_in, b_in, W_h0, b_h0, W_h1, b_h1,
           fc1_W, fc1_b, fc2_W, fc2_b, fc3_W, fc3_b):
    src = edge_index[0]
    dst = edge_index[1]
    src3 = src.reshape(NS, NCH, CH)
    dst3 = dst.reshape(NS, NCH, CH)

    deg16 = _deg_kernel()(dst3)
    dinv, z0 = _tc_head(deg16[:, 0:1], x, W_in)

    s0 = _edge_kernel()(z0, src3, dst3)
    z1 = _tc_mid(s0, z0, dinv, b_in.reshape(1, D), W_h0)

    s1 = _edge_kernel()(z1, src3, dst3)
    z2 = _tc_mid(s1, z1, dinv, b_h0.reshape(1, D), W_h1)

    s2 = _edge_kernel()(z2, src3, dst3)
    return _tc_tail(s2, z2, dinv, b_h1.reshape(1, D), batch,
                    fc1_W, fc1_b.reshape(1, D), fc2_W, fc2_b.reshape(1, 32),
                    fc3_W, fc3_b.reshape(1, 1))

# --- scband reference (transcript-rebuilt; emitter-appended) ---
"""Pipeline reference for scband-pair-rank-gnn-26044681683635 (READ-ONLY COPY).

The authoritative reference and input builder live on the scoring server;
editing this copy changes nothing except your own understanding.
"""

import jax, jax.numpy as jnp
import numpy as np

N = 10000
E = 320000
D = 128
U = 128
G = 64


def setup_inputs(seed: int = 0) -> dict:
    key = jax.random.key(seed)
    ks = jax.random.split(key, 16)
    x = jax.random.normal(ks[0], (N, D), dtype=jnp.float32)
    edge_index = jax.random.randint(ks[1], (2, E), 0, N, dtype=jnp.int32)
    batch = jnp.sort(jax.random.randint(ks[2], (N,), 0, G, dtype=jnp.int32))
    s_d = 1.0 / np.sqrt(D)
    s_u = 1.0 / np.sqrt(U)
    s_32 = 1.0 / np.sqrt(32)
    return {
        "x": x,
        "edge_index": edge_index,
        "batch": batch,
        "W_in": jax.random.normal(ks[3], (D, U), dtype=jnp.float32) * s_d,
        "b_in": jnp.zeros((U,), jnp.float32),
        "W_h0": jax.random.normal(ks[4], (U, U), dtype=jnp.float32) * s_u,
        "b_h0": jnp.zeros((U,), jnp.float32),
        "W_h1": jax.random.normal(ks[5], (U, U), dtype=jnp.float32) * s_u,
        "b_h1": jnp.zeros((U,), jnp.float32),
        "fc1_W": jax.random.normal(ks[6], (U, U), dtype=jnp.float32) * s_u,
        "fc1_b": jnp.zeros((U,), jnp.float32),
        "fc2_W": jax.random.normal(ks[7], (U, 32), dtype=jnp.float32) * s_u,
        "fc2_b": jnp.zeros((32,), jnp.float32),
        "fc3_W": jax.random.normal(ks[8], (32, 1), dtype=jnp.float32) * s_32,
        "fc3_b": jnp.zeros((1,), jnp.float32),
    }


def reference(x, edge_index, batch, W_in, b_in, W_h0, b_h0, W_h1, b_h1,
              fc1_W, fc1_b, fc2_W, fc2_b, fc3_W, fc3_b):
    # GCNConv (PyG semantics): add self loops, symmetric D^-1/2 (A+I) D^-1/2 X W + b
    loop = jnp.arange(N, dtype=edge_index.dtype)
    src = jnp.concatenate([edge_index[0], loop])
    dst = jnp.concatenate([edge_index[1], loop])
    deg = jnp.zeros((N,), jnp.float32).at[dst].add(1.0)
    dinv = jnp.where(deg > 0, 1.0 / jnp.sqrt(deg), 0.0)
    norm = dinv[src] * dinv[dst]

    def gcn(h, W, b):
        hw = h @ W
        msg = hw[src] * norm[:, None]
        out = jnp.zeros((N, W.shape[1]), jnp.float32).at[dst].add(msg)
        return out + b

    h = jnp.tanh(gcn(x, W_in, b_in))
    # model_layers - 1 = 2 hidden convs; dropout is identity at inference
    h = jnp.tanh(gcn(h, W_h0, b_h0))
    h = jnp.tanh(gcn(h, W_h1, b_h1))
    h = jnp.tanh(h @ fc1_W + fc1_b)
    h = jnp.tanh(h @ fc2_W + fc2_b)
    h = h @ fc3_W + fc3_b
    seg_sum = jax.ops.segment_sum(h, batch, num_segments=G)
    cnt = jax.ops.segment_sum(jnp.ones((N, 1), jnp.float32), batch, num_segments=G)
    pooled = seg_sum / jnp.maximum(cnt, 1.0)  # global_mean_pool
    return jax.nn.sigmoid(pooled)

if __name__ == "__main__":
    import jax
    _d = setup_inputs()
    print(jax.jit(kernel)(*tuple(_d.values())))

</pallas_src>

<mosaic_0001>
#map = affine_map<(d0, d1) -> (0, 0, 0)>
#map1 = affine_map<(d0, d1) -> (0, 0)>
module attributes {stable_mosaic.version = 14 : i64} {
  func.func @_deg_body(%arg0: i32, %arg1: i32, %arg2: memref<16x250x80xi32, #tpu.memory_space<hbm>>, %arg3: memref<10240x16xf32, #tpu.memory_space<hbm>>, %arg4: memref<5128x16xf32, #tpu.memory_space<vmem_shared>>, %arg5: memref<250x80xi32, #tpu.memory_space<vmem>>, %arg6: memref<80x16xf32, #tpu.memory_space<vmem>>, %arg7: memref<320x16xf32, #tpu.memory_space<vmem>>, %arg8: memref<!tpu.dma_semaphore, #tpu.memory_space<semaphore_mem>>) attributes {dimension_semantics = [#tpu.dimension_semantics<core_parallel>, #tpu.dimension_semantics<subcore_parallel>], iteration_bounds = array<i64: 2, 16>, scalar_prefetch = 0 : i64, scratch_operands = 5 : i64, tpu.core_type = #tpu.core_type<sc_vector_subcore>, window_params = [{transform_indices = #map}, {transform_indices = #map1}]} {
    %broadcast_in_dim3A = arith.constant 1.000000e+00 : f32
    %broadcast_in_dim3A_0 = vector.broadcast %broadcast_in_dim3A : f32 to vector<16xf32>
    %broadcast_in_dim3A_1 = arith.constant 0.000000e+00 : f32
    %broadcast_in_dim3A_2 = vector.broadcast %broadcast_in_dim3A_1 : f32 to vector<16xf32>
    %scan3A = arith.constant 0 : i32
    %scan3A_3 = arith.constant 0 : i32
    %scan3A_4 = arith.constant 80 : i32
    %scan3A_5 = arith.addi %scan3A_3, %scan3A_4 : i32
    %scan3A_6 = arith.constant 1 : i32
    %scan3A_7 = scf.for %scan3A_49 = %scan3A_3 to %scan3A_5 step %scan3A_6 iter_args(%scan3A_50 = %scan3A) -> (i32)  : i32 {
      %swap3A = arith.index_cast %scan3A_49 : i32 to index
      %swap3A_51 = arith.constant 0 : index
      %swap3A_52 = tpu.vector_load %arg6[%swap3A, %swap3A_51] {strides = array<i32>} : memref<80x16xf32, #tpu.memory_space<vmem>>, vector<1x16xf32>,
      %swap3A_53 = vector.shape_cast %swap3A_52 : vector<1x16xf32> to vector<16xf32>
      %swap3A_54 = vector.shape_cast %broadcast_in_dim3A_0 : vector<16xf32> to vector<1x16xf32>
      tpu.vector_store %arg6[%swap3A, %swap3A_51], %swap3A_54 {strides = array<i32>} : memref<80x16xf32, #tpu.memory_space<vmem>>, vector<1x16xf32>,
      %scan3A_55 = arith.constant 0 : i32
      scf.yield %scan3A_55 : i32
    }
    %scan3A_8 = arith.constant 80 : i32
    %scan3A_9 = arith.constant 0 : i32
    %scan3A_10 = arith.constant 0 : i32
    %scan3A_11 = arith.constant 320 : i32
    %scan3A_12 = arith.addi %scan3A_10, %scan3A_11 : i32
    %scan3A_13 = arith.constant 1 : i32
    %scan3A_14 = scf.for %scan3A_49 = %scan3A_10 to %scan3A_12 step %scan3A_13 iter_args(%scan3A_50 = %scan3A_9) -> (i32)  : i32 {
      %swap3A = arith.index_cast %scan3A_49 : i32 to index
      %swap3A_51 = arith.constant 0 : index
      %swap3A_52 = tpu.vector_load %arg7[%swap3A, %swap3A_51] {strides = array<i32>} : memref<320x16xf32, #tpu.memory_space<vmem>>, vector<1x16xf32>,
      %swap3A_53 = vector.shape_cast %swap3A_52 : vector<1x16xf32> to vector<16xf32>
      %swap3A_54 = vector.shape_cast %broadcast_in_dim3A_2 : vector<16xf32> to vector<1x16xf32>
      tpu.vector_store %arg7[%swap3A, %swap3A_51], %swap3A_54 {strides = array<i32>} : memref<320x16xf32, #tpu.memory_space<vmem>>, vector<1x16xf32>,
      %scan3A_55 = arith.constant 0 : i32
      scf.yield %scan3A_55 : i32
    }
    %scan3A_15 = arith.constant 320 : i32
    %mul3A = arith.constant 320 : i32
    %mul3A_16 = arith.muli %arg1, %mul3A : i32
    "tpu.region"() ({
      %run_scoped3A = tpu.sem_alloc : memref<!tpu.dma_semaphore, #tpu.memory_space<semaphore_mem>>
      %dma_start3A = arith.constant 0 : i32
      %dma_start3A_49 = tpu.memref_slice %arg4[%mul3A_16, %dma_start3A] : memref<5128x16xf32, #tpu.memory_space<vmem_shared>> -> memref<320x16xf32, #tpu.memory_space<vmem_shared>>
      %dma_start3A_50 = arith.constant 0 : i32
      %dma_start3A_51 = tpu.memref_slice %arg4[%mul3A_16, %dma_start3A_50] : memref<5128x16xf32, #tpu.memory_space<vmem_shared>> -> memref<320x16xf32, #tpu.memory_space<vmem_shared>>
      tpu.enqueue_dma source(%arg7 : memref<320x16xf32, #tpu.memory_space<vmem>>) target(%dma_start3A_51 : memref<320x16xf32, #tpu.memory_space<vmem_shared>>) target_semaphore(%run_scoped3A : memref<!tpu.dma_semaphore, #tpu.memory_space<semaphore_mem>>)
      %dma_wait3A = arith.constant 0 : i32
      %dma_wait3A_52 = tpu.memref_slice %arg4[%mul3A_16, %dma_wait3A] : memref<5128x16xf32, #tpu.memory_space<vmem_shared>> -> memref<320x16xf32, #tpu.memory_space<vmem_shared>>
      %dma_wait3A_53 = arith.constant 0 : i32
      %dma_wait3A_54 = tpu.memref_slice %arg4[%mul3A_16, %dma_wait3A_53] : memref<5128x16xf32, #tpu.memory_space<vmem_shared>> -> memref<320x16xf32, #tpu.memory_space<vmem_shared>>
      tpu.wait_dma2 semaphore(%run_scoped3A : memref<!tpu.dma_semaphore, #tpu.memory_space<semaphore_mem>>) src(%arg7 : memref<320x16xf32, #tpu.memory_space<vmem>>) dst(%dma_wait3A_54 : memref<320x16xf32, #tpu.memory_space<vmem_shared>>)
      tpu.yield
    }) : () -> ()
    %eq3A = arith.constant 15 : i32
    %eq3A_17 = arith.cmpi eq, %arg1, %eq3A : i32
    %convert_element_type3A = arith.extui %eq3A_17 : i1 to i32
    %cond3A = arith.constant 0 : i32
    %cond3A_18 = arith.cmpi ne, %convert_element_type3A, %cond3A : i32
    scf.if %cond3A_18 {
      "tpu.region"() ({
        %run_scoped3A = tpu.sem_alloc : memref<!tpu.dma_semaphore, #tpu.memory_space<semaphore_mem>>
        %dma_start3A = arith.constant 0 : i32
        %dma_start3A_49 = arith.constant 0 : i32
        %dma_start3A_50 = tpu.memref_slice %arg7[%dma_start3A, %dma_start3A_49] : memref<320x16xf32, #tpu.memory_space<vmem>> -> memref<8x16xf32, #tpu.memory_space<vmem>>
        %dma_start3A_51 = arith.constant 5120 : i32
        %dma_start3A_52 = arith.constant 0 : i32
        %dma_start3A_53 = tpu.memref_slice %arg4[%dma_start3A_51, %dma_start3A_52] : memref<5128x16xf32, #tpu.memory_space<vmem_shared>> -> memref<8x16xf32, #tpu.memory_space<vmem_shared>>
        %dma_start3A_54 = arith.constant 5120 : i32
        %dma_start3A_55 = arith.constant 0 : i32
        %dma_start3A_56 = tpu.memref_slice %arg4[%dma_start3A_54, %dma_start3A_55] : memref<5128x16xf32, #tpu.memory_space<vmem_shared>> -> memref<8x16xf32, #tpu.memory_space<vmem_shared>>
        %dma_start3A_57 = arith.constant 0 : i32
        %dma_start3A_58 = arith.constant 0 : i32
        %dma_start3A_59 = tpu.memref_slice %arg7[%dma_start3A_57, %dma_start3A_58] : memref<320x16xf32, #tpu.memory_space<vmem>> -> memref<8x16xf32, #tpu.memory_space<vmem>>
        tpu.enqueue_dma source(%dma_start3A_59 : memref<8x16xf32, #tpu.memory_space<vmem>>) target(%dma_start3A_56 : memref<8x16xf32, #tpu.memory_space<vmem_shared>>) target_semaphore(%run_scoped3A : memref<!tpu.dma_semaphore, #tpu.memory_space<semaphore_mem>>)
        %dma_wait3A = arith.constant 0 : i32
        %dma_wait3A_60 = arith.constant 0 : i32
        %dma_wait3A_61 = tpu.memref_slice %arg7[%dma_wait3A, %dma_wait3A_60] : memref<320x16xf32, #tpu.memory_space<vmem>> -> memref<8x16xf32, #tpu.memory_space<vmem>>
        %dma_wait3A_62 = arith.constant 5120 : i32
        %dma_wait3A_63 = arith.constant 0 : i32
        %dma_wait3A_64 = tpu.memref_slice %arg4[%dma_wait3A_62, %dma_wait3A_63] : memref<5128x16xf32, #tpu.memory_space<vmem_shared>> -> memref<8x16xf32, #tpu.memory_space<vmem_shared>>
        %dma_wait3A_65 = arith.constant 5120 : i32
        %dma_wait3A_66 = arith.constant 0 : i32
        %dma_wait3A_67 = tpu.memref_slice %arg4[%dma_wait3A_65, %dma_wait3A_66] : memref<5128x16xf32, #tpu.memory_space<vmem_shared>> -> memref<8x16xf32, #tpu.memory_space<vmem_shared>>
        %dma_wait3A_68 = arith.constant 0 : i32
        %dma_wait3A_69 = arith.constant 0 : i32
        %dma_wait3A_70 = tpu.memref_slice %arg7[%dma_wait3A_68, %dma_wait3A_69] : memref<320x16xf32, #tpu.memory_space<vmem>> -> memref<8x16xf32, #tpu.memory_space<vmem>>
        tpu.wait_dma2 semaphore(%run_scoped3A : memref<!tpu.dma_semaphore, #tpu.memory_space<semaphore_mem>>) src(%dma_wait3A_70 : memref<8x16xf32, #tpu.memory_space<vmem>>) dst(%dma_wait3A_67 : memref<8x16xf32, #tpu.memory_space<vmem_shared>>)
        tpu.yield
      }) : () -> ()
    } else {
    }
    "tpu.region"() ({
      %run_scoped3A = tpu.sem_alloc : memref<!tpu.dma_semaphore, #tpu.memory_space<semaphore_mem>>
      %dma_start3A = arith.constant 0 : i32
      %dma_start3A_49 = arith.constant 0 : i32
      %dma_start3A_50 = tpu.memref_slice %arg2[%arg1, %dma_start3A, %dma_start3A_49] : memref<16x250x80xi32, #tpu.memory_space<hbm>> -> memref<1x250x80xi32, #tpu.memory_space<hbm>>
      %dma_start3A_51 = tpu.memref_squeeze %dma_start3A_50 : memref<1x250x80xi32, #tpu.memory_space<hbm>> -> memref<250x80xi32, #tpu.memory_space<hbm>>
      %dma_start3A_52 = arith.constant 0 : i32
      %dma_start3A_53 = arith.constant 0 : i32
      %dma_start3A_54 = tpu.memref_slice %arg2[%arg1, %dma_start3A_52, %dma_start3A_53] : memref<16x250x80xi32, #tpu.memory_space<hbm>> -> memref<1x250x80xi32, #tpu.memory_space<hbm>>
      %dma_start3A_55 = tpu.memref_squeeze %dma_start3A_54 : memref<1x250x80xi32, #tpu.memory_space<hbm>> -> memref<250x80xi32, #tpu.memory_space<hbm>>
      tpu.enqueue_dma source(%dma_start3A_55 : memref<250x80xi32, #tpu.memory_space<hbm>>) target(%arg5 : memref<250x80xi32, #tpu.memory_space<vmem>>) target_semaphore(%run_scoped3A : memref<!tpu.dma_semaphore, #tpu.memory_space<semaphore_mem>>)
      %dma_wait3A = arith.constant 0 : i32
      %dma_wait3A_56 = arith.constant 0 : i32
      %dma_wait3A_57 = tpu.memref_slice %arg2[%arg1, %dma_wait3A, %dma_wait3A_56] : memref<16x250x80xi32, #tpu.memory_space<hbm>> -> memref<1x250x80xi32, #tpu.memory_space<hbm>>
      %dma_wait3A_58 = tpu.memref_squeeze %dma_wait3A_57 : memref<1x250x80xi32, #tpu.memory_space<hbm>> -> memref<250x80xi32, #tpu.memory_space<hbm>>
      %dma_wait3A_59 = arith.constant 0 : i32
      %dma_wait3A_60 = arith.constant 0 : i32
      %dma_wait3A_61 = tpu.memref_slice %arg2[%arg1, %dma_wait3A_59, %dma_wait3A_60] : memref<16x250x80xi32, #tpu.memory_space<hbm>> -> memref<1x250x80xi32, #tpu.memory_space<hbm>>
      %dma_wait3A_62 = tpu.memref_squeeze %dma_wait3A_61 : memref<1x250x80xi32, #tpu.memory_space<hbm>> -> memref<250x80xi32, #tpu.memory_space<hbm>>
      tpu.wait_dma2 semaphore(%run_scoped3A : memref<!tpu.dma_semaphore, #tpu.memory_space<semaphore_mem>>) src(%dma_wait3A_62 : memref<250x80xi32, #tpu.memory_space<hbm>>) dst(%arg5 : memref<250x80xi32, #tpu.memory_space<vmem>>)
      tpu.yield
    }) : () -> ()
    %mul3A_19 = arith.constant 5120 : i32
    %mul3A_20 = arith.muli %arg0, %mul3A_19 : i32
    %scan3A_21 = arith.constant 0 : i32
    %scan3A_22 = arith.constant 0 : i32
    %scan3A_23 = arith.constant 250 : i32
    %scan3A_24 = arith.addi %scan3A_22, %scan3A_23 : i32
    %scan3A_25 = arith.constant 1 : i32
    %scan3A_26 = scf.for %scan3A_49 = %scan3A_22 to %scan3A_24 step %scan3A_25 iter_args(%scan3A_50 = %scan3A_21) -> (i32)  : i32 {
      %get3A = arith.index_cast %scan3A_49 : i32 to index
      %get3A_51 = arith.constant 0 : index
      %get3A_52 = tpu.vector_load %arg5[%get3A, %get3A_51] {strides = array<i32>} : memref<250x80xi32, #tpu.memory_space<vmem>>, vector<1x16xi32>,
      %get3A_53 = vector.shape_cast %get3A_52 : vector<1x16xi32> to vector<16xi32>
      %sub3A = vector.broadcast %mul3A_20 : i32 to vector<16xi32>
      %sub3A_54 = arith.subi %get3A_53, %sub3A : vector<16xi32>
      %ge3A = arith.constant 0 : i32
      %ge3A_55 = vector.broadcast %ge3A : i32 to vector<16xi32>
      %ge3A_56 = arith.cmpi sge, %sub3A_54, %ge3A_55 : vector<16xi32>
      %lt3A = arith.constant 5120 : i32
      %lt3A_57 = vector.broadcast %lt3A : i32 to vector<16xi32>
      %lt3A_58 = arith.cmpi slt, %sub3A_54, %lt3A_57 : vector<16xi32>
      %and3A = arith.andi %ge3A_56, %lt3A_58 : vector<16xi1>
      %jit3A = arith.constant 5120 : i32
      %broadcast_in_dim3A_59 = vector.broadcast %jit3A : i32 to vector<16xi32>
      %select_n3A = arith.select %and3A, %sub3A_54, %broadcast_in_dim3A_59 : vector<16xi1>, vector<16xi32>
      %swap3A = arith.index_cast %scan3A_49 : i32 to index
      %swap3A_60 = arith.constant 0 : index
      %swap3A_61 = tpu.vector_load %arg5[%swap3A, %swap3A_60] {strides = array<i32>} : memref<250x80xi32, #tpu.memory_space<vmem>>, vector<1x16xi32>,
      %swap3A_62 = vector.shape_cast %swap3A_61 : vector<1x16xi32> to vector<16xi32>
      %swap3A_63 = vector.shape_cast %select_n3A : vector<16xi32> to vector<1x16xi32>
      tpu.vector_store %arg5[%swap3A, %swap3A_60], %swap3A_63 {strides = array<i32>} : memref<250x80xi32, #tpu.memory_space<vmem>>, vector<1x16xi32>,
      %get3A_64 = arith.index_cast %scan3A_49 : i32 to index
      %get3A_65 = arith.constant 16 : index
      %get3A_66 = tpu.vector_load %arg5[%get3A_64, %get3A_65] {strides = array<i32>} : memref<250x80xi32, #tpu.memory_space<vmem>>, vector<1x16xi32>,
      %get3A_67 = vector.shape_cast %get3A_66 : vector<1x16xi32> to vector<16xi32>
      %sub3A_68 = vector.broadcast %mul3A_20 : i32 to vector<16xi32>
      %sub3A_69 = arith.subi %get3A_67, %sub3A_68 : vector<16xi32>
      %ge3A_70 = arith.constant 0 : i32
      %ge3A_71 = vector.broadcast %ge3A_70 : i32 to vector<16xi32>
      %ge3A_72 = arith.cmpi sge, %sub3A_69, %ge3A_71 : vector<16xi32>
      %lt3A_73 = arith.constant 5120 : i32
      %lt3A_74 = vector.broadcast %lt3A_73 : i32 to vector<16xi32>
      %lt3A_75 = arith.cmpi slt, %sub3A_69, %lt3A_74 : vector<16xi32>
      %and3A_76 = arith.andi %ge3A_72, %lt3A_75 : vector<16xi1>
      %jit3A_77 = arith.constant 5120 : i32
      %broadcast_in_dim3A_78 = vector.broadcast %jit3A_77 : i32 to vector<16xi32>
      %select_n3A_79 = arith.select %and3A_76, %sub3A_69, %broadcast_in_dim3A_78 : vector<16xi1>, vector<16xi32>
      %swap3A_80 = arith.index_cast %scan3A_49 : i32 to index
      %swap3A_81 = arith.constant 16 : index
      %swap3A_82 = tpu.vector_load %arg5[%swap3A_80, %swap3A_81] {strides = array<i32>} : memref<250x80xi32, #tpu.memory_space<vmem>>, vector<1x16xi32>,
      %swap3A_83 = vector.shape_cast %swap3A_82 : vector<1x16xi32> to vector<16xi32>
      %swap3A_84 = vector.shape_cast %select_n3A_79 : vector<16xi32> to vector<1x16xi32>
      tpu.vector_store %arg5[%swap3A_80, %swap3A_81], %swap3A_84 {strides = array<i32>} : memref<250x80xi32, #tpu.memory_space<vmem>>, vector<1x16xi32>,
      %get3A_85 = arith.index_cast %scan3A_49 : i32 to index
      %get3A_86 = arith.constant 32 : index
      %get3A_87 = tpu.vector_load %arg5[%get3A_85, %get3A_86] {strides = array<i32>} : memref<250x80xi32, #tpu.memory_space<vmem>>, vector<1x16xi32>,
      %get3A_88 = vector.shape_cast %get3A_87 : vector<1x16xi32> to vector<16xi32>
      %sub3A_89 = vector.broadcast %mul3A_20 : i32 to vector<16xi32>
      %sub3A_90 = arith.subi %get3A_88, %sub3A_89 : vector<16xi32>
      %ge3A_91 = arith.constant 0 : i32
      %ge3A_92 = vector.broadcast %ge3A_91 : i32 to vector<16xi32>
      %ge3A_93 = arith.cmpi sge, %sub3A_90, %ge3A_92 : vector<16xi32>
      %lt3A_94 = arith.constant 5120 : i32
      %lt3A_95 = vector.broadcast %lt3A_94 : i32 to vector<16xi32>
      %lt3A_96 = arith.cmpi slt, %sub3A_90, %lt3A_95 : vector<16xi32>
      %and3A_97 = arith.andi %ge3A_93, %lt3A_96 : vector<16xi1>
      %jit3A_98 = arith.constant 5120 : i32
      %broadcast_in_dim3A_99 = vector.broadcast %jit3A_98 : i32 to vector<16xi32>
      %select_n3A_100 = arith.select %and3A_97, %sub3A_90, %broadcast_in_dim3A_99 : vector<16xi1>, vector<16xi32>
      %swap3A_101 = arith.index_cast %scan3A_49 : i32 to index
      %swap3A_102 = arith.constant 32 : index
      %swap3A_103 = tpu.vector_load %arg5[%swap3A_101, %swap3A_102] {strides = array<i32>} : memref<250x80xi32, #tpu.memory_space<vmem>>, vector<1x16xi32>,
      %swap3A_104 = vector.shape_cast %swap3A_103 : vector<1x16xi32> to vector<16xi32>
      %swap3A_105 = vector.shape_cast %select_n3A_100 : vector<16xi32> to vector<1x16xi32>
      tpu.vector_store %arg5[%swap3A_101, %swap3A_102], %swap3A_105 {strides = array<i32>} : memref<250x80xi32, #tpu.memory_space<vmem>>, vector<1x16xi32>,
      %get3A_106 = arith.index_cast %scan3A_49 : i32 to index
      %get3A_107 = arith.constant 48 : index
      %get3A_108 = tpu.vector_load %arg5[%get3A_106, %get3A_107] {strides = array<i32>} : memref<250x80xi32, #tpu.memory_space<vmem>>, vector<1x16xi32>,
      %get3A_109 = vector.shape_cast %get3A_108 : vector<1x16xi32> to vector<16xi32>
      %sub3A_110 = vector.broadcast %mul3A_20 : i32 to vector<16xi32>
      %sub3A_111 = arith.subi %get3A_109, %sub3A_110 : vector<16xi32>
      %ge3A_112 = arith.constant 0 : i32
      %ge3A_113 = vector.broadcast %ge3A_112 : i32 to vector<16xi32>
      %ge3A_114 = arith.cmpi sge, %sub3A_111, %ge3A_113 : vector<16xi32>
      %lt3A_115 = arith.constant 5120 : i32
      %lt3A_116 = vector.broadcast %lt3A_115 : i32 to vector<16xi32>
      %lt3A_117 = arith.cmpi slt, %sub3A_111, %lt3A_116 : vector<16xi32>
      %and3A_118 = arith.andi %ge3A_114, %lt3A_117 : vector<16xi1>
      %jit3A_119 = arith.constant 5120 : i32
      %broadcast_in_dim3A_120 = vector.broadcast %jit3A_119 : i32 to vector<16xi32>
      %select_n3A_121 = arith.select %and3A_118, %sub3A_111, %broadcast_in_dim3A_120 : vector<16xi1>, vector<16xi32>
      %swap3A_122 = arith.index_cast %scan3A_49 : i32 to index
      %swap3A_123 = arith.constant 48 : index
      %swap3A_124 = tpu.vector_load %arg5[%swap3A_122, %swap3A_123] {strides = array<i32>} : memref<250x80xi32, #tpu.memory_space<vmem>>, vector<1x16xi32>,
      %swap3A_125 = vector.shape_cast %swap3A_124 : vector<1x16xi32> to vector<16xi32>
      %swap3A_126 = vector.shape_cast %select_n3A_121 : vector<16xi32> to vector<1x16xi32>
      tpu.vector_store %arg5[%swap3A_122, %swap3A_123], %swap3A_126 {strides = array<i32>} : memref<250x80xi32, #tpu.memory_space<vmem>>, vector<1x16xi32>,
      %get3A_127 = arith.index_cast %scan3A_49 : i32 to index
      %get3A_128 = arith.constant 64 : index
      %get3A_129 = tpu.vector_load %arg5[%get3A_127, %get3A_128] {strides = array<i32>} : memref<250x80xi32, #tpu.memory_space<vmem>>, vector<1x16xi32>,
      %get3A_130 = vector.shape_cast %get3A_129 : vector<1x16xi32> to vector<16xi32>
      %sub3A_131 = vector.broadcast %mul3A_20 : i32 to vector<16xi32>
      %sub3A_132 = arith.subi %get3A_130, %sub3A_131 : vector<16xi32>
      %ge3A_133 = arith.constant 0 : i32
      %ge3A_134 = vector.broadcast %ge3A_133 : i32 to vector<16xi32>
      %ge3A_135 = arith.cmpi sge, %sub3A_132, %ge3A_134 : vector<16xi32>
      %lt3A_136 = arith.constant 5120 : i32
      %lt3A_137 = vector.broadcast %lt3A_136 : i32 to vector<16xi32>
      %lt3A_138 = arith.cmpi slt, %sub3A_132, %lt3A_137 : vector<16xi32>
      %and3A_139 = arith.andi %ge3A_135, %lt3A_138 : vector<16xi1>
      %jit3A_140 = arith.constant 5120 : i32
      %broadcast_in_dim3A_141 = vector.broadcast %jit3A_140 : i32 to vector<16xi32>
      %select_n3A_142 = arith.select %and3A_139, %sub3A_132, %broadcast_in_dim3A_141 : vector<16xi1>, vector<16xi32>
      %swap3A_143 = arith.index_cast %scan3A_49 : i32 to index
      %swap3A_144 = arith.constant 64 : index
      %swap3A_145 = tpu.vector_load %arg5[%swap3A_143, %swap3A_144] {strides = array<i32>} : memref<250x80xi32, #tpu.memory_space<vmem>>, vector<1x16xi32>,
      %swap3A_146 = vector.shape_cast %swap3A_145 : vector<1x16xi32> to vector<16xi32>
      %swap3A_147 = vector.shape_cast %select_n3A_142 : vector<16xi32> to vector<1x16xi32>
      tpu.vector_store %arg5[%swap3A_143, %swap3A_144], %swap3A_147 {strides = array<i32>} : memref<250x80xi32, #tpu.memory_space<vmem>>, vector<1x16xi32>,
      %scan3A_148 = arith.constant 0 : i32
      scf.yield %scan3A_148 : i32
    }
    %scan3A_27 = arith.constant 250 : i32
    %barrier3A = arith.constant 0 : index
    tpu.barrier barrier_id(%barrier3A)
    %scan3A_28 = arith.constant 0 : i32
    %scan3A_29 = arith.constant 0 : i32
    %scan3A_30 = arith.constant 250 : i32
    %scan3A_31 = arith.addi %scan3A_29, %scan3A_30 : i32
    %scan3A_32 = arith.constant 1 : i32
    %scan3A_33 = scf.for %scan3A_49 = %scan3A_29 to %scan3A_31 step %scan3A_32 iter_args(%scan3A_50 = %scan3A_28) -> (i32)  : i32 {
      %dma_start3A = arith.constant 0 : i32
      %dma_start3A_51 = tpu.memref_slice %arg5[%scan3A_49, %dma_start3A] : memref<250x80xi32, #tpu.memory_space<vmem>> -> memref<1x80xi32, #tpu.memory_space<vmem>>
      %dma_start3A_52 = tpu.memref_squeeze %dma_start3A_51 : memref<1x80xi32, #tpu.memory_space<vmem>> -> memref<80xi32, #tpu.memory_space<vmem>>
      %dma_start3A_53 = arith.constant 0 : i32
      %dma_start3A_54 = arith.constant 0 : i32
      %dma_start3A_55 = tpu.memref_slice %arg4[%dma_start3A_53, %dma_start3A_54] : memref<5128x16xf32, #tpu.memory_space<vmem_shared>> -> memref<5128x16xf32, #tpu.memory_space<vmem_shared>>
      tpu.enqueue_indirect_dma source(%arg6 : memref<80x16xf32, #tpu.memory_space<vmem>>) target(%dma_start3A_55 : memref<5128x16xf32, #tpu.memory_space<vmem_shared>>) offsets(%dma_start3A_52 : memref<80xi32, #tpu.memory_space<vmem>>) semaphore(%arg8 : memref<!tpu.dma_semaphore, #tpu.memory_space<semaphore_mem>>) {add = true}
      %scan3A_56 = arith.constant 0 : i32
      scf.yield %scan3A_56 : i32
    }
    %scan3A_34 = arith.constant 250 : i32
    %scan3A_35 = arith.constant 0 : i32
    %scan3A_36 = arith.constant 0 : i32
    %scan3A_37 = arith.constant 250 : i32
    %scan3A_38 = arith.addi %scan3A_36, %scan3A_37 : i32
    %scan3A_39 = arith.constant 1 : i32
    %scan3A_40 = scf.for %scan3A_49 = %scan3A_36 to %scan3A_38 step %scan3A_39 iter_args(%scan3A_50 = %scan3A_35) -> (i32)  : i32 {
      %dma_wait3A = arith.constant 0 : i32
      %dma_wait3A_51 = arith.constant 0 : i32
      %dma_wait3A_52 = tpu.memref_slice %arg5[%dma_wait3A, %dma_wait3A_51] : memref<250x80xi32, #tpu.memory_space<vmem>> -> memref<1x80xi32, #tpu.memory_space<vmem>>
      %dma_wait3A_53 = tpu.memref_squeeze %dma_wait3A_52 : memref<1x80xi32, #tpu.memory_space<vmem>> -> memref<80xi32, #tpu.memory_space<vmem>>
      %dma_wait3A_54 = arith.constant 0 : i32
      %dma_wait3A_55 = arith.constant 0 : i32
      %dma_wait3A_56 = tpu.memref_slice %arg4[%dma_wait3A_54, %dma_wait3A_55] : memref<5128x16xf32, #tpu.memory_space<vmem_shared>> -> memref<5128x16xf32, #tpu.memory_space<vmem_shared>>
      tpu.wait_indirect_dma semaphore(%arg8 : memref<!tpu.dma_semaphore, #tpu.memory_space<semaphore_mem>>) src(%arg6 : memref<80x16xf32, #tpu.memory_space<vmem>>) dst(%dma_wait3A_56 : memref<5128x16xf32, #tpu.memory_space<vmem_shared>>)
      %scan3A_57 = arith.constant 0 : i32
      scf.yield %scan3A_57 : i32
    }
    %scan3A_41 = arith.constant 250 : i32
    %barrier3A_42 = arith.constant 0 : index
    tpu.barrier barrier_id(%barrier3A_42)
    %mul3A_43 = arith.constant 320 : i32
    %mul3A_44 = arith.muli %arg1, %mul3A_43 : i32
    %mul3A_45 = arith.constant 5120 : i32
    %mul3A_46 = arith.muli %arg0, %mul3A_45 : i32
    %mul3A_47 = arith.constant 320 : i32
    %mul3A_48 = arith.muli %arg1, %mul3A_47 : i32
    %add3A = arith.addi %mul3A_46, %mul3A_48 : i32
    "tpu.region"() ({
      %run_scoped3A = tpu.sem_alloc : memref<!tpu.dma_semaphore, #tpu.memory_space<semaphore_mem>>
      %dma_start3A = arith.constant 0 : i32
      %dma_start3A_49 = tpu.memref_slice %arg3[%add3A, %dma_start3A] : memref<10240x16xf32, #tpu.memory_space<hbm>> -> memref<320x16xf32, #tpu.memory_space<hbm>>
      %dma_start3A_50 = arith.constant 0 : i32
      %dma_start3A_51 = tpu.memref_slice %arg4[%mul3A_44, %dma_start3A_50] : memref<5128x16xf32, #tpu.memory_space<vmem_shared>> -> memref<320x16xf32, #tpu.memory_space<vmem_shared>>
      tpu.enqueue_dma source(%dma_start3A_51 : memref<320x16xf32, #tpu.memory_space<vmem_shared>>) target(%dma_start3A_49 : memref<320x16xf32, #tpu.memory_space<hbm>>) target_semaphore(%run_scoped3A : memref<!tpu.dma_semaphore, #tpu.memory_space<semaphore_mem>>)
      %dma_wait3A = arith.constant 0 : i32
      %dma_wait3A_52 = tpu.memref_slice %arg3[%add3A, %dma_wait3A] : memref<10240x16xf32, #tpu.memory_space<hbm>> -> memref<320x16xf32, #tpu.memory_space<hbm>>
      %dma_wait3A_53 = arith.constant 0 : i32
      %dma_wait3A_54 = tpu.memref_slice %arg4[%mul3A_44, %dma_wait3A_53] : memref<5128x16xf32, #tpu.memory_space<vmem_shared>> -> memref<320x16xf32, #tpu.memory_space<vmem_shared>>
      tpu.wait_dma2 semaphore(%run_scoped3A : memref<!tpu.dma_semaphore, #tpu.memory_space<semaphore_mem>>) src(%dma_wait3A_54 : memref<320x16xf32, #tpu.memory_space<vmem_shared>>) dst(%dma_wait3A_52 : memref<320x16xf32, #tpu.memory_space<hbm>>)
      tpu.yield
    }) : () -> ()
    return
  }
}

#map = affine_map<(d0, d1) -> (0, 0)>
#map1 = affine_map<(d0, d1) -> (0, 0, 0)>
module attributes {stable_mosaic.version = 14 : i64} {
  func.func @_edge_body(%arg0: i32, %arg1: i32, %arg2: memref<10000x128xf32, #tpu.memory_space<hbm>>, %arg3: memref<16x250x80xi32, #tpu.memory_space<hbm>>, %arg4: memref<16x250x80xi32, #tpu.memory_space<hbm>>, %arg5: memref<10240x128xf32, #tpu.memory_space<hbm>>, %arg6: memref<5128x128xf32, #tpu.memory_space<vmem_shared>>, %arg7: memref<250x80xi32, #tpu.memory_space<vmem>>, %arg8: memref<250x80xi32, #tpu.memory_space<vmem>>, %arg9: memref<80x128xf32, #tpu.memory_space<vmem>>, %arg10: memref<80x128xf32, #tpu.memory_space<vmem>>, %arg11: memref<!tpu.dma_semaphore, #tpu.memory_space<semaphore_mem>>, %arg12: memref<!tpu.dma_semaphore, #tpu.memory_space<semaphore_mem>>) attributes {dimension_semantics = [#tpu.dimension_semantics<core_parallel>, #tpu.dimension_semantics<subcore_parallel>], iteration_bounds = array<i64: 2, 16>, scalar_prefetch = 0 : i64, scratch_operands = 7 : i64, tpu.core_type = #tpu.core_type<sc_vector_subcore>, window_params = [{transform_indices = #map}, {transform_indices = #map1}, {transform_indices = #map1}, {transform_indices = #map}]} {
    %broadcast_in_dim3A = arith.constant 0.000000e+00 : f32
    %broadcast_in_dim3A_0 = vector.broadcast %broadcast_in_dim3A : f32 to vector<16xf32>
    %scan3A = arith.constant 0 : i32
    %scan3A_1 = arith.constant 0 : i32
    %scan3A_2 = arith.constant 80 : i32
    %scan3A_3 = arith.addi %scan3A_1, %scan3A_2 : i32
    %scan3A_4 = arith.constant 1 : i32
    %scan3A_5 = scf.for %scan3A_53 = %scan3A_1 to %scan3A_3 step %scan3A_4 iter_args(%scan3A_54 = %scan3A) -> (i32)  : i32 {
      %swap3A = arith.index_cast %scan3A_53 : i32 to index
      %swap3A_55 = arith.constant 0 : index
      %swap3A_56 = tpu.vector_load %arg9[%swap3A, %swap3A_55] {strides = array<i32>} : memref<80x128xf32, #tpu.memory_space<vmem>>, vector<1x16xf32>,
      %swap3A_57 = vector.shape_cast %swap3A_56 : vector<1x16xf32> to vector<16xf32>
      %swap3A_58 = vector.shape_cast %broadcast_in_dim3A_0 : vector<16xf32> to vector<1x16xf32>
      tpu.vector_store %arg9[%swap3A, %swap3A_55], %swap3A_58 {strides = array<i32>} : memref<80x128xf32, #tpu.memory_space<vmem>>, vector<1x16xf32>,
      %swap3A_59 = arith.index_cast %scan3A_53 : i32 to index
      %swap3A_60 = arith.constant 16 : index
      %swap3A_61 = tpu.vector_load %arg9[%swap3A_59, %swap3A_60] {strides = array<i32>} : memref<80x128xf32, #tpu.memory_space<vmem>>, vector<1x16xf32>,
      %swap3A_62 = vector.shape_cast %swap3A_61 : vector<1x16xf32> to vector<16xf32>
      %swap3A_63 = vector.shape_cast %broadcast_in_dim3A_0 : vector<16xf32> to vector<1x16xf32>
      tpu.vector_store %arg9[%swap3A_59, %swap3A_60], %swap3A_63 {strides = array<i32>} : memref<80x128xf32, #tpu.memory_space<vmem>>, vector<1x16xf32>,
      %swap3A_64 = arith.index_cast %scan3A_53 : i32 to index
      %swap3A_65 = arith.constant 32 : index
      %swap3A_66 = tpu.vector_load %arg9[%swap3A_64, %swap3A_65] {strides = array<i32>} : memref<80x128xf32, #tpu.memory_space<vmem>>, vector<1x16xf32>,
      %swap3A_67 = vector.shape_cast %swap3A_66 : vector<1x16xf32> to vector<16xf32>
      %swap3A_68 = vector.shape_cast %broadcast_in_dim3A_0 : vector<16xf32> to vector<1x16xf32>
      tpu.vector_store %arg9[%swap3A_64, %swap3A_65], %swap3A_68 {strides = array<i32>} : memref<80x128xf32, #tpu.memory_space<vmem>>, vector<1x16xf32>,
      %swap3A_69 = arith.index_cast %scan3A_53 : i32 to index
      %swap3A_70 = arith.constant 48 : index
      %swap3A_71 = tpu.vector_load %arg9[%swap3A_69, %swap3A_70] {strides = array<i32>} : memref<80x128xf32, #tpu.memory_space<vmem>>, vector<1x16xf32>,
      %swap3A_72 = vector.shape_cast %swap3A_71 : vector<1x16xf32> to vector<16xf32>
      %swap3A_73 = vector.shape_cast %broadcast_in_dim3A_0 : vector<16xf32> to vector<1x16xf32>
      tpu.vector_store %arg9[%swap3A_69, %swap3A_70], %swap3A_73 {strides = array<i32>} : memref<80x128xf32, #tpu.memory_space<vmem>>, vector<1x16xf32>,
      %swap3A_74 = arith.index_cast %scan3A_53 : i32 to index
      %swap3A_75 = arith.constant 64 : index
      %swap3A_76 = tpu.vector_load %arg9[%swap3A_74, %swap3A_75] {strides = array<i32>} : memref<80x128xf32, #tpu.memory_space<vmem>>, vector<1x16xf32>,
      %swap3A_77 = vector.shape_cast %swap3A_76 : vector<1x16xf32> to vector<16xf32>
      %swap3A_78 = vector.shape_cast %broadcast_in_dim3A_0 : vector<16xf32> to vector<1x16xf32>
      tpu.vector_store %arg9[%swap3A_74, %swap3A_75], %swap3A_78 {strides = array<i32>} : memref<80x128xf32, #tpu.memory_space<vmem>>, vector<1x16xf32>,
      %swap3A_79 = arith.index_cast %scan3A_53 : i32 to index
      %swap3A_80 = arith.constant 80 : index
      %swap3A_81 = tpu.vector_load %arg9[%swap3A_79, %swap3A_80] {strides = array<i32>} : memref<80x128xf32, #tpu.memory_space<vmem>>, vector<1x16xf32>,
      %swap3A_82 = vector.shape_cast %swap3A_81 : vector<1x16xf32> to vector<16xf32>
      %swap3A_83 = vector.shape_cast %broadcast_in_dim3A_0 : vector<16xf32> to vector<1x16xf32>
      tpu.vector_store %arg9[%swap3A_79, %swap3A_80], %swap3A_83 {strides = array<i32>} : memref<80x128xf32, #tpu.memory_space<vmem>>, vector<1x16xf32>,
      %swap3A_84 = arith.index_cast %scan3A_53 : i32 to index
      %swap3A_85 = arith.constant 96 : index
      %swap3A_86 = tpu.vector_load %arg9[%swap3A_84, %swap3A_85] {strides = array<i32>} : memref<80x128xf32, #tpu.memory_space<vmem>>, vector<1x16xf32>,
      %swap3A_87 = vector.shape_cast %swap3A_86 : vector<1x16xf32> to vector<16xf32>
      %swap3A_88 = vector.shape_cast %broadcast_in_dim3A_0 : vector<16xf32> to vector<1x16xf32>
      tpu.vector_store %arg9[%swap3A_84, %swap3A_85], %swap3A_88 {strides = array<i32>} : memref<80x128xf32, #tpu.memory_space<vmem>>, vector<1x16xf32>,
      %swap3A_89 = arith.index_cast %scan3A_53 : i32 to index
      %swap3A_90 = arith.constant 112 : index
      %swap3A_91 = tpu.vector_load %arg9[%swap3A_89, %swap3A_90] {strides = array<i32>} : memref<80x128xf32, #tpu.memory_space<vmem>>, vector<1x16xf32>,
      %swap3A_92 = vector.shape_cast %swap3A_91 : vector<1x16xf32> to vector<16xf32>
      %swap3A_93 = vector.shape_cast %broadcast_in_dim3A_0 : vector<16xf32> to vector<1x16xf32>
      tpu.vector_store %arg9[%swap3A_89, %swap3A_90], %swap3A_93 {strides = array<i32>} : memref<80x128xf32, #tpu.memory_space<vmem>>, vector<1x16xf32>,
      %scan3A_94 = arith.constant 0 : i32
      scf.yield %scan3A_94 : i32
    }
    %scan3A_6 = arith.constant 80 : i32
    %mul3A = arith.constant 320 : i32
    %mul3A_7 = arith.muli %arg1, %mul3A : i32
    %add3A = arith.constant 0 : i32
    %add3A_8 = arith.addi %mul3A_7, %add3A : i32
    "tpu.region"() ({
      %run_scoped3A = tpu.sem_alloc : memref<!tpu.dma_semaphore, #tpu.memory_space<semaphore_mem>>
      %dma_start3A_53 = arith.constant 0 : i32
      %dma_start3A_54 = tpu.memref_slice %arg6[%add3A_8, %dma_start3A_53] : memref<5128x128xf32, #tpu.memory_space<vmem_shared>> -> memref<80x128xf32, #tpu.memory_space<vmem_shared>>
      %dma_start3A_55 = arith.constant 0 : i32
      %dma_start3A_56 = tpu.memref_slice %arg6[%add3A_8, %dma_start3A_55] : memref<5128x128xf32, #tpu.memory_space<vmem_shared>> -> memref<80x128xf32, #tpu.memory_space<vmem_shared>>
      tpu.enqueue_dma source(%arg9 : memref<80x128xf32, #tpu.memory_space<vmem>>) target(%dma_start3A_56 : memref<80x128xf32, #tpu.memory_space<vmem_shared>>) target_semaphore(%run_scoped3A : memref<!tpu.dma_semaphore, #tpu.memory_space<semaphore_mem>>)
      %dma_wait3A = arith.constant 0 : i32
      %dma_wait3A_57 = tpu.memref_slice %arg6[%add3A_8, %dma_wait3A] : memref<5128x128xf32, #tpu.memory_space<vmem_shared>> -> memref<80x128xf32, #tpu.memory_space<vmem_shared>>
      %dma_wait3A_58 = arith.constant 0 : i32
      %dma_wait3A_59 = tpu.memref_slice %arg6[%add3A_8, %dma_wait3A_58] : memref<5128x128xf32, #tpu.memory_space<vmem_shared>> -> memref<80x128xf32, #tpu.memory_space<vmem_shared>>
      tpu.wait_dma2 semaphore(%run_scoped3A : memref<!tpu.dma_semaphore, #tpu.memory_space<semaphore_mem>>) src(%arg9 : memref<80x128xf32, #tpu.memory_space<vmem>>) dst(%dma_wait3A_59 : memref<80x128xf32, #tpu.memory_space<vmem_shared>>)
      tpu.yield
    }) : () -> ()
    %mul3A_9 = arith.constant 320 : i32
    %mul3A_10 = arith.muli %arg1, %mul3A_9 : i32
    %add3A_11 = arith.constant 80 : i32
    %add3A_12 = arith.addi %mul3A_10, %add3A_11 : i32
    "tpu.region"() ({
      %run_scoped3A = tpu.sem_alloc : memref<!tpu.dma_semaphore, #tpu.memory_space<semaphore_mem>>
      %dma_start3A_53 = arith.constant 0 : i32
      %dma_start3A_54 = tpu.memref_slice %arg6[%add3A_12, %dma_start3A_53] : memref<5128x128xf32, #tpu.memory_space<vmem_shared>> -> memref<80x128xf32, #tpu.memory_space<vmem_shared>>
      %dma_start3A_55 = arith.constant 0 : i32
      %dma_start3A_56 = tpu.memref_slice %arg6[%add3A_12, %dma_start3A_55] : memref<5128x128xf32, #tpu.memory_space<vmem_shared>> -> memref<80x128xf32, #tpu.memory_space<vmem_shared>>
      tpu.enqueue_dma source(%arg9 : memref<80x128xf32, #tpu.memory_space<vmem>>) target(%dma_start3A_56 : memref<80x128xf32, #tpu.memory_space<vmem_shared>>) target_semaphore(%run_scoped3A : memref<!tpu.dma_semaphore, #tpu.memory_space<semaphore_mem>>)
      %dma_wait3A = arith.constant 0 : i32
      %dma_wait3A_57 = tpu.memref_slice %arg6[%add3A_12, %dma_wait3A] : memref<5128x128xf32, #tpu.memory_space<vmem_shared>> -> memref<80x128xf32, #tpu.memory_space<vmem_shared>>
      %dma_wait3A_58 = arith.constant 0 : i32
      %dma_wait3A_59 = tpu.memref_slice %arg6[%add3A_12, %dma_wait3A_58] : memref<5128x128xf32, #tpu.memory_space<vmem_shared>> -> memref<80x128xf32, #tpu.memory_space<vmem_shared>>
      tpu.wait_dma2 semaphore(%run_scoped3A : memref<!tpu.dma_semaphore, #tpu.memory_space<semaphore_mem>>) src(%arg9 : memref<80x128xf32, #tpu.memory_space<vmem>>) dst(%dma_wait3A_59 : memref<80x128xf32, #tpu.memory_space<vmem_shared>>)
      tpu.yield
    }) : () -> ()
    %mul3A_13 = arith.constant 320 : i32
    %mul3A_14 = arith.muli %arg1, %mul3A_13 : i32
    %add3A_15 = arith.constant 160 : i32
    %add3A_16 = arith.addi %mul3A_14, %add3A_15 : i32
    "tpu.region"() ({
      %run_scoped3A = tpu.sem_alloc : memref<!tpu.dma_semaphore, #tpu.memory_space<semaphore_mem>>
      %dma_start3A_53 = arith.constant 0 : i32
      %dma_start3A_54 = tpu.memref_slice %arg6[%add3A_16, %dma_start3A_53] : memref<5128x128xf32, #tpu.memory_space<vmem_shared>> -> memref<80x128xf32, #tpu.memory_space<vmem_shared>>
      %dma_start3A_55 = arith.constant 0 : i32
      %dma_start3A_56 = tpu.memref_slice %arg6[%add3A_16, %dma_start3A_55] : memref<5128x128xf32, #tpu.memory_space<vmem_shared>> -> memref<80x128xf32, #tpu.memory_space<vmem_shared>>
      tpu.enqueue_dma source(%arg9 : memref<80x128xf32, #tpu.memory_space<vmem>>) target(%dma_start3A_56 : memref<80x128xf32, #tpu.memory_space<vmem_shared>>) target_semaphore(%run_scoped3A : memref<!tpu.dma_semaphore, #tpu.memory_space<semaphore_mem>>)
      %dma_wait3A = arith.constant 0 : i32
      %dma_wait3A_57 = tpu.memref_slice %arg6[%add3A_16, %dma_wait3A] : memref<5128x128xf32, #tpu.memory_space<vmem_shared>> -> memref<80x128xf32, #tpu.memory_space<vmem_shared>>
      %dma_wait3A_58 = arith.constant 0 : i32
      %dma_wait3A_59 = tpu.memref_slice %arg6[%add3A_16, %dma_wait3A_58] : memref<5128x128xf32, #tpu.memory_space<vmem_shared>> -> memref<80x128xf32, #tpu.memory_space<vmem_shared>>
      tpu.wait_dma2 semaphore(%run_scoped3A : memref<!tpu.dma_semaphore, #tpu.memory_space<semaphore_mem>>) src(%arg9 : memref<80x128xf32, #tpu.memory_space<vmem>>) dst(%dma_wait3A_59 : memref<80x128xf32, #tpu.memory_space<vmem_shared>>)
      tpu.yield
    }) : () -> ()
    %mul3A_17 = arith.constant 320 : i32
    %mul3A_18 = arith.muli %arg1, %mul3A_17 : i32
    %add3A_19 = arith.constant 240 : i32
    %add3A_20 = arith.addi %mul3A_18, %add3A_19 : i32
    "tpu.region"() ({
      %run_scoped3A = tpu.sem_alloc : memref<!tpu.dma_semaphore, #tpu.memory_space<semaphore_mem>>
      %dma_start3A_53 = arith.constant 0 : i32
      %dma_start3A_54 = tpu.memref_slice %arg6[%add3A_20, %dma_start3A_53] : memref<5128x128xf32, #tpu.memory_space<vmem_shared>> -> memref<80x128xf32, #tpu.memory_space<vmem_shared>>
      %dma_start3A_55 = arith.constant 0 : i32
      %dma_start3A_56 = tpu.memref_slice %arg6[%add3A_20, %dma_start3A_55] : memref<5128x128xf32, #tpu.memory_space<vmem_shared>> -> memref<80x128xf32, #tpu.memory_space<vmem_shared>>
      tpu.enqueue_dma source(%arg9 : memref<80x128xf32, #tpu.memory_space<vmem>>) target(%dma_start3A_56 : memref<80x128xf32, #tpu.memory_space<vmem_shared>>) target_semaphore(%run_scoped3A : memref<!tpu.dma_semaphore, #tpu.memory_space<semaphore_mem>>)
      %dma_wait3A = arith.constant 0 : i32
      %dma_wait3A_57 = tpu.memref_slice %arg6[%add3A_20, %dma_wait3A] : memref<5128x128xf32, #tpu.memory_space<vmem_shared>> -> memref<80x128xf32, #tpu.memory_space<vmem_shared>>
      %dma_wait3A_58 = arith.constant 0 : i32
      %dma_wait3A_59 = tpu.memref_slice %arg6[%add3A_20, %dma_wait3A_58] : memref<5128x128xf32, #tpu.memory_space<vmem_shared>> -> memref<80x128xf32, #tpu.memory_space<vmem_shared>>
      tpu.wait_dma2 semaphore(%run_scoped3A : memref<!tpu.dma_semaphore, #tpu.memory_space<semaphore_mem>>) src(%arg9 : memref<80x128xf32, #tpu.memory_space<vmem>>) dst(%dma_wait3A_59 : memref<80x128xf32, #tpu.memory_space<vmem_shared>>)
      tpu.yield
    }) : () -> ()
    %eq3A = arith.constant 15 : i32
    %eq3A_21 = arith.cmpi eq, %arg1, %eq3A : i32
    %convert_element_type3A = arith.extui %eq3A_21 : i1 to i32
    %cond3A = arith.constant 0 : i32
    %cond3A_22 = arith.cmpi ne, %convert_element_type3A, %cond3A : i32
    scf.if %cond3A_22 {
      "tpu.region"() ({
        %run_scoped3A = tpu.sem_alloc : memref<!tpu.dma_semaphore, #tpu.memory_space<semaphore_mem>>
        %dma_start3A_53 = arith.constant 0 : i32
        %dma_start3A_54 = arith.constant 0 : i32
        %dma_start3A_55 = tpu.memref_slice %arg9[%dma_start3A_53, %dma_start3A_54] : memref<80x128xf32, #tpu.memory_space<vmem>> -> memref<8x128xf32, #tpu.memory_space<vmem>>
        %dma_start3A_56 = arith.constant 5120 : i32
        %dma_start3A_57 = arith.constant 0 : i32
        %dma_start3A_58 = tpu.memref_slice %arg6[%dma_start3A_56, %dma_start3A_57] : memref<5128x128xf32, #tpu.memory_space<vmem_shared>> -> memref<8x128xf32, #tpu.memory_space<vmem_shared>>
        %dma_start3A_59 = arith.constant 5120 : i32
        %dma_start3A_60 = arith.constant 0 : i32
        %dma_start3A_61 = tpu.memref_slice %arg6[%dma_start3A_59, %dma_start3A_60] : memref<5128x128xf32, #tpu.memory_space<vmem_shared>> -> memref<8x128xf32, #tpu.memory_space<vmem_shared>>
        %dma_start3A_62 = arith.constant 0 : i32
        %dma_start3A_63 = arith.constant 0 : i32
        %dma_start3A_64 = tpu.memref_slice %arg9[%dma_start3A_62, %dma_start3A_63] : memref<80x128xf32, #tpu.memory_space<vmem>> -> memref<8x128xf32, #tpu.memory_space<vmem>>
        tpu.enqueue_dma source(%dma_start3A_64 : memref<8x128xf32, #tpu.memory_space<vmem>>) target(%dma_start3A_61 : memref<8x128xf32, #tpu.memory_space<vmem_shared>>) target_semaphore(%run_scoped3A : memref<!tpu.dma_semaphore, #tpu.memory_space<semaphore_mem>>)
        %dma_wait3A = arith.constant 0 : i32
        %dma_wait3A_65 = arith.constant 0 : i32
        %dma_wait3A_66 = tpu.memref_slice %arg9[%dma_wait3A, %dma_wait3A_65] : memref<80x128xf32, #tpu.memory_space<vmem>> -> memref<8x128xf32, #tpu.memory_space<vmem>>
        %dma_wait3A_67 = arith.constant 5120 : i32
        %dma_wait3A_68 = arith.constant 0 : i32
        %dma_wait3A_69 = tpu.memref_slice %arg6[%dma_wait3A_67, %dma_wait3A_68] : memref<5128x128xf32, #tpu.memory_space<vmem_shared>> -> memref<8x128xf32, #tpu.memory_space<vmem_shared>>
        %dma_wait3A_70 = arith.constant 5120 : i32
        %dma_wait3A_71 = arith.constant 0 : i32
        %dma_wait3A_72 = tpu.memref_slice %arg6[%dma_wait3A_70, %dma_wait3A_71] : memref<5128x128xf32, #tpu.memory_space<vmem_shared>> -> memref<8x128xf32, #tpu.memory_space<vmem_shared>>
        %dma_wait3A_73 = arith.constant 0 : i32
        %dma_wait3A_74 = arith.constant 0 : i32
        %dma_wait3A_75 = tpu.memref_slice %arg9[%dma_wait3A_73, %dma_wait3A_74] : memref<80x128xf32, #tpu.memory_space<vmem>> -> memref<8x128xf32, #tpu.memory_space<vmem>>
        tpu.wait_dma2 semaphore(%run_scoped3A : memref<!tpu.dma_semaphore, #tpu.memory_space<semaphore_mem>>) src(%dma_wait3A_75 : memref<8x128xf32, #tpu.memory_space<vmem>>) dst(%dma_wait3A_72 : memref<8x128xf32, #tpu.memory_space<vmem_shared>>)
        tpu.yield
      }) : () -> ()
    } else {
    }
    "tpu.region"() ({
      %run_scoped3A = tpu.sem_alloc : memref<!tpu.dma_semaphore, #tpu.memory_space<semaphore_mem>>
      %dma_start3A_53 = arith.constant 0 : i32
      %dma_start3A_54 = arith.constant 0 : i32
      %dma_start3A_55 = tpu.memref_slice %arg3[%arg1, %dma_start3A_53, %dma_start3A_54] : memref<16x250x80xi32, #tpu.memory_space<hbm>> -> memref<1x250x80xi32, #tpu.memory_space<hbm>>
      %dma_start3A_56 = tpu.memref_squeeze %dma_start3A_55 : memref<1x250x80xi32, #tpu.memory_space<hbm>> -> memref<250x80xi32, #tpu.memory_space<hbm>>
      %dma_start3A_57 = arith.constant 0 : i32
      %dma_start3A_58 = arith.constant 0 : i32
      %dma_start3A_59 = tpu.memref_slice %arg3[%arg1, %dma_start3A_57, %dma_start3A_58] : memref<16x250x80xi32, #tpu.memory_space<hbm>> -> memref<1x250x80xi32, #tpu.memory_space<hbm>>
      %dma_start3A_60 = tpu.memref_squeeze %dma_start3A_59 : memref<1x250x80xi32, #tpu.memory_space<hbm>> -> memref<250x80xi32, #tpu.memory_space<hbm>>
      tpu.enqueue_dma source(%dma_start3A_60 : memref<250x80xi32, #tpu.memory_space<hbm>>) target(%arg7 : memref<250x80xi32, #tpu.memory_space<vmem>>) target_semaphore(%run_scoped3A : memref<!tpu.dma_semaphore, #tpu.memory_space<semaphore_mem>>)
      %dma_wait3A = arith.constant 0 : i32
      %dma_wait3A_61 = arith.constant 0 : i32
      %dma_wait3A_62 = tpu.memref_slice %arg3[%arg1, %dma_wait3A, %dma_wait3A_61] : memref<16x250x80xi32, #tpu.memory_space<hbm>> -> memref<1x250x80xi32, #tpu.memory_space<hbm>>
      %dma_wait3A_63 = tpu.memref_squeeze %dma_wait3A_62 : memref<1x250x80xi32, #tpu.memory_space<hbm>> -> memref<250x80xi32, #tpu.memory_space<hbm>>
      %dma_wait3A_64 = arith.constant 0 : i32
      %dma_wait3A_65 = arith.constant 0 : i32
      %dma_wait3A_66 = tpu.memref_slice %arg3[%arg1, %dma_wait3A_64, %dma_wait3A_65] : memref<16x250x80xi32, #tpu.memory_space<hbm>> -> memref<1x250x80xi32, #tpu.memory_space<hbm>>
      %dma_wait3A_67 = tpu.memref_squeeze %dma_wait3A_66 : memref<1x250x80xi32, #tpu.memory_space<hbm>> -> memref<250x80xi32, #tpu.memory_space<hbm>>
      tpu.wait_dma2 semaphore(%run_scoped3A : memref<!tpu.dma_semaphore, #tpu.memory_space<semaphore_mem>>) src(%dma_wait3A_67 : memref<250x80xi32, #tpu.memory_space<hbm>>) dst(%arg7 : memref<250x80xi32, #tpu.memory_space<vmem>>)
      tpu.yield
    }) : () -> ()
    "tpu.region"() ({
      %run_scoped3A = tpu.sem_alloc : memref<!tpu.dma_semaphore, #tpu.memory_space<semaphore_mem>>
      %dma_start3A_53 = arith.constant 0 : i32
      %dma_start3A_54 = arith.constant 0 : i32
      %dma_start3A_55 = tpu.memref_slice %arg4[%arg1, %dma_start3A_53, %dma_start3A_54] : memref<16x250x80xi32, #tpu.memory_space<hbm>> -> memref<1x250x80xi32, #tpu.memory_space<hbm>>
      %dma_start3A_56 = tpu.memref_squeeze %dma_start3A_55 : memref<1x250x80xi32, #tpu.memory_space<hbm>> -> memref<250x80xi32, #tpu.memory_space<hbm>>
      %dma_start3A_57 = arith.constant 0 : i32
      %dma_start3A_58 = arith.constant 0 : i32
      %dma_start3A_59 = tpu.memref_slice %arg4[%arg1, %dma_start3A_57, %dma_start3A_58] : memref<16x250x80xi32, #tpu.memory_space<hbm>> -> memref<1x250x80xi32, #tpu.memory_space<hbm>>
      %dma_start3A_60 = tpu.memref_squeeze %dma_start3A_59 : memref<1x250x80xi32, #tpu.memory_space<hbm>> -> memref<250x80xi32, #tpu.memory_space<hbm>>
      tpu.enqueue_dma source(%dma_start3A_60 : memref<250x80xi32, #tpu.memory_space<hbm>>) target(%arg8 : memref<250x80xi32, #tpu.memory_space<vmem>>) target_semaphore(%run_scoped3A : memref<!tpu.dma_semaphore, #tpu.memory_space<semaphore_mem>>)
      %dma_wait3A = arith.constant 0 : i32
      %dma_wait3A_61 = arith.constant 0 : i32
      %dma_wait3A_62 = tpu.memref_slice %arg4[%arg1, %dma_wait3A, %dma_wait3A_61] : memref<16x250x80xi32, #tpu.memory_space<hbm>> -> memref<1x250x80xi32, #tpu.memory_space<hbm>>
      %dma_wait3A_63 = tpu.memref_squeeze %dma_wait3A_62 : memref<1x250x80xi32, #tpu.memory_space<hbm>> -> memref<250x80xi32, #tpu.memory_space<hbm>>
      %dma_wait3A_64 = arith.constant 0 : i32
      %dma_wait3A_65 = arith.constant 0 : i32
      %dma_wait3A_66 = tpu.memref_slice %arg4[%arg1, %dma_wait3A_64, %dma_wait3A_65] : memref<16x250x80xi32, #tpu.memory_space<hbm>> -> memref<1x250x80xi32, #tpu.memory_space<hbm>>
      %dma_wait3A_67 = tpu.memref_squeeze %dma_wait3A_66 : memref<1x250x80xi32, #tpu.memory_space<hbm>> -> memref<250x80xi32, #tpu.memory_space<hbm>>
      tpu.wait_dma2 semaphore(%run_scoped3A : memref<!tpu.dma_semaphore, #tpu.memory_space<semaphore_mem>>) src(%dma_wait3A_67 : memref<250x80xi32, #tpu.memory_space<hbm>>) dst(%arg8 : memref<250x80xi32, #tpu.memory_space<vmem>>)
      tpu.yield
    }) : () -> ()
    %mul3A_23 = arith.constant 5120 : i32
    %mul3A_24 = arith.muli %arg0, %mul3A_23 : i32
    %scan3A_25 = arith.constant 0 : i32
    %scan3A_26 = arith.constant 0 : i32
    %scan3A_27 = arith.constant 250 : i32
    %scan3A_28 = arith.addi %scan3A_26, %scan3A_27 : i32
    %scan3A_29 = arith.constant 1 : i32
    %scan3A_30 = scf.for %scan3A_53 = %scan3A_26 to %scan3A_28 step %scan3A_29 iter_args(%scan3A_54 = %scan3A_25) -> (i32)  : i32 {
      %get3A = arith.index_cast %scan3A_53 : i32 to index
      %get3A_55 = arith.constant 0 : index
      %get3A_56 = tpu.vector_load %arg8[%get3A, %get3A_55] {strides = array<i32>} : memref<250x80xi32, #tpu.memory_space<vmem>>, vector<1x16xi32>,
      %get3A_57 = vector.shape_cast %get3A_56 : vector<1x16xi32> to vector<16xi32>
      %sub3A = vector.broadcast %mul3A_24 : i32 to vector<16xi32>
      %sub3A_58 = arith.subi %get3A_57, %sub3A : vector<16xi32>
      %ge3A = arith.constant 0 : i32
      %ge3A_59 = vector.broadcast %ge3A : i32 to vector<16xi32>
      %ge3A_60 = arith.cmpi sge, %sub3A_58, %ge3A_59 : vector<16xi32>
      %lt3A = arith.constant 5120 : i32
      %lt3A_61 = vector.broadcast %lt3A : i32 to vector<16xi32>
      %lt3A_62 = arith.cmpi slt, %sub3A_58, %lt3A_61 : vector<16xi32>
      %and3A = arith.andi %ge3A_60, %lt3A_62 : vector<16xi1>
      %jit3A = arith.constant 5120 : i32
      %broadcast_in_dim3A_63 = vector.broadcast %jit3A : i32 to vector<16xi32>
      %select_n3A = arith.select %and3A, %sub3A_58, %broadcast_in_dim3A_63 : vector<16xi1>, vector<16xi32>
      %swap3A = arith.index_cast %scan3A_53 : i32 to index
      %swap3A_64 = arith.constant 0 : index
      %swap3A_65 = tpu.vector_load %arg8[%swap3A, %swap3A_64] {strides = array<i32>} : memref<250x80xi32, #tpu.memory_space<vmem>>, vector<1x16xi32>,
      %swap3A_66 = vector.shape_cast %swap3A_65 : vector<1x16xi32> to vector<16xi32>
      %swap3A_67 = vector.shape_cast %select_n3A : vector<16xi32> to vector<1x16xi32>
      tpu.vector_store %arg8[%swap3A, %swap3A_64], %swap3A_67 {strides = array<i32>} : memref<250x80xi32, #tpu.memory_space<vmem>>, vector<1x16xi32>,
      %get3A_68 = arith.index_cast %scan3A_53 : i32 to index
      %get3A_69 = arith.constant 16 : index
      %get3A_70 = tpu.vector_load %arg8[%get3A_68, %get3A_69] {strides = array<i32>} : memref<250x80xi32, #tpu.memory_space<vmem>>, vector<1x16xi32>,
      %get3A_71 = vector.shape_cast %get3A_70 : vector<1x16xi32> to vector<16xi32>
      %sub3A_72 = vector.broadcast %mul3A_24 : i32 to vector<16xi32>
      %sub3A_73 = arith.subi %get3A_71, %sub3A_72 : vector<16xi32>
      %ge3A_74 = arith.constant 0 : i32
      %ge3A_75 = vector.broadcast %ge3A_74 : i32 to vector<16xi32>
      %ge3A_76 = arith.cmpi sge, %sub3A_73, %ge3A_75 : vector<16xi32>
      %lt3A_77 = arith.constant 5120 : i32
      %lt3A_78 = vector.broadcast %lt3A_77 : i32 to vector<16xi32>
      %lt3A_79 = arith.cmpi slt, %sub3A_73, %lt3A_78 : vector<16xi32>
      %and3A_80 = arith.andi %ge3A_76, %lt3A_79 : vector<16xi1>
      %jit3A_81 = arith.constant 5120 : i32
      %broadcast_in_dim3A_82 = vector.broadcast %jit3A_81 : i32 to vector<16xi32>
      %select_n3A_83 = arith.select %and3A_80, %sub3A_73, %broadcast_in_dim3A_82 : vector<16xi1>, vector<16xi32>
      %swap3A_84 = arith.index_cast %scan3A_53 : i32 to index
      %swap3A_85 = arith.constant 16 : index
      %swap3A_86 = tpu.vector_load %arg8[%swap3A_84, %swap3A_85] {strides = array<i32>} : memref<250x80xi32, #tpu.memory_space<vmem>>, vector<1x16xi32>,
      %swap3A_87 = vector.shape_cast %swap3A_86 : vector<1x16xi32> to vector<16xi32>
      %swap3A_88 = vector.shape_cast %select_n3A_83 : vector<16xi32> to vector<1x16xi32>
      tpu.vector_store %arg8[%swap3A_84, %swap3A_85], %swap3A_88 {strides = array<i32>} : memref<250x80xi32, #tpu.memory_space<vmem>>, vector<1x16xi32>,
      %get3A_89 = arith.index_cast %scan3A_53 : i32 to index
      %get3A_90 = arith.constant 32 : index
      %get3A_91 = tpu.vector_load %arg8[%get3A_89, %get3A_90] {strides = array<i32>} : memref<250x80xi32, #tpu.memory_space<vmem>>, vector<1x16xi32>,
      %get3A_92 = vector.shape_cast %get3A_91 : vector<1x16xi32> to vector<16xi32>
      %sub3A_93 = vector.broadcast %mul3A_24 : i32 to vector<16xi32>
      %sub3A_94 = arith.subi %get3A_92, %sub3A_93 : vector<16xi32>
      %ge3A_95 = arith.constant 0 : i32
      %ge3A_96 = vector.broadcast %ge3A_95 : i32 to vector<16xi32>
      %ge3A_97 = arith.cmpi sge, %sub3A_94, %ge3A_96 : vector<16xi32>
      %lt3A_98 = arith.constant 5120 : i32
      %lt3A_99 = vector.broadcast %lt3A_98 : i32 to vector<16xi32>
      %lt3A_100 = arith.cmpi slt, %sub3A_94, %lt3A_99 : vector<16xi32>
      %and3A_101 = arith.andi %ge3A_97, %lt3A_100 : vector<16xi1>
      %jit3A_102 = arith.constant 5120 : i32
      %broadcast_in_dim3A_103 = vector.broadcast %jit3A_102 : i32 to vector<16xi32>
      %select_n3A_104 = arith.select %and3A_101, %sub3A_94, %broadcast_in_dim3A_103 : vector<16xi1>, vector<16xi32>
      %swap3A_105 = arith.index_cast %scan3A_53 : i32 to index
      %swap3A_106 = arith.constant 32 : index
      %swap3A_107 = tpu.vector_load %arg8[%swap3A_105, %swap3A_106] {strides = array<i32>} : memref<250x80xi32, #tpu.memory_space<vmem>>, vector<1x16xi32>,
      %swap3A_108 = vector.shape_cast %swap3A_107 : vector<1x16xi32> to vector<16xi32>
      %swap3A_109 = vector.shape_cast %select_n3A_104 : vector<16xi32> to vector<1x16xi32>
      tpu.vector_store %arg8[%swap3A_105, %swap3A_106], %swap3A_109 {strides = array<i32>} : memref<250x80xi32, #tpu.memory_space<vmem>>, vector<1x16xi32>,
      %get3A_110 = arith.index_cast %scan3A_53 : i32 to index
      %get3A_111 = arith.constant 48 : index
      %get3A_112 = tpu.vector_load %arg8[%get3A_110, %get3A_111] {strides = array<i32>} : memref<250x80xi32, #tpu.memory_space<vmem>>, vector<1x16xi32>,
      %get3A_113 = vector.shape_cast %get3A_112 : vector<1x16xi32> to vector<16xi32>
      %sub3A_114 = vector.broadcast %mul3A_24 : i32 to vector<16xi32>
      %sub3A_115 = arith.subi %get3A_113, %sub3A_114 : vector<16xi32>
      %ge3A_116 = arith.constant 0 : i32
      %ge3A_117 = vector.broadcast %ge3A_116 : i32 to vector<16xi32>
      %ge3A_118 = arith.cmpi sge, %sub3A_115, %ge3A_117 : vector<16xi32>
      %lt3A_119 = arith.constant 5120 : i32
      %lt3A_120 = vector.broadcast %lt3A_119 : i32 to vector<16xi32>
      %lt3A_121 = arith.cmpi slt, %sub3A_115, %lt3A_120 : vector<16xi32>
      %and3A_122 = arith.andi %ge3A_118, %lt3A_121 : vector<16xi1>
      %jit3A_123 = arith.constant 5120 : i32
      %broadcast_in_dim3A_124 = vector.broadcast %jit3A_123 : i32 to vector<16xi32>
      %select_n3A_125 = arith.select %and3A_122, %sub3A_115, %broadcast_in_dim3A_124 : vector<16xi1>, vector<16xi32>
      %swap3A_126 = arith.index_cast %scan3A_53 : i32 to index
      %swap3A_127 = arith.constant 48 : index
      %swap3A_128 = tpu.vector_load %arg8[%swap3A_126, %swap3A_127] {strides = array<i32>} : memref<250x80xi32, #tpu.memory_space<vmem>>, vector<1x16xi32>,
      %swap3A_129 = vector.shape_cast %swap3A_128 : vector<1x16xi32> to vector<16xi32>
      %swap3A_130 = vector.shape_cast %select_n3A_125 : vector<16xi32> to vector<1x16xi32>
      tpu.vector_store %arg8[%swap3A_126, %swap3A_127], %swap3A_130 {strides = array<i32>} : memref<250x80xi32, #tpu.memory_space<vmem>>, vector<1x16xi32>,
      %get3A_131 = arith.index_cast %scan3A_53 : i32 to index
      %get3A_132 = arith.constant 64 : index
      %get3A_133 = tpu.vector_load %arg8[%get3A_131, %get3A_132] {strides = array<i32>} : memref<250x80xi32, #tpu.memory_space<vmem>>, vector<1x16xi32>,
      %get3A_134 = vector.shape_cast %get3A_133 : vector<1x16xi32> to vector<16xi32>
      %sub3A_135 = vector.broadcast %mul3A_24 : i32 to vector<16xi32>
      %sub3A_136 = arith.subi %get3A_134, %sub3A_135 : vector<16xi32>
      %ge3A_137 = arith.constant 0 : i32
      %ge3A_138 = vector.broadcast %ge3A_137 : i32 to vector<16xi32>
      %ge3A_139 = arith.cmpi sge, %sub3A_136, %ge3A_138 : vector<16xi32>
      %lt3A_140 = arith.constant 5120 : i32
      %lt3A_141 = vector.broadcast %lt3A_140 : i32 to vector<16xi32>
      %lt3A_142 = arith.cmpi slt, %sub3A_136, %lt3A_141 : vector<16xi32>
      %and3A_143 = arith.andi %ge3A_139, %lt3A_142 : vector<16xi1>
      %jit3A_144 = arith.constant 5120 : i32
      %broadcast_in_dim3A_145 = vector.broadcast %jit3A_144 : i32 to vector<16xi32>
      %select_n3A_146 = arith.select %and3A_143, %sub3A_136, %broadcast_in_dim3A_145 : vector<16xi1>, vector<16xi32>
      %swap3A_147 = arith.index_cast %scan3A_53 : i32 to index
      %swap3A_148 = arith.constant 64 : index
      %swap3A_149 = tpu.vector_load %arg8[%swap3A_147, %swap3A_148] {strides = array<i32>} : memref<250x80xi32, #tpu.memory_space<vmem>>, vector<1x16xi32>,
      %swap3A_150 = vector.shape_cast %swap3A_149 : vector<1x16xi32> to vector<16xi32>
      %swap3A_151 = vector.shape_cast %select_n3A_146 : vector<16xi32> to vector<1x16xi32>
      tpu.vector_store %arg8[%swap3A_147, %swap3A_148], %swap3A_151 {strides = array<i32>} : memref<250x80xi32, #tpu.memory_space<vmem>>, vector<1x16xi32>,
      %scan3A_152 = arith.constant 0 : i32
      scf.yield %scan3A_152 : i32
    }
    %scan3A_31 = arith.constant 250 : i32
    %barrier3A = arith.constant 0 : index
    tpu.barrier barrier_id(%barrier3A)
    %dma_start3A = arith.constant 0 : i32
    %dma_start3A_32 = arith.constant 0 : i32
    %dma_start3A_33 = tpu.memref_slice %arg7[%dma_start3A, %dma_start3A_32] : memref<250x80xi32, #tpu.memory_space<vmem>> -> memref<1x80xi32, #tpu.memory_space<vmem>>
    %dma_start3A_34 = tpu.memref_squeeze %dma_start3A_33 : memref<1x80xi32, #tpu.memory_space<vmem>> -> memref<80xi32, #tpu.memory_space<vmem>>
    %dma_start3A_35 = arith.constant 0 : i32
    %dma_start3A_36 = arith.constant 0 : i32
    %dma_start3A_37 = tpu.memref_slice %arg2[%dma_start3A_35, %dma_start3A_36] : memref<10000x128xf32, #tpu.memory_space<hbm>> -> memref<10000x128xf32, #tpu.memory_space<hbm>>
    tpu.enqueue_indirect_dma source(%dma_start3A_37 : memref<10000x128xf32, #tpu.memory_space<hbm>>) target(%arg9 : memref<80x128xf32, #tpu.memory_space<vmem>>) offsets(%dma_start3A_34 : memref<80xi32, #tpu.memory_space<vmem>>) semaphore(%arg11 : memref<!tpu.dma_semaphore, #tpu.memory_space<semaphore_mem>>)
    %scan3A_38 = arith.constant 0 : i32
    %scan3A_39 = arith.constant 0 : i32
    %scan3A_40 = arith.constant 125 : i32
    %scan3A_41 = arith.addi %scan3A_39, %scan3A_40 : i32
    %scan3A_42 = arith.constant 1 : i32
    %scan3A_43 = scf.for %scan3A_53 = %scan3A_39 to %scan3A_41 step %scan3A_42 iter_args(%scan3A_54 = %scan3A_38) -> (i32)  : i32 {
      %mul3A_55 = arith.constant 2 : i32
      %mul3A_56 = arith.muli %mul3A_55, %scan3A_53 : i32
      %add3A_57 = arith.constant 1 : i32
      %add3A_58 = arith.addi %mul3A_56, %add3A_57 : i32
      %dma_start3A_59 = arith.constant 0 : i32
      %dma_start3A_60 = tpu.memref_slice %arg7[%add3A_58, %dma_start3A_59] : memref<250x80xi32, #tpu.memory_space<vmem>> -> memref<1x80xi32, #tpu.memory_space<vmem>>
      %dma_start3A_61 = tpu.memref_squeeze %dma_start3A_60 : memref<1x80xi32, #tpu.memory_space<vmem>> -> memref<80xi32, #tpu.memory_space<vmem>>
      %dma_start3A_62 = arith.constant 0 : i32
      %dma_start3A_63 = arith.constant 0 : i32
      %dma_start3A_64 = tpu.memref_slice %arg2[%dma_start3A_62, %dma_start3A_63] : memref<10000x128xf32, #tpu.memory_space<hbm>> -> memref<10000x128xf32, #tpu.memory_space<hbm>>
      tpu.enqueue_indirect_dma source(%dma_start3A_64 : memref<10000x128xf32, #tpu.memory_space<hbm>>) target(%arg10 : memref<80x128xf32, #tpu.memory_space<vmem>>) offsets(%dma_start3A_61 : memref<80xi32, #tpu.memory_space<vmem>>) semaphore(%arg12 : memref<!tpu.dma_semaphore, #tpu.memory_space<semaphore_mem>>)
      %dma_wait3A = arith.constant 0 : i32
      %dma_wait3A_65 = tpu.memref_slice %arg7[%mul3A_56, %dma_wait3A] : memref<250x80xi32, #tpu.memory_space<vmem>> -> memref<1x80xi32, #tpu.memory_space<vmem>>
      %dma_wait3A_66 = tpu.memref_squeeze %dma_wait3A_65 : memref<1x80xi32, #tpu.memory_space<vmem>> -> memref<80xi32, #tpu.memory_space<vmem>>
      %dma_wait3A_67 = arith.constant 0 : i32
      %dma_wait3A_68 = arith.constant 0 : i32
      %dma_wait3A_69 = tpu.memref_slice %arg2[%dma_wait3A_67, %dma_wait3A_68] : memref<10000x128xf32, #tpu.memory_space<hbm>> -> memref<10000x128xf32, #tpu.memory_space<hbm>>
      tpu.wait_indirect_dma semaphore(%arg11 : memref<!tpu.dma_semaphore, #tpu.memory_space<semaphore_mem>>) src(%dma_wait3A_69 : memref<10000x128xf32, #tpu.memory_space<hbm>>) dst(%arg9 : memref<80x128xf32, #tpu.memory_space<vmem>>)
      "tpu.region"() ({
        %run_scoped3A = tpu.sem_alloc : memref<!tpu.dma_semaphore, #tpu.memory_space<semaphore_mem>>
        %dma_start3A_87 = arith.constant 0 : i32
        %dma_start3A_88 = tpu.memref_slice %arg8[%mul3A_56, %dma_start3A_87] : memref<250x80xi32, #tpu.memory_space<vmem>> -> memref<1x80xi32, #tpu.memory_space<vmem>>
        %dma_start3A_89 = tpu.memref_squeeze %dma_start3A_88 : memref<1x80xi32, #tpu.memory_space<vmem>> -> memref<80xi32, #tpu.memory_space<vmem>>
        %dma_start3A_90 = arith.constant 0 : i32
        %dma_start3A_91 = arith.constant 0 : i32
        %dma_start3A_92 = tpu.memref_slice %arg6[%dma_start3A_90, %dma_start3A_91] : memref<5128x128xf32, #tpu.memory_space<vmem_shared>> -> memref<5128x128xf32, #tpu.memory_space<vmem_shared>>
        tpu.enqueue_indirect_dma source(%arg9 : memref<80x128xf32, #tpu.memory_space<vmem>>) target(%dma_start3A_92 : memref<5128x128xf32, #tpu.memory_space<vmem_shared>>) offsets(%dma_start3A_89 : memref<80xi32, #tpu.memory_space<vmem>>) semaphore(%run_scoped3A : memref<!tpu.dma_semaphore, #tpu.memory_space<semaphore_mem>>) {add = true}
        %dma_wait3A_93 = arith.constant 0 : i32
        %dma_wait3A_94 = tpu.memref_slice %arg8[%mul3A_56, %dma_wait3A_93] : memref<250x80xi32, #tpu.memory_space<vmem>> -> memref<1x80xi32, #tpu.memory_space<vmem>>
        %dma_wait3A_95 = tpu.memref_squeeze %dma_wait3A_94 : memref<1x80xi32, #tpu.memory_space<vmem>> -> memref<80xi32, #tpu.memory_space<vmem>>
        %dma_wait3A_96 = arith.constant 0 : i32
        %dma_wait3A_97 = arith.constant 0 : i32
        %dma_wait3A_98 = tpu.memref_slice %arg6[%dma_wait3A_96, %dma_wait3A_97] : memref<5128x128xf32, #tpu.memory_space<vmem_shared>> -> memref<5128x128xf32, #tpu.memory_space<vmem_shared>>
        tpu.wait_indirect_dma semaphore(%run_scoped3A : memref<!tpu.dma_semaphore, #tpu.memory_space<semaphore_mem>>) src(%arg9 : memref<80x128xf32, #tpu.memory_space<vmem>>) dst(%dma_wait3A_98 : memref<5128x128xf32, #tpu.memory_space<vmem_shared>>)
        tpu.yield
      }) : () -> ()
      %add3A_70 = arith.constant 2 : i32
      %add3A_71 = arith.addi %mul3A_56, %add3A_70 : i32
      %lt3A = arith.constant 250 : i32
      %lt3A_72 = arith.cmpi slt, %add3A_71, %lt3A : i32
      %convert_element_type3A_73 = arith.extui %lt3A_72 : i1 to i32
      %cond3A_74 = arith.constant 0 : i32
      %cond3A_75 = arith.cmpi ne, %convert_element_type3A_73, %cond3A_74 : i32
      scf.if %cond3A_75 {
        %add3A_87 = arith.constant 2 : i32
        %add3A_88 = arith.addi %mul3A_56, %add3A_87 : i32
        %dma_start3A_89 = arith.constant 0 : i32
        %dma_start3A_90 = tpu.memref_slice %arg7[%add3A_88, %dma_start3A_89] : memref<250x80xi32, #tpu.memory_space<vmem>> -> memref<1x80xi32, #tpu.memory_space<vmem>>
        %dma_start3A_91 = tpu.memref_squeeze %dma_start3A_90 : memref<1x80xi32, #tpu.memory_space<vmem>> -> memref<80xi32, #tpu.memory_space<vmem>>
        %dma_start3A_92 = arith.constant 0 : i32
        %dma_start3A_93 = arith.constant 0 : i32
        %dma_start3A_94 = tpu.memref_slice %arg2[%dma_start3A_92, %dma_start3A_93] : memref<10000x128xf32, #tpu.memory_space<hbm>> -> memref<10000x128xf32, #tpu.memory_space<hbm>>
        tpu.enqueue_indirect_dma source(%dma_start3A_94 : memref<10000x128xf32, #tpu.memory_space<hbm>>) target(%arg9 : memref<80x128xf32, #tpu.memory_space<vmem>>) offsets(%dma_start3A_91 : memref<80xi32, #tpu.memory_space<vmem>>) semaphore(%arg11 : memref<!tpu.dma_semaphore, #tpu.memory_space<semaphore_mem>>)
      } else {
      }
      %add3A_76 = arith.constant 1 : i32
      %add3A_77 = arith.addi %mul3A_56, %add3A_76 : i32
      %dma_wait3A_78 = arith.constant 0 : i32
      %dma_wait3A_79 = tpu.memref_slice %arg7[%add3A_77, %dma_wait3A_78] : memref<250x80xi32, #tpu.memory_space<vmem>> -> memref<1x80xi32, #tpu.memory_space<vmem>>
      %dma_wait3A_80 = tpu.memref_squeeze %dma_wait3A_79 : memref<1x80xi32, #tpu.memory_space<vmem>> -> memref<80xi32, #tpu.memory_space<vmem>>
      %dma_wait3A_81 = arith.constant 0 : i32
      %dma_wait3A_82 = arith.constant 0 : i32
      %dma_wait3A_83 = tpu.memref_slice %arg2[%dma_wait3A_81, %dma_wait3A_82] : memref<10000x128xf32, #tpu.memory_space<hbm>> -> memref<10000x128xf32, #tpu.memory_space<hbm>>
      tpu.wait_indirect_dma semaphore(%arg12 : memref<!tpu.dma_semaphore, #tpu.memory_space<semaphore_mem>>) src(%dma_wait3A_83 : memref<10000x128xf32, #tpu.memory_space<hbm>>) dst(%arg10 : memref<80x128xf32, #tpu.memory_space<vmem>>)
      %add3A_84 = arith.constant 1 : i32
      %add3A_85 = arith.addi %mul3A_56, %add3A_84 : i32
      "tpu.region"() ({
        %run_scoped3A = tpu.sem_alloc : memref<!tpu.dma_semaphore, #tpu.memory_space<semaphore_mem>>
        %dma_start3A_87 = arith.constant 0 : i32
        %dma_start3A_88 = tpu.memref_slice %arg8[%add3A_85, %dma_start3A_87] : memref<250x80xi32, #tpu.memory_space<vmem>> -> memref<1x80xi32, #tpu.memory_space<vmem>>
        %dma_start3A_89 = tpu.memref_squeeze %dma_start3A_88 : memref<1x80xi32, #tpu.memory_space<vmem>> -> memref<80xi32, #tpu.memory_space<vmem>>
        %dma_start3A_90 = arith.constant 0 : i32
        %dma_start3A_91 = arith.constant 0 : i32
        %dma_start3A_92 = tpu.memref_slice %arg6[%dma_start3A_90, %dma_start3A_91] : memref<5128x128xf32, #tpu.memory_space<vmem_shared>> -> memref<5128x128xf32, #tpu.memory_space<vmem_shared>>
        tpu.enqueue_indirect_dma source(%arg10 : memref<80x128xf32, #tpu.memory_space<vmem>>) target(%dma_start3A_92 : memref<5128x128xf32, #tpu.memory_space<vmem_shared>>) offsets(%dma_start3A_89 : memref<80xi32, #tpu.memory_space<vmem>>) semaphore(%run_scoped3A : memref<!tpu.dma_semaphore, #tpu.memory_space<semaphore_mem>>) {add = true}
        %dma_wait3A_93 = arith.constant 0 : i32
        %dma_wait3A_94 = tpu.memref_slice %arg8[%add3A_85, %dma_wait3A_93] : memref<250x80xi32, #tpu.memory_space<vmem>> -> memref<1x80xi32, #tpu.memory_space<vmem>>
        %dma_wait3A_95 = tpu.memref_squeeze %dma_wait3A_94 : memref<1x80xi32, #tpu.memory_space<vmem>> -> memref<80xi32, #tpu.memory_space<vmem>>
        %dma_wait3A_96 = arith.constant 0 : i32
        %dma_wait3A_97 = arith.constant 0 : i32
        %dma_wait3A_98 = tpu.memref_slice %arg6[%dma_wait3A_96, %dma_wait3A_97] : memref<5128x128xf32, #tpu.memory_space<vmem_shared>> -> memref<5128x128xf32, #tpu.memory_space<vmem_shared>>
        tpu.wait_indirect_dma semaphore(%run_scoped3A : memref<!tpu.dma_semaphore, #tpu.memory_space<semaphore_mem>>) src(%arg10 : memref<80x128xf32, #tpu.memory_space<vmem>>) dst(%dma_wait3A_98 : memref<5128x128xf32, #tpu.memory_space<vmem_shared>>)
        tpu.yield
      }) : () -> ()
      %scan3A_86 = arith.constant 0 : i32
      scf.yield %scan3A_86 : i32
    }
    %scan3A_44 = arith.constant 125 : i32
    %barrier3A_45 = arith.constant 0 : index
    tpu.barrier barrier_id(%barrier3A_45)
    %mul3A_46 = arith.constant 320 : i32
    %mul3A_47 = arith.muli %arg1, %mul3A_46 : i32
    %mul3A_48 = arith.constant 5120 : i32
    %mul3A_49 = arith.muli %arg0, %mul3A_48 : i32
    %mul3A_50 = arith.constant 320 : i32
    %mul3A_51 = arith.muli %arg1, %mul3A_50 : i32
    %add3A_52 = arith.addi %mul3A_49, %mul3A_51 : i32
    "tpu.region"() ({
      %run_scoped3A = tpu.sem_alloc : memref<!tpu.dma_semaphore, #tpu.memory_space<semaphore_mem>>
      %dma_start3A_53 = arith.constant 0 : i32
      %dma_start3A_54 = tpu.memref_slice %arg5[%add3A_52, %dma_start3A_53] : memref<10240x128xf32, #tpu.memory_space<hbm>> -> memref<320x128xf32, #tpu.memory_space<hbm>>
      %dma_start3A_55 = arith.constant 0 : i32
      %dma_start3A_56 = tpu.memref_slice %arg6[%mul3A_47, %dma_start3A_55] : memref<5128x128xf32, #tpu.memory_space<vmem_shared>> -> memref<320x128xf32, #tpu.memory_space<vmem_shared>>
      tpu.enqueue_dma source(%dma_start3A_56 : memref<320x128xf32, #tpu.memory_space<vmem_shared>>) target(%dma_start3A_54 : memref<320x128xf32, #tpu.memory_space<hbm>>) target_semaphore(%run_scoped3A : memref<!tpu.dma_semaphore, #tpu.memory_space<semaphore_mem>>)
      %dma_wait3A = arith.constant 0 : i32
      %dma_wait3A_57 = tpu.memref_slice %arg5[%add3A_52, %dma_wait3A] : memref<10240x128xf32, #tpu.memory_space<hbm>> -> memref<320x128xf32, #tpu.memory_space<hbm>>
      %dma_wait3A_58 = arith.constant 0 : i32
      %dma_wait3A_59 = tpu.memref_slice %arg6[%mul3A_47, %dma_wait3A_58] : memref<5128x128xf32, #tpu.memory_space<vmem_shared>> -> memref<320x128xf32, #tpu.memory_space<vmem_shared>>
      tpu.wait_dma2 semaphore(%run_scoped3A : memref<!tpu.dma_semaphore, #tpu.memory_space<semaphore_mem>>) src(%dma_wait3A_59 : memref<320x128xf32, #tpu.memory_space<vmem_shared>>) dst(%dma_wait3A_57 : memref<320x128xf32, #tpu.memory_space<hbm>>)
      tpu.yield
    }) : () -> ()
    return
  }
}

#map = affine_map<(d0, d1) -> (0, 0)>
#map1 = affine_map<(d0, d1) -> (0, 0, 0)>
module attributes {stable_mosaic.version = 14 : i64} {
  func.func @_edge_body(%arg0: i32, %arg1: i32, %arg2: memref<10000x128xf32, #tpu.memory_space<hbm>>, %arg3: memref<16x250x80xi32, #tpu.memory_space<hbm>>, %arg4: memref<16x250x80xi32, #tpu.memory_space<hbm>>, %arg5: memref<10240x128xf32, #tpu.memory_space<hbm>>, %arg6: memref<5128x128xf32, #tpu.memory_space<vmem_shared>>, %arg7: memref<250x80xi32, #tpu.memory_space<vmem>>, %arg8: memref<250x80xi32, #tpu.memory_space<vmem>>, %arg9: memref<80x128xf32, #tpu.memory_space<vmem>>, %arg10: memref<80x128xf32, #tpu.memory_space<vmem>>, %arg11: memref<!tpu.dma_semaphore, #tpu.memory_space<semaphore_mem>>, %arg12: memref<!tpu.dma_semaphore, #tpu.memory_space<semaphore_mem>>) attributes {dimension_semantics = [#tpu.dimension_semantics<core_parallel>, #tpu.dimension_semantics<subcore_parallel>], iteration_bounds = array<i64: 2, 16>, scalar_prefetch = 0 : i64, scratch_operands = 7 : i64, tpu.core_type = #tpu.core_type<sc_vector_subcore>, window_params = [{transform_indices = #map}, {transform_indices = #map1}, {transform_indices = #map1}, {transform_indices = #map}]} {
    %broadcast_in_dim3A = arith.constant 0.000000e+00 : f32
    %broadcast_in_dim3A_0 = vector.broadcast %broadcast_in_dim3A : f32 to vector<16xf32>
    %scan3A = arith.constant 0 : i32
    %scan3A_1 = arith.constant 0 : i32
    %scan3A_2 = arith.constant 80 : i32
    %scan3A_3 = arith.addi %scan3A_1, %scan3A_2 : i32
    %scan3A_4 = arith.constant 1 : i32
    %scan3A_5 = scf.for %scan3A_53 = %scan3A_1 to %scan3A_3 step %scan3A_4 iter_args(%scan3A_54 = %scan3A) -> (i32)  : i32 {
      %swap3A = arith.index_cast %scan3A_53 : i32 to index
      %swap3A_55 = arith.constant 0 : index
      %swap3A_56 = tpu.vector_load %arg9[%swap3A, %swap3A_55] {strides = array<i32>} : memref<80x128xf32, #tpu.memory_space<vmem>>, vector<1x16xf32>,
      %swap3A_57 = vector.shape_cast %swap3A_56 : vector<1x16xf32> to vector<16xf32>
      %swap3A_58 = vector.shape_cast %broadcast_in_dim3A_0 : vector<16xf32> to vector<1x16xf32>
      tpu.vector_store %arg9[%swap3A, %swap3A_55], %swap3A_58 {strides = array<i32>} : memref<80x128xf32, #tpu.memory_space<vmem>>, vector<1x16xf32>,
      %swap3A_59 = arith.index_cast %scan3A_53 : i32 to index
      %swap3A_60 = arith.constant 16 : index
      %swap3A_61 = tpu.vector_load %arg9[%swap3A_59, %swap3A_60] {strides = array<i32>} : memref<80x128xf32, #tpu.memory_space<vmem>>, vector<1x16xf32>,
      %swap3A_62 = vector.shape_cast %swap3A_61 : vector<1x16xf32> to vector<16xf32>
      %swap3A_63 = vector.shape_cast %broadcast_in_dim3A_0 : vector<16xf32> to vector<1x16xf32>
      tpu.vector_store %arg9[%swap3A_59, %swap3A_60], %swap3A_63 {strides = array<i32>} : memref<80x128xf32, #tpu.memory_space<vmem>>, vector<1x16xf32>,
      %swap3A_64 = arith.index_cast %scan3A_53 : i32 to index
      %swap3A_65 = arith.constant 32 : index
      %swap3A_66 = tpu.vector_load %arg9[%swap3A_64, %swap3A_65] {strides = array<i32>} : memref<80x128xf32, #tpu.memory_space<vmem>>, vector<1x16xf32>,
      %swap3A_67 = vector.shape_cast %swap3A_66 : vector<1x16xf32> to vector<16xf32>
      %swap3A_68 = vector.shape_cast %broadcast_in_dim3A_0 : vector<16xf32> to vector<1x16xf32>
      tpu.vector_store %arg9[%swap3A_64, %swap3A_65], %swap3A_68 {strides = array<i32>} : memref<80x128xf32, #tpu.memory_space<vmem>>, vector<1x16xf32>,
      %swap3A_69 = arith.index_cast %scan3A_53 : i32 to index
      %swap3A_70 = arith.constant 48 : index
      %swap3A_71 = tpu.vector_load %arg9[%swap3A_69, %swap3A_70] {strides = array<i32>} : memref<80x128xf32, #tpu.memory_space<vmem>>, vector<1x16xf32>,
      %swap3A_72 = vector.shape_cast %swap3A_71 : vector<1x16xf32> to vector<16xf32>
      %swap3A_73 = vector.shape_cast %broadcast_in_dim3A_0 : vector<16xf32> to vector<1x16xf32>
      tpu.vector_store %arg9[%swap3A_69, %swap3A_70], %swap3A_73 {strides = array<i32>} : memref<80x128xf32, #tpu.memory_space<vmem>>, vector<1x16xf32>,
      %swap3A_74 = arith.index_cast %scan3A_53 : i32 to index
      %swap3A_75 = arith.constant 64 : index
      %swap3A_76 = tpu.vector_load %arg9[%swap3A_74, %swap3A_75] {strides = array<i32>} : memref<80x128xf32, #tpu.memory_space<vmem>>, vector<1x16xf32>,
      %swap3A_77 = vector.shape_cast %swap3A_76 : vector<1x16xf32> to vector<16xf32>
      %swap3A_78 = vector.shape_cast %broadcast_in_dim3A_0 : vector<16xf32> to vector<1x16xf32>
      tpu.vector_store %arg9[%swap3A_74, %swap3A_75], %swap3A_78 {strides = array<i32>} : memref<80x128xf32, #tpu.memory_space<vmem>>, vector<1x16xf32>,
      %swap3A_79 = arith.index_cast %scan3A_53 : i32 to index
      %swap3A_80 = arith.constant 80 : index
      %swap3A_81 = tpu.vector_load %arg9[%swap3A_79, %swap3A_80] {strides = array<i32>} : memref<80x128xf32, #tpu.memory_space<vmem>>, vector<1x16xf32>,
      %swap3A_82 = vector.shape_cast %swap3A_81 : vector<1x16xf32> to vector<16xf32>
      %swap3A_83 = vector.shape_cast %broadcast_in_dim3A_0 : vector<16xf32> to vector<1x16xf32>
      tpu.vector_store %arg9[%swap3A_79, %swap3A_80], %swap3A_83 {strides = array<i32>} : memref<80x128xf32, #tpu.memory_space<vmem>>, vector<1x16xf32>,
      %swap3A_84 = arith.index_cast %scan3A_53 : i32 to index
      %swap3A_85 = arith.constant 96 : index
      %swap3A_86 = tpu.vector_load %arg9[%swap3A_84, %swap3A_85] {strides = array<i32>} : memref<80x128xf32, #tpu.memory_space<vmem>>, vector<1x16xf32>,
      %swap3A_87 = vector.shape_cast %swap3A_86 : vector<1x16xf32> to vector<16xf32>
      %swap3A_88 = vector.shape_cast %broadcast_in_dim3A_0 : vector<16xf32> to vector<1x16xf32>
      tpu.vector_store %arg9[%swap3A_84, %swap3A_85], %swap3A_88 {strides = array<i32>} : memref<80x128xf32, #tpu.memory_space<vmem>>, vector<1x16xf32>,
      %swap3A_89 = arith.index_cast %scan3A_53 : i32 to index
      %swap3A_90 = arith.constant 112 : index
      %swap3A_91 = tpu.vector_load %arg9[%swap3A_89, %swap3A_90] {strides = array<i32>} : memref<80x128xf32, #tpu.memory_space<vmem>>, vector<1x16xf32>,
      %swap3A_92 = vector.shape_cast %swap3A_91 : vector<1x16xf32> to vector<16xf32>
      %swap3A_93 = vector.shape_cast %broadcast_in_dim3A_0 : vector<16xf32> to vector<1x16xf32>
      tpu.vector_store %arg9[%swap3A_89, %swap3A_90], %swap3A_93 {strides = array<i32>} : memref<80x128xf32, #tpu.memory_space<vmem>>, vector<1x16xf32>,
      %scan3A_94 = arith.constant 0 : i32
      scf.yield %scan3A_94 : i32
    }
    %scan3A_6 = arith.constant 80 : i32
    %mul3A = arith.constant 320 : i32
    %mul3A_7 = arith.muli %arg1, %mul3A : i32
    %add3A = arith.constant 0 : i32
    %add3A_8 = arith.addi %mul3A_7, %add3A : i32
    "tpu.region"() ({
      %run_scoped3A = tpu.sem_alloc : memref<!tpu.dma_semaphore, #tpu.memory_space<semaphore_mem>>
      %dma_start3A_53 = arith.constant 0 : i32
      %dma_start3A_54 = tpu.memref_slice %arg6[%add3A_8, %dma_start3A_53] : memref<5128x128xf32, #tpu.memory_space<vmem_shared>> -> memref<80x128xf32, #tpu.memory_space<vmem_shared>>
      %dma_start3A_55 = arith.constant 0 : i32
      %dma_start3A_56 = tpu.memref_slice %arg6[%add3A_8, %dma_start3A_55] : memref<5128x128xf32, #tpu.memory_space<vmem_shared>> -> memref<80x128xf32, #tpu.memory_space<vmem_shared>>
      tpu.enqueue_dma source(%arg9 : memref<80x128xf32, #tpu.memory_space<vmem>>) target(%dma_start3A_56 : memref<80x128xf32, #tpu.memory_space<vmem_shared>>) target_semaphore(%run_scoped3A : memref<!tpu.dma_semaphore, #tpu.memory_space<semaphore_mem>>)
      %dma_wait3A = arith.constant 0 : i32
      %dma_wait3A_57 = tpu.memref_slice %arg6[%add3A_8, %dma_wait3A] : memref<5128x128xf32, #tpu.memory_space<vmem_shared>> -> memref<80x128xf32, #tpu.memory_space<vmem_shared>>
      %dma_wait3A_58 = arith.constant 0 : i32
      %dma_wait3A_59 = tpu.memref_slice %arg6[%add3A_8, %dma_wait3A_58] : memref<5128x128xf32, #tpu.memory_space<vmem_shared>> -> memref<80x128xf32, #tpu.memory_space<vmem_shared>>
      tpu.wait_dma2 semaphore(%run_scoped3A : memref<!tpu.dma_semaphore, #tpu.memory_space<semaphore_mem>>) src(%arg9 : memref<80x128xf32, #tpu.memory_space<vmem>>) dst(%dma_wait3A_59 : memref<80x128xf32, #tpu.memory_space<vmem_shared>>)
      tpu.yield
    }) : () -> ()
    %mul3A_9 = arith.constant 320 : i32
    %mul3A_10 = arith.muli %arg1, %mul3A_9 : i32
    %add3A_11 = arith.constant 80 : i32
    %add3A_12 = arith.addi %mul3A_10, %add3A_11 : i32
    "tpu.region"() ({
      %run_scoped3A = tpu.sem_alloc : memref<!tpu.dma_semaphore, #tpu.memory_space<semaphore_mem>>
      %dma_start3A_53 = arith.constant 0 : i32
      %dma_start3A_54 = tpu.memref_slice %arg6[%add3A_12, %dma_start3A_53] : memref<5128x128xf32, #tpu.memory_space<vmem_shared>> -> memref<80x128xf32, #tpu.memory_space<vmem_shared>>
      %dma_start3A_55 = arith.constant 0 : i32
      %dma_start3A_56 = tpu.memref_slice %arg6[%add3A_12, %dma_start3A_55] : memref<5128x128xf32, #tpu.memory_space<vmem_shared>> -> memref<80x128xf32, #tpu.memory_space<vmem_shared>>
      tpu.enqueue_dma source(%arg9 : memref<80x128xf32, #tpu.memory_space<vmem>>) target(%dma_start3A_56 : memref<80x128xf32, #tpu.memory_space<vmem_shared>>) target_semaphore(%run_scoped3A : memref<!tpu.dma_semaphore, #tpu.memory_space<semaphore_mem>>)
      %dma_wait3A = arith.constant 0 : i32
      %dma_wait3A_57 = tpu.memref_slice %arg6[%add3A_12, %dma_wait3A] : memref<5128x128xf32, #tpu.memory_space<vmem_shared>> -> memref<80x128xf32, #tpu.memory_space<vmem_shared>>
      %dma_wait3A_58 = arith.constant 0 : i32
      %dma_wait3A_59 = tpu.memref_slice %arg6[%add3A_12, %dma_wait3A_58] : memref<5128x128xf32, #tpu.memory_space<vmem_shared>> -> memref<80x128xf32, #tpu.memory_space<vmem_shared>>
      tpu.wait_dma2 semaphore(%run_scoped3A : memref<!tpu.dma_semaphore, #tpu.memory_space<semaphore_mem>>) src(%arg9 : memref<80x128xf32, #tpu.memory_space<vmem>>) dst(%dma_wait3A_59 : memref<80x128xf32, #tpu.memory_space<vmem_shared>>)
      tpu.yield
    }) : () -> ()
    %mul3A_13 = arith.constant 320 : i32
    %mul3A_14 = arith.muli %arg1, %mul3A_13 : i32
    %add3A_15 = arith.constant 160 : i32
    %add3A_16 = arith.addi %mul3A_14, %add3A_15 : i32
    "tpu.region"() ({
      %run_scoped3A = tpu.sem_alloc : memref<!tpu.dma_semaphore, #tpu.memory_space<semaphore_mem>>
      %dma_start3A_53 = arith.constant 0 : i32
      %dma_start3A_54 = tpu.memref_slice %arg6[%add3A_16, %dma_start3A_53] : memref<5128x128xf32, #tpu.memory_space<vmem_shared>> -> memref<80x128xf32, #tpu.memory_space<vmem_shared>>
      %dma_start3A_55 = arith.constant 0 : i32
      %dma_start3A_56 = tpu.memref_slice %arg6[%add3A_16, %dma_start3A_55] : memref<5128x128xf32, #tpu.memory_space<vmem_shared>> -> memref<80x128xf32, #tpu.memory_space<vmem_shared>>
      tpu.enqueue_dma source(%arg9 : memref<80x128xf32, #tpu.memory_space<vmem>>) target(%dma_start3A_56 : memref<80x128xf32, #tpu.memory_space<vmem_shared>>) target_semaphore(%run_scoped3A : memref<!tpu.dma_semaphore, #tpu.memory_space<semaphore_mem>>)
      %dma_wait3A = arith.constant 0 : i32
      %dma_wait3A_57 = tpu.memref_slice %arg6[%add3A_16, %dma_wait3A] : memref<5128x128xf32, #tpu.memory_space<vmem_shared>> -> memref<80x128xf32, #tpu.memory_space<vmem_shared>>
      %dma_wait3A_58 = arith.constant 0 : i32
      %dma_wait3A_59 = tpu.memref_slice %arg6[%add3A_16, %dma_wait3A_58] : memref<5128x128xf32, #tpu.memory_space<vmem_shared>> -> memref<80x128xf32, #tpu.memory_space<vmem_shared>>
      tpu.wait_dma2 semaphore(%run_scoped3A : memref<!tpu.dma_semaphore, #tpu.memory_space<semaphore_mem>>) src(%arg9 : memref<80x128xf32, #tpu.memory_space<vmem>>) dst(%dma_wait3A_59 : memref<80x128xf32, #tpu.memory_space<vmem_shared>>)
      tpu.yield
    }) : () -> ()
    %mul3A_17 = arith.constant 320 : i32
    %mul3A_18 = arith.muli %arg1, %mul3A_17 : i32
    %add3A_19 = arith.constant 240 : i32
    %add3A_20 = arith.addi %mul3A_18, %add3A_19 : i32
    "tpu.region"() ({
      %run_scoped3A = tpu.sem_alloc : memref<!tpu.dma_semaphore, #tpu.memory_space<semaphore_mem>>
      %dma_start3A_53 = arith.constant 0 : i32
      %dma_start3A_54 = tpu.memref_slice %arg6[%add3A_20, %dma_start3A_53] : memref<5128x128xf32, #tpu.memory_space<vmem_shared>> -> memref<80x128xf32, #tpu.memory_space<vmem_shared>>
      %dma_start3A_55 = arith.constant 0 : i32
      %dma_start3A_56 = tpu.memref_slice %arg6[%add3A_20, %dma_start3A_55] : memref<5128x128xf32, #tpu.memory_space<vmem_shared>> -> memref<80x128xf32, #tpu.memory_space<vmem_shared>>
      tpu.enqueue_dma source(%arg9 : memref<80x128xf32, #tpu.memory_space<vmem>>) target(%dma_start3A_56 : memref<80x128xf32, #tpu.memory_space<vmem_shared>>) target_semaphore(%run_scoped3A : memref<!tpu.dma_semaphore, #tpu.memory_space<semaphore_mem>>)
      %dma_wait3A = arith.constant 0 : i32
      %dma_wait3A_57 = tpu.memref_slice %arg6[%add3A_20, %dma_wait3A] : memref<5128x128xf32, #tpu.memory_space<vmem_shared>> -> memref<80x128xf32, #tpu.memory_space<vmem_shared>>
      %dma_wait3A_58 = arith.constant 0 : i32
      %dma_wait3A_59 = tpu.memref_slice %arg6[%add3A_20, %dma_wait3A_58] : memref<5128x128xf32, #tpu.memory_space<vmem_shared>> -> memref<80x128xf32, #tpu.memory_space<vmem_shared>>
      tpu.wait_dma2 semaphore(%run_scoped3A : memref<!tpu.dma_semaphore, #tpu.memory_space<semaphore_mem>>) src(%arg9 : memref<80x128xf32, #tpu.memory_space<vmem>>) dst(%dma_wait3A_59 : memref<80x128xf32, #tpu.memory_space<vmem_shared>>)
      tpu.yield
    }) : () -> ()
    %eq3A = arith.constant 15 : i32
    %eq3A_21 = arith.cmpi eq, %arg1, %eq3A : i32
    %convert_element_type3A = arith.extui %eq3A_21 : i1 to i32
    %cond3A = arith.constant 0 : i32
    %cond3A_22 = arith.cmpi ne, %convert_element_type3A, %cond3A : i32
    scf.if %cond3A_22 {
      "tpu.region"() ({
        %run_scoped3A = tpu.sem_alloc : memref<!tpu.dma_semaphore, #tpu.memory_space<semaphore_mem>>
        %dma_start3A_53 = arith.constant 0 : i32
        %dma_start3A_54 = arith.constant 0 : i32
        %dma_start3A_55 = tpu.memref_slice %arg9[%dma_start3A_53, %dma_start3A_54] : memref<80x128xf32, #tpu.memory_space<vmem>> -> memref<8x128xf32, #tpu.memory_space<vmem>>
        %dma_start3A_56 = arith.constant 5120 : i32
        %dma_start3A_57 = arith.constant 0 : i32
        %dma_start3A_58 = tpu.memref_slice %arg6[%dma_start3A_56, %dma_start3A_57] : memref<5128x128xf32, #tpu.memory_space<vmem_shared>> -> memref<8x128xf32, #tpu.memory_space<vmem_shared>>
        %dma_start3A_59 = arith.constant 5120 : i32
        %dma_start3A_60 = arith.constant 0 : i32
        %dma_start3A_61 = tpu.memref_slice %arg6[%dma_start3A_59, %dma_start3A_60] : memref<5128x128xf32, #tpu.memory_space<vmem_shared>> -> memref<8x128xf32, #tpu.memory_space<vmem_shared>>
        %dma_start3A_62 = arith.constant 0 : i32
        %dma_start3A_63 = arith.constant 0 : i32
        %dma_start3A_64 = tpu.memref_slice %arg9[%dma_start3A_62, %dma_start3A_63] : memref<80x128xf32, #tpu.memory_space<vmem>> -> memref<8x128xf32, #tpu.memory_space<vmem>>
        tpu.enqueue_dma source(%dma_start3A_64 : memref<8x128xf32, #tpu.memory_space<vmem>>) target(%dma_start3A_61 : memref<8x128xf32, #tpu.memory_space<vmem_shared>>) target_semaphore(%run_scoped3A : memref<!tpu.dma_semaphore, #tpu.memory_space<semaphore_mem>>)
        %dma_wait3A = arith.constant 0 : i32
        %dma_wait3A_65 = arith.constant 0 : i32
        %dma_wait3A_66 = tpu.memref_slice %arg9[%dma_wait3A, %dma_wait3A_65] : memref<80x128xf32, #tpu.memory_space<vmem>> -> memref<8x128xf32, #tpu.memory_space<vmem>>
        %dma_wait3A_67 = arith.constant 5120 : i32
        %dma_wait3A_68 = arith.constant 0 : i32
        %dma_wait3A_69 = tpu.memref_slice %arg6[%dma_wait3A_67, %dma_wait3A_68] : memref<5128x128xf32, #tpu.memory_space<vmem_shared>> -> memref<8x128xf32, #tpu.memory_space<vmem_shared>>
        %dma_wait3A_70 = arith.constant 5120 : i32
        %dma_wait3A_71 = arith.constant 0 : i32
        %dma_wait3A_72 = tpu.memref_slice %arg6[%dma_wait3A_70, %dma_wait3A_71] : memref<5128x128xf32, #tpu.memory_space<vmem_shared>> -> memref<8x128xf32, #tpu.memory_space<vmem_shared>>
        %dma_wait3A_73 = arith.constant 0 : i32
        %dma_wait3A_74 = arith.constant 0 : i32
        %dma_wait3A_75 = tpu.memref_slice %arg9[%dma_wait3A_73, %dma_wait3A_74] : memref<80x128xf32, #tpu.memory_space<vmem>> -> memref<8x128xf32, #tpu.memory_space<vmem>>
        tpu.wait_dma2 semaphore(%run_scoped3A : memref<!tpu.dma_semaphore, #tpu.memory_space<semaphore_mem>>) src(%dma_wait3A_75 : memref<8x128xf32, #tpu.memory_space<vmem>>) dst(%dma_wait3A_72 : memref<8x128xf32, #tpu.memory_space<vmem_shared>>)
        tpu.yield
      }) : () -> ()
    } else {
    }
    "tpu.region"() ({
      %run_scoped3A = tpu.sem_alloc : memref<!tpu.dma_semaphore, #tpu.memory_space<semaphore_mem>>
      %dma_start3A_53 = arith.constant 0 : i32
      %dma_start3A_54 = arith.constant 0 : i32
      %dma_start3A_55 = tpu.memref_slice %arg3[%arg1, %dma_start3A_53, %dma_start3A_54] : memref<16x250x80xi32, #tpu.memory_space<hbm>> -> memref<1x250x80xi32, #tpu.memory_space<hbm>>
      %dma_start3A_56 = tpu.memref_squeeze %dma_start3A_55 : memref<1x250x80xi32, #tpu.memory_space<hbm>> -> memref<250x80xi32, #tpu.memory_space<hbm>>
      %dma_start3A_57 = arith.constant 0 : i32
      %dma_start3A_58 = arith.constant 0 : i32
      %dma_start3A_59 = tpu.memref_slice %arg3[%arg1, %dma_start3A_57, %dma_start3A_58] : memref<16x250x80xi32, #tpu.memory_space<hbm>> -> memref<1x250x80xi32, #tpu.memory_space<hbm>>
      %dma_start3A_60 = tpu.memref_squeeze %dma_start3A_59 : memref<1x250x80xi32, #tpu.memory_space<hbm>> -> memref<250x80xi32, #tpu.memory_space<hbm>>
      tpu.enqueue_dma source(%dma_start3A_60 : memref<250x80xi32, #tpu.memory_space<hbm>>) target(%arg7 : memref<250x80xi32, #tpu.memory_space<vmem>>) target_semaphore(%run_scoped3A : memref<!tpu.dma_semaphore, #tpu.memory_space<semaphore_mem>>)
      %dma_wait3A = arith.constant 0 : i32
      %dma_wait3A_61 = arith.constant 0 : i32
      %dma_wait3A_62 = tpu.memref_slice %arg3[%arg1, %dma_wait3A, %dma_wait3A_61] : memref<16x250x80xi32, #tpu.memory_space<hbm>> -> memref<1x250x80xi32, #tpu.memory_space<hbm>>
      %dma_wait3A_63 = tpu.memref_squeeze %dma_wait3A_62 : memref<1x250x80xi32, #tpu.memory_space<hbm>> -> memref<250x80xi32, #tpu.memory_space<hbm>>
      %dma_wait3A_64 = arith.constant 0 : i32
      %dma_wait3A_65 = arith.constant 0 : i32
      %dma_wait3A_66 = tpu.memref_slice %arg3[%arg1, %dma_wait3A_64, %dma_wait3A_65] : memref<16x250x80xi32, #tpu.memory_space<hbm>> -> memref<1x250x80xi32, #tpu.memory_space<hbm>>
      %dma_wait3A_67 = tpu.memref_squeeze %dma_wait3A_66 : memref<1x250x80xi32, #tpu.memory_space<hbm>> -> memref<250x80xi32, #tpu.memory_space<hbm>>
      tpu.wait_dma2 semaphore(%run_scoped3A : memref<!tpu.dma_semaphore, #tpu.memory_space<semaphore_mem>>) src(%dma_wait3A_67 : memref<250x80xi32, #tpu.memory_space<hbm>>) dst(%arg7 : memref<250x80xi32, #tpu.memory_space<vmem>>)
      tpu.yield
    }) : () -> ()
    "tpu.region"() ({
      %run_scoped3A = tpu.sem_alloc : memref<!tpu.dma_semaphore, #tpu.memory_space<semaphore_mem>>
      %dma_start3A_53 = arith.constant 0 : i32
      %dma_start3A_54 = arith.constant 0 : i32
      %dma_start3A_55 = tpu.memref_slice %arg4[%arg1, %dma_start3A_53, %dma_start3A_54] : memref<16x250x80xi32, #tpu.memory_space<hbm>> -> memref<1x250x80xi32, #tpu.memory_space<hbm>>
      %dma_start3A_56 = tpu.memref_squeeze %dma_start3A_55 : memref<1x250x80xi32, #tpu.memory_space<hbm>> -> memref<250x80xi32, #tpu.memory_space<hbm>>
      %dma_start3A_57 = arith.constant 0 : i32
      %dma_start3A_58 = arith.constant 0 : i32
      %dma_start3A_59 = tpu.memref_slice %arg4[%arg1, %dma_start3A_57, %dma_start3A_58] : memref<16x250x80xi32, #tpu.memory_space<hbm>> -> memref<1x250x80xi32, #tpu.memory_space<hbm>>
      %dma_start3A_60 = tpu.memref_squeeze %dma_start3A_59 : memref<1x250x80xi32, #tpu.memory_space<hbm>> -> memref<250x80xi32, #tpu.memory_space<hbm>>
      tpu.enqueue_dma source(%dma_start3A_60 : memref<250x80xi32, #tpu.memory_space<hbm>>) target(%arg8 : memref<250x80xi32, #tpu.memory_space<vmem>>) target_semaphore(%run_scoped3A : memref<!tpu.dma_semaphore, #tpu.memory_space<semaphore_mem>>)
      %dma_wait3A = arith.constant 0 : i32
      %dma_wait3A_61 = arith.constant 0 : i32
      %dma_wait3A_62 = tpu.memref_slice %arg4[%arg1, %dma_wait3A, %dma_wait3A_61] : memref<16x250x80xi32, #tpu.memory_space<hbm>> -> memref<1x250x80xi32, #tpu.memory_space<hbm>>
      %dma_wait3A_63 = tpu.memref_squeeze %dma_wait3A_62 : memref<1x250x80xi32, #tpu.memory_space<hbm>> -> memref<250x80xi32, #tpu.memory_space<hbm>>
      %dma_wait3A_64 = arith.constant 0 : i32
      %dma_wait3A_65 = arith.constant 0 : i32
      %dma_wait3A_66 = tpu.memref_slice %arg4[%arg1, %dma_wait3A_64, %dma_wait3A_65] : memref<16x250x80xi32, #tpu.memory_space<hbm>> -> memref<1x250x80xi32, #tpu.memory_space<hbm>>
      %dma_wait3A_67 = tpu.memref_squeeze %dma_wait3A_66 : memref<1x250x80xi32, #tpu.memory_space<hbm>> -> memref<250x80xi32, #tpu.memory_space<hbm>>
      tpu.wait_dma2 semaphore(%run_scoped3A : memref<!tpu.dma_semaphore, #tpu.memory_space<semaphore_mem>>) src(%dma_wait3A_67 : memref<250x80xi32, #tpu.memory_space<hbm>>) dst(%arg8 : memref<250x80xi32, #tpu.memory_space<vmem>>)
      tpu.yield
    }) : () -> ()
    %mul3A_23 = arith.constant 5120 : i32
    %mul3A_24 = arith.muli %arg0, %mul3A_23 : i32
    %scan3A_25 = arith.constant 0 : i32
    %scan3A_26 = arith.constant 0 : i32
    %scan3A_27 = arith.constant 250 : i32
    %scan3A_28 = arith.addi %scan3A_26, %scan3A_27 : i32
    %scan3A_29 = arith.constant 1 : i32
    %scan3A_30 = scf.for %scan3A_53 = %scan3A_26 to %scan3A_28 step %scan3A_29 iter_args(%scan3A_54 = %scan3A_25) -> (i32)  : i32 {
      %get3A = arith.index_cast %scan3A_53 : i32 to index
      %get3A_55 = arith.constant 0 : index
      %get3A_56 = tpu.vector_load %arg8[%get3A, %get3A_55] {strides = array<i32>} : memref<250x80xi32, #tpu.memory_space<vmem>>, vector<1x16xi32>,
      %get3A_57 = vector.shape_cast %get3A_56 : vector<1x16xi32> to vector<16xi32>
      %sub3A = vector.broadcast %mul3A_24 : i32 to vector<16xi32>
      %sub3A_58 = arith.subi %get3A_57, %sub3A : vector<16xi32>
      %ge3A = arith.constant 0 : i32
      %ge3A_59 = vector.broadcast %ge3A : i32 to vector<16xi32>
      %ge3A_60 = arith.cmpi sge, %sub3A_58, %ge3A_59 : vector<16xi32>
      %lt3A = arith.constant 5120 : i32
      %lt3A_61 = vector.broadcast %lt3A : i32 to vector<16xi32>
      %lt3A_62 = arith.cmpi slt, %sub3A_58, %lt3A_61 : vector<16xi32>
      %and3A = arith.andi %ge3A_60, %lt3A_62 : vector<16xi1>
      %jit3A = arith.constant 5120 : i32
      %broadcast_in_dim3A_63 = vector.broadcast %jit3A : i32 to vector<16xi32>
      %select_n3A = arith.select %and3A, %sub3A_58, %broadcast_in_dim3A_63 : vector<16xi1>, vector<16xi32>
      %swap3A = arith.index_cast %scan3A_53 : i32 to index
      %swap3A_64 = arith.constant 0 : index
      %swap3A_65 = tpu.vector_load %arg8[%swap3A, %swap3A_64] {strides = array<i32>} : memref<250x80xi32, #tpu.memory_space<vmem>>, vector<1x16xi32>,
      %swap3A_66 = vector.shape_cast %swap3A_65 : vector<1x16xi32> to vector<16xi32>
      %swap3A_67 = vector.shape_cast %select_n3A : vector<16xi32> to vector<1x16xi32>
      tpu.vector_store %arg8[%swap3A, %swap3A_64], %swap3A_67 {strides = array<i32>} : memref<250x80xi32, #tpu.memory_space<vmem>>, vector<1x16xi32>,
      %get3A_68 = arith.index_cast %scan3A_53 : i32 to index
      %get3A_69 = arith.constant 16 : index
      %get3A_70 = tpu.vector_load %arg8[%get3A_68, %get3A_69] {strides = array<i32>} : memref<250x80xi32, #tpu.memory_space<vmem>>, vector<1x16xi32>,
      %get3A_71 = vector.shape_cast %get3A_70 : vector<1x16xi32> to vector<16xi32>
      %sub3A_72 = vector.broadcast %mul3A_24 : i32 to vector<16xi32>
      %sub3A_73 = arith.subi %get3A_71, %sub3A_72 : vector<16xi32>
      %ge3A_74 = arith.constant 0 : i32
      %ge3A_75 = vector.broadcast %ge3A_74 : i32 to vector<16xi32>
      %ge3A_76 = arith.cmpi sge, %sub3A_73, %ge3A_75 : vector<16xi32>
      %lt3A_77 = arith.constant 5120 : i32
      %lt3A_78 = vector.broadcast %lt3A_77 : i32 to vector<16xi32>
      %lt3A_79 = arith.cmpi slt, %sub3A_73, %lt3A_78 : vector<16xi32>
      %and3A_80 = arith.andi %ge3A_76, %lt3A_79 : vector<16xi1>
      %jit3A_81 = arith.constant 5120 : i32
      %broadcast_in_dim3A_82 = vector.broadcast %jit3A_81 : i32 to vector<16xi32>
      %select_n3A_83 = arith.select %and3A_80, %sub3A_73, %broadcast_in_dim3A_82 : vector<16xi1>, vector<16xi32>
      %swap3A_84 = arith.index_cast %scan3A_53 : i32 to index
      %swap3A_85 = arith.constant 16 : index
      %swap3A_86 = tpu.vector_load %arg8[%swap3A_84, %swap3A_85] {strides = array<i32>} : memref<250x80xi32, #tpu.memory_space<vmem>>, vector<1x16xi32>,
      %swap3A_87 = vector.shape_cast %swap3A_86 : vector<1x16xi32> to vector<16xi32>
      %swap3A_88 = vector.shape_cast %select_n3A_83 : vector<16xi32> to vector<1x16xi32>
      tpu.vector_store %arg8[%swap3A_84, %swap3A_85], %swap3A_88 {strides = array<i32>} : memref<250x80xi32, #tpu.memory_space<vmem>>, vector<1x16xi32>,
      %get3A_89 = arith.index_cast %scan3A_53 : i32 to index
      %get3A_90 = arith.constant 32 : index
      %get3A_91 = tpu.vector_load %arg8[%get3A_89, %get3A_90] {strides = array<i32>} : memref<250x80xi32, #tpu.memory_space<vmem>>, vector<1x16xi32>,
      %get3A_92 = vector.shape_cast %get3A_91 : vector<1x16xi32> to vector<16xi32>
      %sub3A_93 = vector.broadcast %mul3A_24 : i32 to vector<16xi32>
      %sub3A_94 = arith.subi %get3A_92, %sub3A_93 : vector<16xi32>
      %ge3A_95 = arith.constant 0 : i32
      %ge3A_96 = vector.broadcast %ge3A_95 : i32 to vector<16xi32>
      %ge3A_97 = arith.cmpi sge, %sub3A_94, %ge3A_96 : vector<16xi32>
      %lt3A_98 = arith.constant 5120 : i32
      %lt3A_99 = vector.broadcast %lt3A_98 : i32 to vector<16xi32>
      %lt3A_100 = arith.cmpi slt, %sub3A_94, %lt3A_99 : vector<16xi32>
      %and3A_101 = arith.andi %ge3A_97, %lt3A_100 : vector<16xi1>
      %jit3A_102 = arith.constant 5120 : i32
      %broadcast_in_dim3A_103 = vector.broadcast %jit3A_102 : i32 to vector<16xi32>
      %select_n3A_104 = arith.select %and3A_101, %sub3A_94, %broadcast_in_dim3A_103 : vector<16xi1>, vector<16xi32>
      %swap3A_105 = arith.index_cast %scan3A_53 : i32 to index
      %swap3A_106 = arith.constant 32 : index
      %swap3A_107 = tpu.vector_load %arg8[%swap3A_105, %swap3A_106] {strides = array<i32>} : memref<250x80xi32, #tpu.memory_space<vmem>>, vector<1x16xi32>,
      %swap3A_108 = vector.shape_cast %swap3A_107 : vector<1x16xi32> to vector<16xi32>
      %swap3A_109 = vector.shape_cast %select_n3A_104 : vector<16xi32> to vector<1x16xi32>
      tpu.vector_store %arg8[%swap3A_105, %swap3A_106], %swap3A_109 {strides = array<i32>} : memref<250x80xi32, #tpu.memory_space<vmem>>, vector<1x16xi32>,
      %get3A_110 = arith.index_cast %scan3A_53 : i32 to index
      %get3A_111 = arith.constant 48 : index
      %get3A_112 = tpu.vector_load %arg8[%get3A_110, %get3A_111] {strides = array<i32>} : memref<250x80xi32, #tpu.memory_space<vmem>>, vector<1x16xi32>,
      %get3A_113 = vector.shape_cast %get3A_112 : vector<1x16xi32> to vector<16xi32>
      %sub3A_114 = vector.broadcast %mul3A_24 : i32 to vector<16xi32>
      %sub3A_115 = arith.subi %get3A_113, %sub3A_114 : vector<16xi32>
      %ge3A_116 = arith.constant 0 : i32
      %ge3A_117 = vector.broadcast %ge3A_116 : i32 to vector<16xi32>
      %ge3A_118 = arith.cmpi sge, %sub3A_115, %ge3A_117 : vector<16xi32>
      %lt3A_119 = arith.constant 5120 : i32
      %lt3A_120 = vector.broadcast %lt3A_119 : i32 to vector<16xi32>
      %lt3A_121 = arith.cmpi slt, %sub3A_115, %lt3A_120 : vector<16xi32>
      %and3A_122 = arith.andi %ge3A_118, %lt3A_121 : vector<16xi1>
      %jit3A_123 = arith.constant 5120 : i32
      %broadcast_in_dim3A_124 = vector.broadcast %jit3A_123 : i32 to vector<16xi32>
      %select_n3A_125 = arith.select %and3A_122, %sub3A_115, %broadcast_in_dim3A_124 : vector<16xi1>, vector<16xi32>
      %swap3A_126 = arith.index_cast %scan3A_53 : i32 to index
      %swap3A_127 = arith.constant 48 : index
      %swap3A_128 = tpu.vector_load %arg8[%swap3A_126, %swap3A_127] {strides = array<i32>} : memref<250x80xi32, #tpu.memory_space<vmem>>, vector<1x16xi32>,
      %swap3A_129 = vector.shape_cast %swap3A_128 : vector<1x16xi32> to vector<16xi32>
      %swap3A_130 = vector.shape_cast %select_n3A_125 : vector<16xi32> to vector<1x16xi32>
      tpu.vector_store %arg8[%swap3A_126, %swap3A_127], %swap3A_130 {strides = array<i32>} : memref<250x80xi32, #tpu.memory_space<vmem>>, vector<1x16xi32>,
      %get3A_131 = arith.index_cast %scan3A_53 : i32 to index
      %get3A_132 = arith.constant 64 : index
      %get3A_133 = tpu.vector_load %arg8[%get3A_131, %get3A_132] {strides = array<i32>} : memref<250x80xi32, #tpu.memory_space<vmem>>, vector<1x16xi32>,
      %get3A_134 = vector.shape_cast %get3A_133 : vector<1x16xi32> to vector<16xi32>
      %sub3A_135 = vector.broadcast %mul3A_24 : i32 to vector<16xi32>
      %sub3A_136 = arith.subi %get3A_134, %sub3A_135 : vector<16xi32>
      %ge3A_137 = arith.constant 0 : i32
      %ge3A_138 = vector.broadcast %ge3A_137 : i32 to vector<16xi32>
      %ge3A_139 = arith.cmpi sge, %sub3A_136, %ge3A_138 : vector<16xi32>
      %lt3A_140 = arith.constant 5120 : i32
      %lt3A_141 = vector.broadcast %lt3A_140 : i32 to vector<16xi32>
      %lt3A_142 = arith.cmpi slt, %sub3A_136, %lt3A_141 : vector<16xi32>
      %and3A_143 = arith.andi %ge3A_139, %lt3A_142 : vector<16xi1>
      %jit3A_144 = arith.constant 5120 : i32
      %broadcast_in_dim3A_145 = vector.broadcast %jit3A_144 : i32 to vector<16xi32>
      %select_n3A_146 = arith.select %and3A_143, %sub3A_136, %broadcast_in_dim3A_145 : vector<16xi1>, vector<16xi32>
      %swap3A_147 = arith.index_cast %scan3A_53 : i32 to index
      %swap3A_148 = arith.constant 64 : index
      %swap3A_149 = tpu.vector_load %arg8[%swap3A_147, %swap3A_148] {strides = array<i32>} : memref<250x80xi32, #tpu.memory_space<vmem>>, vector<1x16xi32>,
      %swap3A_150 = vector.shape_cast %swap3A_149 : vector<1x16xi32> to vector<16xi32>
      %swap3A_151 = vector.shape_cast %select_n3A_146 : vector<16xi32> to vector<1x16xi32>
      tpu.vector_store %arg8[%swap3A_147, %swap3A_148], %swap3A_151 {strides = array<i32>} : memref<250x80xi32, #tpu.memory_space<vmem>>, vector<1x16xi32>,
      %scan3A_152 = arith.constant 0 : i32
      scf.yield %scan3A_152 : i32
    }
    %scan3A_31 = arith.constant 250 : i32
    %barrier3A = arith.constant 0 : index
    tpu.barrier barrier_id(%barrier3A)
    %dma_start3A = arith.constant 0 : i32
    %dma_start3A_32 = arith.constant 0 : i32
    %dma_start3A_33 = tpu.memref_slice %arg7[%dma_start3A, %dma_start3A_32] : memref<250x80xi32, #tpu.memory_space<vmem>> -> memref<1x80xi32, #tpu.memory_space<vmem>>
    %dma_start3A_34 = tpu.memref_squeeze %dma_start3A_33 : memref<1x80xi32, #tpu.memory_space<vmem>> -> memref<80xi32, #tpu.memory_space<vmem>>
    %dma_start3A_35 = arith.constant 0 : i32
    %dma_start3A_36 = arith.constant 0 : i32
    %dma_start3A_37 = tpu.memref_slice %arg2[%dma_start3A_35, %dma_start3A_36] : memref<10000x128xf32, #tpu.memory_space<hbm>> -> memref<10000x128xf32, #tpu.memory_space<hbm>>
    tpu.enqueue_indirect_dma source(%dma_start3A_37 : memref<10000x128xf32, #tpu.memory_space<hbm>>) target(%arg9 : memref<80x128xf32, #tpu.memory_space<vmem>>) offsets(%dma_start3A_34 : memref<80xi32, #tpu.memory_space<vmem>>) semaphore(%arg11 : memref<!tpu.dma_semaphore, #tpu.memory_space<semaphore_mem>>)
    %scan3A_38 = arith.constant 0 : i32
    %scan3A_39 = arith.constant 0 : i32
    %scan3A_40 = arith.constant 125 : i32
    %scan3A_41 = arith.addi %scan3A_39, %scan3A_40 : i32
    %scan3A_42 = arith.constant 1 : i32
    %scan3A_43 = scf.for %scan3A_53 = %scan3A_39 to %scan3A_41 step %scan3A_42 iter_args(%scan3A_54 = %scan3A_38) -> (i32)  : i32 {
      %mul3A_55 = arith.constant 2 : i32
      %mul3A_56 = arith.muli %mul3A_55, %scan3A_53 : i32
      %add3A_57 = arith.constant 1 : i32
      %add3A_58 = arith.addi %mul3A_56, %add3A_57 : i32
      %dma_start3A_59 = arith.constant 0 : i32
      %dma_start3A_60 = tpu.memref_slice %arg7[%add3A_58, %dma_start3A_59] : memref<250x80xi32, #tpu.memory_space<vmem>> -> memref<1x80xi32, #tpu.memory_space<vmem>>
      %dma_start3A_61 = tpu.memref_squeeze %dma_start3A_60 : memref<1x80xi32, #tpu.memory_space<vmem>> -> memref<80xi32, #tpu.memory_space<vmem>>
      %dma_start3A_62 = arith.constant 0 : i32
      %dma_start3A_63 = arith.constant 0 : i32
      %dma_start3A_64 = tpu.memref_slice %arg2[%dma_start3A_62, %dma_start3A_63] : memref<10000x128xf32, #tpu.memory_space<hbm>> -> memref<10000x128xf32, #tpu.memory_space<hbm>>
      tpu.enqueue_indirect_dma source(%dma_start3A_64 : memref<10000x128xf32, #tpu.memory_space<hbm>>) target(%arg10 : memref<80x128xf32, #tpu.memory_space<vmem>>) offsets(%dma_start3A_61 : memref<80xi32, #tpu.memory_space<vmem>>) semaphore(%arg12 : memref<!tpu.dma_semaphore, #tpu.memory_space<semaphore_mem>>)
      %dma_wait3A = arith.constant 0 : i32
      %dma_wait3A_65 = tpu.memref_slice %arg7[%mul3A_56, %dma_wait3A] : memref<250x80xi32, #tpu.memory_space<vmem>> -> memref<1x80xi32, #tpu.memory_space<vmem>>
      %dma_wait3A_66 = tpu.memref_squeeze %dma_wait3A_65 : memref<1x80xi32, #tpu.memory_space<vmem>> -> memref<80xi32, #tpu.memory_space<vmem>>
      %dma_wait3A_67 = arith.constant 0 : i32
      %dma_wait3A_68 = arith.constant 0 : i32
      %dma_wait3A_69 = tpu.memref_slice %arg2[%dma_wait3A_67, %dma_wait3A_68] : memref<10000x128xf32, #tpu.memory_space<hbm>> -> memref<10000x128xf32, #tpu.memory_space<hbm>>
      tpu.wait_indirect_dma semaphore(%arg11 : memref<!tpu.dma_semaphore, #tpu.memory_space<semaphore_mem>>) src(%dma_wait3A_69 : memref<10000x128xf32, #tpu.memory_space<hbm>>) dst(%arg9 : memref<80x128xf32, #tpu.memory_space<vmem>>)
      "tpu.region"() ({
        %run_scoped3A = tpu.sem_alloc : memref<!tpu.dma_semaphore, #tpu.memory_space<semaphore_mem>>
        %dma_start3A_87 = arith.constant 0 : i32
        %dma_start3A_88 = tpu.memref_slice %arg8[%mul3A_56, %dma_start3A_87] : memref<250x80xi32, #tpu.memory_space<vmem>> -> memref<1x80xi32, #tpu.memory_space<vmem>>
        %dma_start3A_89 = tpu.memref_squeeze %dma_start3A_88 : memref<1x80xi32, #tpu.memory_space<vmem>> -> memref<80xi32, #tpu.memory_space<vmem>>
        %dma_start3A_90 = arith.constant 0 : i32
        %dma_start3A_91 = arith.constant 0 : i32
        %dma_start3A_92 = tpu.memref_slice %arg6[%dma_start3A_90, %dma_start3A_91] : memref<5128x128xf32, #tpu.memory_space<vmem_shared>> -> memref<5128x128xf32, #tpu.memory_space<vmem_shared>>
        tpu.enqueue_indirect_dma source(%arg9 : memref<80x128xf32, #tpu.memory_space<vmem>>) target(%dma_start3A_92 : memref<5128x128xf32, #tpu.memory_space<vmem_shared>>) offsets(%dma_start3A_89 : memref<80xi32, #tpu.memory_space<vmem>>) semaphore(%run_scoped3A : memref<!tpu.dma_semaphore, #tpu.memory_space<semaphore_mem>>) {add = true}
        %dma_wait3A_93 = arith.constant 0 : i32
        %dma_wait3A_94 = tpu.memref_slice %arg8[%mul3A_56, %dma_wait3A_93] : memref<250x80xi32, #tpu.memory_space<vmem>> -> memref<1x80xi32, #tpu.memory_space<vmem>>
        %dma_wait3A_95 = tpu.memref_squeeze %dma_wait3A_94 : memref<1x80xi32, #tpu.memory_space<vmem>> -> memref<80xi32, #tpu.memory_space<vmem>>
        %dma_wait3A_96 = arith.constant 0 : i32
        %dma_wait3A_97 = arith.constant 0 : i32
        %dma_wait3A_98 = tpu.memref_slice %arg6[%dma_wait3A_96, %dma_wait3A_97] : memref<5128x128xf32, #tpu.memory_space<vmem_shared>> -> memref<5128x128xf32, #tpu.memory_space<vmem_shared>>
        tpu.wait_indirect_dma semaphore(%run_scoped3A : memref<!tpu.dma_semaphore, #tpu.memory_space<semaphore_mem>>) src(%arg9 : memref<80x128xf32, #tpu.memory_space<vmem>>) dst(%dma_wait3A_98 : memref<5128x128xf32, #tpu.memory_space<vmem_shared>>)
        tpu.yield
      }) : () -> ()
      %add3A_70 = arith.constant 2 : i32
      %add3A_71 = arith.addi %mul3A_56, %add3A_70 : i32
      %lt3A = arith.constant 250 : i32
      %lt3A_72 = arith.cmpi slt, %add3A_71, %lt3A : i32
      %convert_element_type3A_73 = arith.extui %lt3A_72 : i1 to i32
      %cond3A_74 = arith.constant 0 : i32
      %cond3A_75 = arith.cmpi ne, %convert_element_type3A_73, %cond3A_74 : i32
      scf.if %cond3A_75 {
        %add3A_87 = arith.constant 2 : i32
        %add3A_88 = arith.addi %mul3A_56, %add3A_87 : i32
        %dma_start3A_89 = arith.constant 0 : i32
        %dma_start3A_90 = tpu.memref_slice %arg7[%add3A_88, %dma_start3A_89] : memref<250x80xi32, #tpu.memory_space<vmem>> -> memref<1x80xi32, #tpu.memory_space<vmem>>
        %dma_start3A_91 = tpu.memref_squeeze %dma_start3A_90 : memref<1x80xi32, #tpu.memory_space<vmem>> -> memref<80xi32, #tpu.memory_space<vmem>>
        %dma_start3A_92 = arith.constant 0 : i32
        %dma_start3A_93 = arith.constant 0 : i32
        %dma_start3A_94 = tpu.memref_slice %arg2[%dma_start3A_92, %dma_start3A_93] : memref<10000x128xf32, #tpu.memory_space<hbm>> -> memref<10000x128xf32, #tpu.memory_space<hbm>>
        tpu.enqueue_indirect_dma source(%dma_start3A_94 : memref<10000x128xf32, #tpu.memory_space<hbm>>) target(%arg9 : memref<80x128xf32, #tpu.memory_space<vmem>>) offsets(%dma_start3A_91 : memref<80xi32, #tpu.memory_space<vmem>>) semaphore(%arg11 : memref<!tpu.dma_semaphore, #tpu.memory_space<semaphore_mem>>)
      } else {
      }
      %add3A_76 = arith.constant 1 : i32
      %add3A_77 = arith.addi %mul3A_56, %add3A_76 : i32
      %dma_wait3A_78 = arith.constant 0 : i32
      %dma_wait3A_79 = tpu.memref_slice %arg7[%add3A_77, %dma_wait3A_78] : memref<250x80xi32, #tpu.memory_space<vmem>> -> memref<1x80xi32, #tpu.memory_space<vmem>>
      %dma_wait3A_80 = tpu.memref_squeeze %dma_wait3A_79 : memref<1x80xi32, #tpu.memory_space<vmem>> -> memref<80xi32, #tpu.memory_space<vmem>>
      %dma_wait3A_81 = arith.constant 0 : i32
      %dma_wait3A_82 = arith.constant 0 : i32
      %dma_wait3A_83 = tpu.memref_slice %arg2[%dma_wait3A_81, %dma_wait3A_82] : memref<10000x128xf32, #tpu.memory_space<hbm>> -> memref<10000x128xf32, #tpu.memory_space<hbm>>
      tpu.wait_indirect_dma semaphore(%arg12 : memref<!tpu.dma_semaphore, #tpu.memory_space<semaphore_mem>>) src(%dma_wait3A_83 : memref<10000x128xf32, #tpu.memory_space<hbm>>) dst(%arg10 : memref<80x128xf32, #tpu.memory_space<vmem>>)
      %add3A_84 = arith.constant 1 : i32
      %add3A_85 = arith.addi %mul3A_56, %add3A_84 : i32
      "tpu.region"() ({
        %run_scoped3A = tpu.sem_alloc : memref<!tpu.dma_semaphore, #tpu.memory_space<semaphore_mem>>
        %dma_start3A_87 = arith.constant 0 : i32
        %dma_start3A_88 = tpu.memref_slice %arg8[%add3A_85, %dma_start3A_87] : memref<250x80xi32, #tpu.memory_space<vmem>> -> memref<1x80xi32, #tpu.memory_space<vmem>>
        %dma_start3A_89 = tpu.memref_squeeze %dma_start3A_88 : memref<1x80xi32, #tpu.memory_space<vmem>> -> memref<80xi32, #tpu.memory_space<vmem>>
        %dma_start3A_90 = arith.constant 0 : i32
        %dma_start3A_91 = arith.constant 0 : i32
        %dma_start3A_92 = tpu.memref_slice %arg6[%dma_start3A_90, %dma_start3A_91] : memref<5128x128xf32, #tpu.memory_space<vmem_shared>> -> memref<5128x128xf32, #tpu.memory_space<vmem_shared>>
        tpu.enqueue_indirect_dma source(%arg10 : memref<80x128xf32, #tpu.memory_space<vmem>>) target(%dma_start3A_92 : memref<5128x128xf32, #tpu.memory_space<vmem_shared>>) offsets(%dma_start3A_89 : memref<80xi32, #tpu.memory_space<vmem>>) semaphore(%run_scoped3A : memref<!tpu.dma_semaphore, #tpu.memory_space<semaphore_mem>>) {add = true}
        %dma_wait3A_93 = arith.constant 0 : i32
        %dma_wait3A_94 = tpu.memref_slice %arg8[%add3A_85, %dma_wait3A_93] : memref<250x80xi32, #tpu.memory_space<vmem>> -> memref<1x80xi32, #tpu.memory_space<vmem>>
        %dma_wait3A_95 = tpu.memref_squeeze %dma_wait3A_94 : memref<1x80xi32, #tpu.memory_space<vmem>> -> memref<80xi32, #tpu.memory_space<vmem>>
        %dma_wait3A_96 = arith.constant 0 : i32
        %dma_wait3A_97 = arith.constant 0 : i32
        %dma_wait3A_98 = tpu.memref_slice %arg6[%dma_wait3A_96, %dma_wait3A_97] : memref<5128x128xf32, #tpu.memory_space<vmem_shared>> -> memref<5128x128xf32, #tpu.memory_space<vmem_shared>>
        tpu.wait_indirect_dma semaphore(%run_scoped3A : memref<!tpu.dma_semaphore, #tpu.memory_space<semaphore_mem>>) src(%arg10 : memref<80x128xf32, #tpu.memory_space<vmem>>) dst(%dma_wait3A_98 : memref<5128x128xf32, #tpu.memory_space<vmem_shared>>)
        tpu.yield
      }) : () -> ()
      %scan3A_86 = arith.constant 0 : i32
      scf.yield %scan3A_86 : i32
    }
    %scan3A_44 = arith.constant 125 : i32
    %barrier3A_45 = arith.constant 0 : index
    tpu.barrier barrier_id(%barrier3A_45)
    %mul3A_46 = arith.constant 320 : i32
    %mul3A_47 = arith.muli %arg1, %mul3A_46 : i32
    %mul3A_48 = arith.constant 5120 : i32
    %mul3A_49 = arith.muli %arg0, %mul3A_48 : i32
    %mul3A_50 = arith.constant 320 : i32
    %mul3A_51 = arith.muli %arg1, %mul3A_50 : i32
    %add3A_52 = arith.addi %mul3A_49, %mul3A_51 : i32
    "tpu.region"() ({
      %run_scoped3A = tpu.sem_alloc : memref<!tpu.dma_semaphore, #tpu.memory_space<semaphore_mem>>
      %dma_start3A_53 = arith.constant 0 : i32
      %dma_start3A_54 = tpu.memref_slice %arg5[%add3A_52, %dma_start3A_53] : memref<10240x128xf32, #tpu.memory_space<hbm>> -> memref<320x128xf32, #tpu.memory_space<hbm>>
      %dma_start3A_55 = arith.constant 0 : i32
      %dma_start3A_56 = tpu.memref_slice %arg6[%mul3A_47, %dma_start3A_55] : memref<5128x128xf32, #tpu.memory_space<vmem_shared>> -> memref<320x128xf32, #tpu.memory_space<vmem_shared>>
      tpu.enqueue_dma source(%dma_start3A_56 : memref<320x128xf32, #tpu.memory_space<vmem_shared>>) target(%dma_start3A_54 : memref<320x128xf32, #tpu.memory_space<hbm>>) target_semaphore(%run_scoped3A : memref<!tpu.dma_semaphore, #tpu.memory_space<semaphore_mem>>)
      %dma_wait3A = arith.constant 0 : i32
      %dma_wait3A_57 = tpu.memref_slice %arg5[%add3A_52, %dma_wait3A] : memref<10240x128xf32, #tpu.memory_space<hbm>> -> memref<320x128xf32, #tpu.memory_space<hbm>>
      %dma_wait3A_58 = arith.constant 0 : i32
      %dma_wait3A_59 = tpu.memref_slice %arg6[%mul3A_47, %dma_wait3A_58] : memref<5128x128xf32, #tpu.memory_space<vmem_shared>> -> memref<320x128xf32, #tpu.memory_space<vmem_shared>>
      tpu.wait_dma2 semaphore(%run_scoped3A : memref<!tpu.dma_semaphore, #tpu.memory_space<semaphore_mem>>) src(%dma_wait3A_59 : memref<320x128xf32, #tpu.memory_space<vmem_shared>>) dst(%dma_wait3A_57 : memref<320x128xf32, #tpu.memory_space<hbm>>)
      tpu.yield
    }) : () -> ()
    return
  }
}

#map = affine_map<(d0, d1) -> (0, 0)>
#map1 = affine_map<(d0, d1) -> (0, 0, 0)>
module attributes {stable_mosaic.version = 14 : i64} {
  func.func @_edge_body(%arg0: i32, %arg1: i32, %arg2: memref<10000x128xf32, #tpu.memory_space<hbm>>, %arg3: memref<16x250x80xi32, #tpu.memory_space<hbm>>, %arg4: memref<16x250x80xi32, #tpu.memory_space<hbm>>, %arg5: memref<10240x128xf32, #tpu.memory_space<hbm>>, %arg6: memref<5128x128xf32, #tpu.memory_space<vmem_shared>>, %arg7: memref<250x80xi32, #tpu.memory_space<vmem>>, %arg8: memref<250x80xi32, #tpu.memory_space<vmem>>, %arg9: memref<80x128xf32, #tpu.memory_space<vmem>>, %arg10: memref<80x128xf32, #tpu.memory_space<vmem>>, %arg11: memref<!tpu.dma_semaphore, #tpu.memory_space<semaphore_mem>>, %arg12: memref<!tpu.dma_semaphore, #tpu.memory_space<semaphore_mem>>) attributes {dimension_semantics = [#tpu.dimension_semantics<core_parallel>, #tpu.dimension_semantics<subcore_parallel>], iteration_bounds = array<i64: 2, 16>, scalar_prefetch = 0 : i64, scratch_operands = 7 : i64, tpu.core_type = #tpu.core_type<sc_vector_subcore>, window_params = [{transform_indices = #map}, {transform_indices = #map1}, {transform_indices = #map1}, {transform_indices = #map}]} {
    %broadcast_in_dim3A = arith.constant 0.000000e+00 : f32
    %broadcast_in_dim3A_0 = vector.broadcast %broadcast_in_dim3A : f32 to vector<16xf32>
    %scan3A = arith.constant 0 : i32
    %scan3A_1 = arith.constant 0 : i32
    %scan3A_2 = arith.constant 80 : i32
    %scan3A_3 = arith.addi %scan3A_1, %scan3A_2 : i32
    %scan3A_4 = arith.constant 1 : i32
    %scan3A_5 = scf.for %scan3A_53 = %scan3A_1 to %scan3A_3 step %scan3A_4 iter_args(%scan3A_54 = %scan3A) -> (i32)  : i32 {
      %swap3A = arith.index_cast %scan3A_53 : i32 to index
      %swap3A_55 = arith.constant 0 : index
      %swap3A_56 = tpu.vector_load %arg9[%swap3A, %swap3A_55] {strides = array<i32>} : memref<80x128xf32, #tpu.memory_space<vmem>>, vector<1x16xf32>,
      %swap3A_57 = vector.shape_cast %swap3A_56 : vector<1x16xf32> to vector<16xf32>
      %swap3A_58 = vector.shape_cast %broadcast_in_dim3A_0 : vector<16xf32> to vector<1x16xf32>
      tpu.vector_store %arg9[%swap3A, %swap3A_55], %swap3A_58 {strides = array<i32>} : memref<80x128xf32, #tpu.memory_space<vmem>>, vector<1x16xf32>,
      %swap3A_59 = arith.index_cast %scan3A_53 : i32 to index
      %swap3A_60 = arith.constant 16 : index
      %swap3A_61 = tpu.vector_load %arg9[%swap3A_59, %swap3A_60] {strides = array<i32>} : memref<80x128xf32, #tpu.memory_space<vmem>>, vector<1x16xf32>,
      %swap3A_62 = vector.shape_cast %swap3A_61 : vector<1x16xf32> to vector<16xf32>
      %swap3A_63 = vector.shape_cast %broadcast_in_dim3A_0 : vector<16xf32> to vector<1x16xf32>
      tpu.vector_store %arg9[%swap3A_59, %swap3A_60], %swap3A_63 {strides = array<i32>} : memref<80x128xf32, #tpu.memory_space<vmem>>, vector<1x16xf32>,
      %swap3A_64 = arith.index_cast %scan3A_53 : i32 to index
      %swap3A_65 = arith.constant 32 : index
      %swap3A_66 = tpu.vector_load %arg9[%swap3A_64, %swap3A_65] {strides = array<i32>} : memref<80x128xf32, #tpu.memory_space<vmem>>, vector<1x16xf32>,
      %swap3A_67 = vector.shape_cast %swap3A_66 : vector<1x16xf32> to vector<16xf32>
      %swap3A_68 = vector.shape_cast %broadcast_in_dim3A_0 : vector<16xf32> to vector<1x16xf32>
      tpu.vector_store %arg9[%swap3A_64, %swap3A_65], %swap3A_68 {strides = array<i32>} : memref<80x128xf32, #tpu.memory_space<vmem>>, vector<1x16xf32>,
      %swap3A_69 = arith.index_cast %scan3A_53 : i32 to index
      %swap3A_70 = arith.constant 48 : index
      %swap3A_71 = tpu.vector_load %arg9[%swap3A_69, %swap3A_70] {strides = array<i32>} : memref<80x128xf32, #tpu.memory_space<vmem>>, vector<1x16xf32>,
      %swap3A_72 = vector.shape_cast %swap3A_71 : vector<1x16xf32> to vector<16xf32>
      %swap3A_73 = vector.shape_cast %broadcast_in_dim3A_0 : vector<16xf32> to vector<1x16xf32>
      tpu.vector_store %arg9[%swap3A_69, %swap3A_70], %swap3A_73 {strides = array<i32>} : memref<80x128xf32, #tpu.memory_space<vmem>>, vector<1x16xf32>,
      %swap3A_74 = arith.index_cast %scan3A_53 : i32 to index
      %swap3A_75 = arith.constant 64 : index
      %swap3A_76 = tpu.vector_load %arg9[%swap3A_74, %swap3A_75] {strides = array<i32>} : memref<80x128xf32, #tpu.memory_space<vmem>>, vector<1x16xf32>,
      %swap3A_77 = vector.shape_cast %swap3A_76 : vector<1x16xf32> to vector<16xf32>
      %swap3A_78 = vector.shape_cast %broadcast_in_dim3A_0 : vector<16xf32> to vector<1x16xf32>
      tpu.vector_store %arg9[%swap3A_74, %swap3A_75], %swap3A_78 {strides = array<i32>} : memref<80x128xf32, #tpu.memory_space<vmem>>, vector<1x16xf32>,
      %swap3A_79 = arith.index_cast %scan3A_53 : i32 to index
      %swap3A_80 = arith.constant 80 : index
      %swap3A_81 = tpu.vector_load %arg9[%swap3A_79, %swap3A_80] {strides = array<i32>} : memref<80x128xf32, #tpu.memory_space<vmem>>, vector<1x16xf32>,
      %swap3A_82 = vector.shape_cast %swap3A_81 : vector<1x16xf32> to vector<16xf32>
      %swap3A_83 = vector.shape_cast %broadcast_in_dim3A_0 : vector<16xf32> to vector<1x16xf32>
      tpu.vector_store %arg9[%swap3A_79, %swap3A_80], %swap3A_83 {strides = array<i32>} : memref<80x128xf32, #tpu.memory_space<vmem>>, vector<1x16xf32>,
      %swap3A_84 = arith.index_cast %scan3A_53 : i32 to index
      %swap3A_85 = arith.constant 96 : index
      %swap3A_86 = tpu.vector_load %arg9[%swap3A_84, %swap3A_85] {strides = array<i32>} : memref<80x128xf32, #tpu.memory_space<vmem>>, vector<1x16xf32>,
      %swap3A_87 = vector.shape_cast %swap3A_86 : vector<1x16xf32> to vector<16xf32>
      %swap3A_88 = vector.shape_cast %broadcast_in_dim3A_0 : vector<16xf32> to vector<1x16xf32>
      tpu.vector_store %arg9[%swap3A_84, %swap3A_85], %swap3A_88 {strides = array<i32>} : memref<80x128xf32, #tpu.memory_space<vmem>>, vector<1x16xf32>,
      %swap3A_89 = arith.index_cast %scan3A_53 : i32 to index
      %swap3A_90 = arith.constant 112 : index
      %swap3A_91 = tpu.vector_load %arg9[%swap3A_89, %swap3A_90] {strides = array<i32>} : memref<80x128xf32, #tpu.memory_space<vmem>>, vector<1x16xf32>,
      %swap3A_92 = vector.shape_cast %swap3A_91 : vector<1x16xf32> to vector<16xf32>
      %swap3A_93 = vector.shape_cast %broadcast_in_dim3A_0 : vector<16xf32> to vector<1x16xf32>
      tpu.vector_store %arg9[%swap3A_89, %swap3A_90], %swap3A_93 {strides = array<i32>} : memref<80x128xf32, #tpu.memory_space<vmem>>, vector<1x16xf32>,
      %scan3A_94 = arith.constant 0 : i32
      scf.yield %scan3A_94 : i32
    }
    %scan3A_6 = arith.constant 80 : i32
    %mul3A = arith.constant 320 : i32
    %mul3A_7 = arith.muli %arg1, %mul3A : i32
    %add3A = arith.constant 0 : i32
    %add3A_8 = arith.addi %mul3A_7, %add3A : i32
    "tpu.region"() ({
      %run_scoped3A = tpu.sem_alloc : memref<!tpu.dma_semaphore, #tpu.memory_space<semaphore_mem>>
      %dma_start3A_53 = arith.constant 0 : i32
      %dma_start3A_54 = tpu.memref_slice %arg6[%add3A_8, %dma_start3A_53] : memref<5128x128xf32, #tpu.memory_space<vmem_shared>> -> memref<80x128xf32, #tpu.memory_space<vmem_shared>>
      %dma_start3A_55 = arith.constant 0 : i32
      %dma_start3A_56 = tpu.memref_slice %arg6[%add3A_8, %dma_start3A_55] : memref<5128x128xf32, #tpu.memory_space<vmem_shared>> -> memref<80x128xf32, #tpu.memory_space<vmem_shared>>
      tpu.enqueue_dma source(%arg9 : memref<80x128xf32, #tpu.memory_space<vmem>>) target(%dma_start3A_56 : memref<80x128xf32, #tpu.memory_space<vmem_shared>>) target_semaphore(%run_scoped3A : memref<!tpu.dma_semaphore, #tpu.memory_space<semaphore_mem>>)
      %dma_wait3A = arith.constant 0 : i32
      %dma_wait3A_57 = tpu.memref_slice %arg6[%add3A_8, %dma_wait3A] : memref<5128x128xf32, #tpu.memory_space<vmem_shared>> -> memref<80x128xf32, #tpu.memory_space<vmem_shared>>
      %dma_wait3A_58 = arith.constant 0 : i32
      %dma_wait3A_59 = tpu.memref_slice %arg6[%add3A_8, %dma_wait3A_58] : memref<5128x128xf32, #tpu.memory_space<vmem_shared>> -> memref<80x128xf32, #tpu.memory_space<vmem_shared>>
      tpu.wait_dma2 semaphore(%run_scoped3A : memref<!tpu.dma_semaphore, #tpu.memory_space<semaphore_mem>>) src(%arg9 : memref<80x128xf32, #tpu.memory_space<vmem>>) dst(%dma_wait3A_59 : memref<80x128xf32, #tpu.memory_space<vmem_shared>>)
      tpu.yield
    }) : () -> ()
    %mul3A_9 = arith.constant 320 : i32
    %mul3A_10 = arith.muli %arg1, %mul3A_9 : i32
    %add3A_11 = arith.constant 80 : i32
    %add3A_12 = arith.addi %mul3A_10, %add3A_11 : i32
    "tpu.region"() ({
      %run_scoped3A = tpu.sem_alloc : memref<!tpu.dma_semaphore, #tpu.memory_space<semaphore_mem>>
      %dma_start3A_53 = arith.constant 0 : i32
      %dma_start3A_54 = tpu.memref_slice %arg6[%add3A_12, %dma_start3A_53] : memref<5128x128xf32, #tpu.memory_space<vmem_shared>> -> memref<80x128xf32, #tpu.memory_space<vmem_shared>>
      %dma_start3A_55 = arith.constant 0 : i32
      %dma_start3A_56 = tpu.memref_slice %arg6[%add3A_12, %dma_start3A_55] : memref<5128x128xf32, #tpu.memory_space<vmem_shared>> -> memref<80x128xf32, #tpu.memory_space<vmem_shared>>
      tpu.enqueue_dma source(%arg9 : memref<80x128xf32, #tpu.memory_space<vmem>>) target(%dma_start3A_56 : memref<80x128xf32, #tpu.memory_space<vmem_shared>>) target_semaphore(%run_scoped3A : memref<!tpu.dma_semaphore, #tpu.memory_space<semaphore_mem>>)
      %dma_wait3A = arith.constant 0 : i32
      %dma_wait3A_57 = tpu.memref_slice %arg6[%add3A_12, %dma_wait3A] : memref<5128x128xf32, #tpu.memory_space<vmem_shared>> -> memref<80x128xf32, #tpu.memory_space<vmem_shared>>
      %dma_wait3A_58 = arith.constant 0 : i32
      %dma_wait3A_59 = tpu.memref_slice %arg6[%add3A_12, %dma_wait3A_58] : memref<5128x128xf32, #tpu.memory_space<vmem_shared>> -> memref<80x128xf32, #tpu.memory_space<vmem_shared>>
      tpu.wait_dma2 semaphore(%run_scoped3A : memref<!tpu.dma_semaphore, #tpu.memory_space<semaphore_mem>>) src(%arg9 : memref<80x128xf32, #tpu.memory_space<vmem>>) dst(%dma_wait3A_59 : memref<80x128xf32, #tpu.memory_space<vmem_shared>>)
      tpu.yield
    }) : () -> ()
    %mul3A_13 = arith.constant 320 : i32
    %mul3A_14 = arith.muli %arg1, %mul3A_13 : i32
    %add3A_15 = arith.constant 160 : i32
    %add3A_16 = arith.addi %mul3A_14, %add3A_15 : i32
    "tpu.region"() ({
      %run_scoped3A = tpu.sem_alloc : memref<!tpu.dma_semaphore, #tpu.memory_space<semaphore_mem>>
      %dma_start3A_53 = arith.constant 0 : i32
      %dma_start3A_54 = tpu.memref_slice %arg6[%add3A_16, %dma_start3A_53] : memref<5128x128xf32, #tpu.memory_space<vmem_shared>> -> memref<80x128xf32, #tpu.memory_space<vmem_shared>>
      %dma_start3A_55 = arith.constant 0 : i32
      %dma_start3A_56 = tpu.memref_slice %arg6[%add3A_16, %dma_start3A_55] : memref<5128x128xf32, #tpu.memory_space<vmem_shared>> -> memref<80x128xf32, #tpu.memory_space<vmem_shared>>
      tpu.enqueue_dma source(%arg9 : memref<80x128xf32, #tpu.memory_space<vmem>>) target(%dma_start3A_56 : memref<80x128xf32, #tpu.memory_space<vmem_shared>>) target_semaphore(%run_scoped3A : memref<!tpu.dma_semaphore, #tpu.memory_space<semaphore_mem>>)
      %dma_wait3A = arith.constant 0 : i32
      %dma_wait3A_57 = tpu.memref_slice %arg6[%add3A_16, %dma_wait3A] : memref<5128x128xf32, #tpu.memory_space<vmem_shared>> -> memref<80x128xf32, #tpu.memory_space<vmem_shared>>
      %dma_wait3A_58 = arith.constant 0 : i32
      %dma_wait3A_59 = tpu.memref_slice %arg6[%add3A_16, %dma_wait3A_58] : memref<5128x128xf32, #tpu.memory_space<vmem_shared>> -> memref<80x128xf32, #tpu.memory_space<vmem_shared>>
      tpu.wait_dma2 semaphore(%run_scoped3A : memref<!tpu.dma_semaphore, #tpu.memory_space<semaphore_mem>>) src(%arg9 : memref<80x128xf32, #tpu.memory_space<vmem>>) dst(%dma_wait3A_59 : memref<80x128xf32, #tpu.memory_space<vmem_shared>>)
      tpu.yield
    }) : () -> ()
    %mul3A_17 = arith.constant 320 : i32
    %mul3A_18 = arith.muli %arg1, %mul3A_17 : i32
    %add3A_19 = arith.constant 240 : i32
    %add3A_20 = arith.addi %mul3A_18, %add3A_19 : i32
    "tpu.region"() ({
      %run_scoped3A = tpu.sem_alloc : memref<!tpu.dma_semaphore, #tpu.memory_space<semaphore_mem>>
      %dma_start3A_53 = arith.constant 0 : i32
      %dma_start3A_54 = tpu.memref_slice %arg6[%add3A_20, %dma_start3A_53] : memref<5128x128xf32, #tpu.memory_space<vmem_shared>> -> memref<80x128xf32, #tpu.memory_space<vmem_shared>>
      %dma_start3A_55 = arith.constant 0 : i32
      %dma_start3A_56 = tpu.memref_slice %arg6[%add3A_20, %dma_start3A_55] : memref<5128x128xf32, #tpu.memory_space<vmem_shared>> -> memref<80x128xf32, #tpu.memory_space<vmem_shared>>
      tpu.enqueue_dma source(%arg9 : memref<80x128xf32, #tpu.memory_space<vmem>>) target(%dma_start3A_56 : memref<80x128xf32, #tpu.memory_space<vmem_shared>>) target_semaphore(%run_scoped3A : memref<!tpu.dma_semaphore, #tpu.memory_space<semaphore_mem>>)
      %dma_wait3A = arith.constant 0 : i32
      %dma_wait3A_57 = tpu.memref_slice %arg6[%add3A_20, %dma_wait3A] : memref<5128x128xf32, #tpu.memory_space<vmem_shared>> -> memref<80x128xf32, #tpu.memory_space<vmem_shared>>
      %dma_wait3A_58 = arith.constant 0 : i32
      %dma_wait3A_59 = tpu.memref_slice %arg6[%add3A_20, %dma_wait3A_58] : memref<5128x128xf32, #tpu.memory_space<vmem_shared>> -> memref<80x128xf32, #tpu.memory_space<vmem_shared>>
      tpu.wait_dma2 semaphore(%run_scoped3A : memref<!tpu.dma_semaphore, #tpu.memory_space<semaphore_mem>>) src(%arg9 : memref<80x128xf32, #tpu.memory_space<vmem>>) dst(%dma_wait3A_59 : memref<80x128xf32, #tpu.memory_space<vmem_shared>>)
      tpu.yield
    }) : () -> ()
    %eq3A = arith.constant 15 : i32
    %eq3A_21 = arith.cmpi eq, %arg1, %eq3A : i32
    %convert_element_type3A = arith.extui %eq3A_21 : i1 to i32
    %cond3A = arith.constant 0 : i32
    %cond3A_22 = arith.cmpi ne, %convert_element_type3A, %cond3A : i32
    scf.if %cond3A_22 {
      "tpu.region"() ({
        %run_scoped3A = tpu.sem_alloc : memref<!tpu.dma_semaphore, #tpu.memory_space<semaphore_mem>>
        %dma_start3A_53 = arith.constant 0 : i32
        %dma_start3A_54 = arith.constant 0 : i32
        %dma_start3A_55 = tpu.memref_slice %arg9[%dma_start3A_53, %dma_start3A_54] : memref<80x128xf32, #tpu.memory_space<vmem>> -> memref<8x128xf32, #tpu.memory_space<vmem>>
        %dma_start3A_56 = arith.constant 5120 : i32
        %dma_start3A_57 = arith.constant 0 : i32
        %dma_start3A_58 = tpu.memref_slice %arg6[%dma_start3A_56, %dma_start3A_57] : memref<5128x128xf32, #tpu.memory_space<vmem_shared>> -> memref<8x128xf32, #tpu.memory_space<vmem_shared>>
        %dma_start3A_59 = arith.constant 5120 : i32
        %dma_start3A_60 = arith.constant 0 : i32
        %dma_start3A_61 = tpu.memref_slice %arg6[%dma_start3A_59, %dma_start3A_60] : memref<5128x128xf32, #tpu.memory_space<vmem_shared>> -> memref<8x128xf32, #tpu.memory_space<vmem_shared>>
        %dma_start3A_62 = arith.constant 0 : i32
        %dma_start3A_63 = arith.constant 0 : i32
        %dma_start3A_64 = tpu.memref_slice %arg9[%dma_start3A_62, %dma_start3A_63] : memref<80x128xf32, #tpu.memory_space<vmem>> -> memref<8x128xf32, #tpu.memory_space<vmem>>
        tpu.enqueue_dma source(%dma_start3A_64 : memref<8x128xf32, #tpu.memory_space<vmem>>) target(%dma_start3A_61 : memref<8x128xf32, #tpu.memory_space<vmem_shared>>) target_semaphore(%run_scoped3A : memref<!tpu.dma_semaphore, #tpu.memory_space<semaphore_mem>>)
        %dma_wait3A = arith.constant 0 : i32
        %dma_wait3A_65 = arith.constant 0 : i32
        %dma_wait3A_66 = tpu.memref_slice %arg9[%dma_wait3A, %dma_wait3A_65] : memref<80x128xf32, #tpu.memory_space<vmem>> -> memref<8x128xf32, #tpu.memory_space<vmem>>
        %dma_wait3A_67 = arith.constant 5120 : i32
        %dma_wait3A_68 = arith.constant 0 : i32
        %dma_wait3A_69 = tpu.memref_slice %arg6[%dma_wait3A_67, %dma_wait3A_68] : memref<5128x128xf32, #tpu.memory_space<vmem_shared>> -> memref<8x128xf32, #tpu.memory_space<vmem_shared>>
        %dma_wait3A_70 = arith.constant 5120 : i32
        %dma_wait3A_71 = arith.constant 0 : i32
        %dma_wait3A_72 = tpu.memref_slice %arg6[%dma_wait3A_70, %dma_wait3A_71] : memref<5128x128xf32, #tpu.memory_space<vmem_shared>> -> memref<8x128xf32, #tpu.memory_space<vmem_shared>>
        %dma_wait3A_73 = arith.constant 0 : i32
        %dma_wait3A_74 = arith.constant 0 : i32
        %dma_wait3A_75 = tpu.memref_slice %arg9[%dma_wait3A_73, %dma_wait3A_74] : memref<80x128xf32, #tpu.memory_space<vmem>> -> memref<8x128xf32, #tpu.memory_space<vmem>>
        tpu.wait_dma2 semaphore(%run_scoped3A : memref<!tpu.dma_semaphore, #tpu.memory_space<semaphore_mem>>) src(%dma_wait3A_75 : memref<8x128xf32, #tpu.memory_space<vmem>>) dst(%dma_wait3A_72 : memref<8x128xf32, #tpu.memory_space<vmem_shared>>)
        tpu.yield
      }) : () -> ()
    } else {
    }
    "tpu.region"() ({
      %run_scoped3A = tpu.sem_alloc : memref<!tpu.dma_semaphore, #tpu.memory_space<semaphore_mem>>
      %dma_start3A_53 = arith.constant 0 : i32
      %dma_start3A_54 = arith.constant 0 : i32
      %dma_start3A_55 = tpu.memref_slice %arg3[%arg1, %dma_start3A_53, %dma_start3A_54] : memref<16x250x80xi32, #tpu.memory_space<hbm>> -> memref<1x250x80xi32, #tpu.memory_space<hbm>>
      %dma_start3A_56 = tpu.memref_squeeze %dma_start3A_55 : memref<1x250x80xi32, #tpu.memory_space<hbm>> -> memref<250x80xi32, #tpu.memory_space<hbm>>
      %dma_start3A_57 = arith.constant 0 : i32
      %dma_start3A_58 = arith.constant 0 : i32
      %dma_start3A_59 = tpu.memref_slice %arg3[%arg1, %dma_start3A_57, %dma_start3A_58] : memref<16x250x80xi32, #tpu.memory_space<hbm>> -> memref<1x250x80xi32, #tpu.memory_space<hbm>>
      %dma_start3A_60 = tpu.memref_squeeze %dma_start3A_59 : memref<1x250x80xi32, #tpu.memory_space<hbm>> -> memref<250x80xi32, #tpu.memory_space<hbm>>
      tpu.enqueue_dma source(%dma_start3A_60 : memref<250x80xi32, #tpu.memory_space<hbm>>) target(%arg7 : memref<250x80xi32, #tpu.memory_space<vmem>>) target_semaphore(%run_scoped3A : memref<!tpu.dma_semaphore, #tpu.memory_space<semaphore_mem>>)
      %dma_wait3A = arith.constant 0 : i32
      %dma_wait3A_61 = arith.constant 0 : i32
      %dma_wait3A_62 = tpu.memref_slice %arg3[%arg1, %dma_wait3A, %dma_wait3A_61] : memref<16x250x80xi32, #tpu.memory_space<hbm>> -> memref<1x250x80xi32, #tpu.memory_space<hbm>>
      %dma_wait3A_63 = tpu.memref_squeeze %dma_wait3A_62 : memref<1x250x80xi32, #tpu.memory_space<hbm>> -> memref<250x80xi32, #tpu.memory_space<hbm>>
      %dma_wait3A_64 = arith.constant 0 : i32
      %dma_wait3A_65 = arith.constant 0 : i32
      %dma_wait3A_66 = tpu.memref_slice %arg3[%arg1, %dma_wait3A_64, %dma_wait3A_65] : memref<16x250x80xi32, #tpu.memory_space<hbm>> -> memref<1x250x80xi32, #tpu.memory_space<hbm>>
      %dma_wait3A_67 = tpu.memref_squeeze %dma_wait3A_66 : memref<1x250x80xi32, #tpu.memory_space<hbm>> -> memref<250x80xi32, #tpu.memory_space<hbm>>
      tpu.wait_dma2 semaphore(%run_scoped3A : memref<!tpu.dma_semaphore, #tpu.memory_space<semaphore_mem>>) src(%dma_wait3A_67 : memref<250x80xi32, #tpu.memory_space<hbm>>) dst(%arg7 : memref<250x80xi32, #tpu.memory_space<vmem>>)
      tpu.yield
    }) : () -> ()
    "tpu.region"() ({
      %run_scoped3A = tpu.sem_alloc : memref<!tpu.dma_semaphore, #tpu.memory_space<semaphore_mem>>
      %dma_start3A_53 = arith.constant 0 : i32
      %dma_start3A_54 = arith.constant 0 : i32
      %dma_start3A_55 = tpu.memref_slice %arg4[%arg1, %dma_start3A_53, %dma_start3A_54] : memref<16x250x80xi32, #tpu.memory_space<hbm>> -> memref<1x250x80xi32, #tpu.memory_space<hbm>>
      %dma_start3A_56 = tpu.memref_squeeze %dma_start3A_55 : memref<1x250x80xi32, #tpu.memory_space<hbm>> -> memref<250x80xi32, #tpu.memory_space<hbm>>
      %dma_start3A_57 = arith.constant 0 : i32
      %dma_start3A_58 = arith.constant 0 : i32
      %dma_start3A_59 = tpu.memref_slice %arg4[%arg1, %dma_start3A_57, %dma_start3A_58] : memref<16x250x80xi32, #tpu.memory_space<hbm>> -> memref<1x250x80xi32, #tpu.memory_space<hbm>>
      %dma_start3A_60 = tpu.memref_squeeze %dma_start3A_59 : memref<1x250x80xi32, #tpu.memory_space<hbm>> -> memref<250x80xi32, #tpu.memory_space<hbm>>
      tpu.enqueue_dma source(%dma_start3A_60 : memref<250x80xi32, #tpu.memory_space<hbm>>) target(%arg8 : memref<250x80xi32, #tpu.memory_space<vmem>>) target_semaphore(%run_scoped3A : memref<!tpu.dma_semaphore, #tpu.memory_space<semaphore_mem>>)
      %dma_wait3A = arith.constant 0 : i32
      %dma_wait3A_61 = arith.constant 0 : i32
      %dma_wait3A_62 = tpu.memref_slice %arg4[%arg1, %dma_wait3A, %dma_wait3A_61] : memref<16x250x80xi32, #tpu.memory_space<hbm>> -> memref<1x250x80xi32, #tpu.memory_space<hbm>>
      %dma_wait3A_63 = tpu.memref_squeeze %dma_wait3A_62 : memref<1x250x80xi32, #tpu.memory_space<hbm>> -> memref<250x80xi32, #tpu.memory_space<hbm>>
      %dma_wait3A_64 = arith.constant 0 : i32
      %dma_wait3A_65 = arith.constant 0 : i32
      %dma_wait3A_66 = tpu.memref_slice %arg4[%arg1, %dma_wait3A_64, %dma_wait3A_65] : memref<16x250x80xi32, #tpu.memory_space<hbm>> -> memref<1x250x80xi32, #tpu.memory_space<hbm>>
      %dma_wait3A_67 = tpu.memref_squeeze %dma_wait3A_66 : memref<1x250x80xi32, #tpu.memory_space<hbm>> -> memref<250x80xi32, #tpu.memory_space<hbm>>
      tpu.wait_dma2 semaphore(%run_scoped3A : memref<!tpu.dma_semaphore, #tpu.memory_space<semaphore_mem>>) src(%dma_wait3A_67 : memref<250x80xi32, #tpu.memory_space<hbm>>) dst(%arg8 : memref<250x80xi32, #tpu.memory_space<vmem>>)
      tpu.yield
    }) : () -> ()
    %mul3A_23 = arith.constant 5120 : i32
    %mul3A_24 = arith.muli %arg0, %mul3A_23 : i32
    %scan3A_25 = arith.constant 0 : i32
    %scan3A_26 = arith.constant 0 : i32
    %scan3A_27 = arith.constant 250 : i32
    %scan3A_28 = arith.addi %scan3A_26, %scan3A_27 : i32
    %scan3A_29 = arith.constant 1 : i32
    %scan3A_30 = scf.for %scan3A_53 = %scan3A_26 to %scan3A_28 step %scan3A_29 iter_args(%scan3A_54 = %scan3A_25) -> (i32)  : i32 {
      %get3A = arith.index_cast %scan3A_53 : i32 to index
      %get3A_55 = arith.constant 0 : index
      %get3A_56 = tpu.vector_load %arg8[%get3A, %get3A_55] {strides = array<i32>} : memref<250x80xi32, #tpu.memory_space<vmem>>, vector<1x16xi32>,
      %get3A_57 = vector.shape_cast %get3A_56 : vector<1x16xi32> to vector<16xi32>
      %sub3A = vector.broadcast %mul3A_24 : i32 to vector<16xi32>
      %sub3A_58 = arith.subi %get3A_57, %sub3A : vector<16xi32>
      %ge3A = arith.constant 0 : i32
      %ge3A_59 = vector.broadcast %ge3A : i32 to vector<16xi32>
      %ge3A_60 = arith.cmpi sge, %sub3A_58, %ge3A_59 : vector<16xi32>
      %lt3A = arith.constant 5120 : i32
      %lt3A_61 = vector.broadcast %lt3A : i32 to vector<16xi32>
      %lt3A_62 = arith.cmpi slt, %sub3A_58, %lt3A_61 : vector<16xi32>
      %and3A = arith.andi %ge3A_60, %lt3A_62 : vector<16xi1>
      %jit3A = arith.constant 5120 : i32
      %broadcast_in_dim3A_63 = vector.broadcast %jit3A : i32 to vector<16xi32>
      %select_n3A = arith.select %and3A, %sub3A_58, %broadcast_in_dim3A_63 : vector<16xi1>, vector<16xi32>
      %swap3A = arith.index_cast %scan3A_53 : i32 to index
      %swap3A_64 = arith.constant 0 : index
      %swap3A_65 = tpu.vector_load %arg8[%swap3A, %swap3A_64] {strides = array<i32>} : memref<250x80xi32, #tpu.memory_space<vmem>>, vector<1x16xi32>,
      %swap3A_66 = vector.shape_cast %swap3A_65 : vector<1x16xi32> to vector<16xi32>
      %swap3A_67 = vector.shape_cast %select_n3A : vector<16xi32> to vector<1x16xi32>
      tpu.vector_store %arg8[%swap3A, %swap3A_64], %swap3A_67 {strides = array<i32>} : memref<250x80xi32, #tpu.memory_space<vmem>>, vector<1x16xi32>,
      %get3A_68 = arith.index_cast %scan3A_53 : i32 to index
      %get3A_69 = arith.constant 16 : index
      %get3A_70 = tpu.vector_load %arg8[%get3A_68, %get3A_69] {strides = array<i32>} : memref<250x80xi32, #tpu.memory_space<vmem>>, vector<1x16xi32>,
      %get3A_71 = vector.shape_cast %get3A_70 : vector<1x16xi32> to vector<16xi32>
      %sub3A_72 = vector.broadcast %mul3A_24 : i32 to vector<16xi32>
      %sub3A_73 = arith.subi %get3A_71, %sub3A_72 : vector<16xi32>
      %ge3A_74 = arith.constant 0 : i32
      %ge3A_75 = vector.broadcast %ge3A_74 : i32 to vector<16xi32>
      %ge3A_76 = arith.cmpi sge, %sub3A_73, %ge3A_75 : vector<16xi32>
      %lt3A_77 = arith.constant 5120 : i32
      %lt3A_78 = vector.broadcast %lt3A_77 : i32 to vector<16xi32>
      %lt3A_79 = arith.cmpi slt, %sub3A_73, %lt3A_78 : vector<16xi32>
      %and3A_80 = arith.andi %ge3A_76, %lt3A_79 : vector<16xi1>
      %jit3A_81 = arith.constant 5120 : i32
      %broadcast_in_dim3A_82 = vector.broadcast %jit3A_81 : i32 to vector<16xi32>
      %select_n3A_83 = arith.select %and3A_80, %sub3A_73, %broadcast_in_dim3A_82 : vector<16xi1>, vector<16xi32>
      %swap3A_84 = arith.index_cast %scan3A_53 : i32 to index
      %swap3A_85 = arith.constant 16 : index
      %swap3A_86 = tpu.vector_load %arg8[%swap3A_84, %swap3A_85] {strides = array<i32>} : memref<250x80xi32, #tpu.memory_space<vmem>>, vector<1x16xi32>,
      %swap3A_87 = vector.shape_cast %swap3A_86 : vector<1x16xi32> to vector<16xi32>
      %swap3A_88 = vector.shape_cast %select_n3A_83 : vector<16xi32> to vector<1x16xi32>
      tpu.vector_store %arg8[%swap3A_84, %swap3A_85], %swap3A_88 {strides = array<i32>} : memref<250x80xi32, #tpu.memory_space<vmem>>, vector<1x16xi32>,
      %get3A_89 = arith.index_cast %scan3A_53 : i32 to index
      %get3A_90 = arith.constant 32 : index
      %get3A_91 = tpu.vector_load %arg8[%get3A_89, %get3A_90] {strides = array<i32>} : memref<250x80xi32, #tpu.memory_space<vmem>>, vector<1x16xi32>,
      %get3A_92 = vector.shape_cast %get3A_91 : vector<1x16xi32> to vector<16xi32>
      %sub3A_93 = vector.broadcast %mul3A_24 : i32 to vector<16xi32>
      %sub3A_94 = arith.subi %get3A_92, %sub3A_93 : vector<16xi32>
      %ge3A_95 = arith.constant 0 : i32
      %ge3A_96 = vector.broadcast %ge3A_95 : i32 to vector<16xi32>
      %ge3A_97 = arith.cmpi sge, %sub3A_94, %ge3A_96 : vector<16xi32>
      %lt3A_98 = arith.constant 5120 : i32
      %lt3A_99 = vector.broadcast %lt3A_98 : i32 to vector<16xi32>
      %lt3A_100 = arith.cmpi slt, %sub3A_94, %lt3A_99 : vector<16xi32>
      %and3A_101 = arith.andi %ge3A_97, %lt3A_100 : vector<16xi1>
      %jit3A_102 = arith.constant 5120 : i32
      %broadcast_in_dim3A_103 = vector.broadcast %jit3A_102 : i32 to vector<16xi32>
      %select_n3A_104 = arith.select %and3A_101, %sub3A_94, %broadcast_in_dim3A_103 : vector<16xi1>, vector<16xi32>
      %swap3A_105 = arith.index_cast %scan3A_53 : i32 to index
      %swap3A_106 = arith.constant 32 : index
      %swap3A_107 = tpu.vector_load %arg8[%swap3A_105, %swap3A_106] {strides = array<i32>} : memref<250x80xi32, #tpu.memory_space<vmem>>, vector<1x16xi32>,
      %swap3A_108 = vector.shape_cast %swap3A_107 : vector<1x16xi32> to vector<16xi32>
      %swap3A_109 = vector.shape_cast %select_n3A_104 : vector<16xi32> to vector<1x16xi32>
      tpu.vector_store %arg8[%swap3A_105, %swap3A_106], %swap3A_109 {strides = array<i32>} : memref<250x80xi32, #tpu.memory_space<vmem>>, vector<1x16xi32>,
      %get3A_110 = arith.index_cast %scan3A_53 : i32 to index
      %get3A_111 = arith.constant 48 : index
      %get3A_112 = tpu.vector_load %arg8[%get3A_110, %get3A_111] {strides = array<i32>} : memref<250x80xi32, #tpu.memory_space<vmem>>, vector<1x16xi32>,
      %get3A_113 = vector.shape_cast %get3A_112 : vector<1x16xi32> to vector<16xi32>
      %sub3A_114 = vector.broadcast %mul3A_24 : i32 to vector<16xi32>
      %sub3A_115 = arith.subi %get3A_113, %sub3A_114 : vector<16xi32>
      %ge3A_116 = arith.constant 0 : i32
      %ge3A_117 = vector.broadcast %ge3A_116 : i32 to vector<16xi32>
      %ge3A_118 = arith.cmpi sge, %sub3A_115, %ge3A_117 : vector<16xi32>
      %lt3A_119 = arith.constant 5120 : i32
      %lt3A_120 = vector.broadcast %lt3A_119 : i32 to vector<16xi32>
      %lt3A_121 = arith.cmpi slt, %sub3A_115, %lt3A_120 : vector<16xi32>
      %and3A_122 = arith.andi %ge3A_118, %lt3A_121 : vector<16xi1>
      %jit3A_123 = arith.constant 5120 : i32
      %broadcast_in_dim3A_124 = vector.broadcast %jit3A_123 : i32 to vector<16xi32>
      %select_n3A_125 = arith.select %and3A_122, %sub3A_115, %broadcast_in_dim3A_124 : vector<16xi1>, vector<16xi32>
      %swap3A_126 = arith.index_cast %scan3A_53 : i32 to index
      %swap3A_127 = arith.constant 48 : index
      %swap3A_128 = tpu.vector_load %arg8[%swap3A_126, %swap3A_127] {strides = array<i32>} : memref<250x80xi32, #tpu.memory_space<vmem>>, vector<1x16xi32>,
      %swap3A_129 = vector.shape_cast %swap3A_128 : vector<1x16xi32> to vector<16xi32>
      %swap3A_130 = vector.shape_cast %select_n3A_125 : vector<16xi32> to vector<1x16xi32>
      tpu.vector_store %arg8[%swap3A_126, %swap3A_127], %swap3A_130 {strides = array<i32>} : memref<250x80xi32, #tpu.memory_space<vmem>>, vector<1x16xi32>,
      %get3A_131 = arith.index_cast %scan3A_53 : i32 to index
      %get3A_132 = arith.constant 64 : index
      %get3A_133 = tpu.vector_load %arg8[%get3A_131, %get3A_132] {strides = array<i32>} : memref<250x80xi32, #tpu.memory_space<vmem>>, vector<1x16xi32>,
      %get3A_134 = vector.shape_cast %get3A_133 : vector<1x16xi32> to vector<16xi32>
      %sub3A_135 = vector.broadcast %mul3A_24 : i32 to vector<16xi32>
      %sub3A_136 = arith.subi %get3A_134, %sub3A_135 : vector<16xi32>
      %ge3A_137 = arith.constant 0 : i32
      %ge3A_138 = vector.broadcast %ge3A_137 : i32 to vector<16xi32>
      %ge3A_139 = arith.cmpi sge, %sub3A_136, %ge3A_138 : vector<16xi32>
      %lt3A_140 = arith.constant 5120 : i32
      %lt3A_141 = vector.broadcast %lt3A_140 : i32 to vector<16xi32>
      %lt3A_142 = arith.cmpi slt, %sub3A_136, %lt3A_141 : vector<16xi32>
      %and3A_143 = arith.andi %ge3A_139, %lt3A_142 : vector<16xi1>
      %jit3A_144 = arith.constant 5120 : i32
      %broadcast_in_dim3A_145 = vector.broadcast %jit3A_144 : i32 to vector<16xi32>
      %select_n3A_146 = arith.select %and3A_143, %sub3A_136, %broadcast_in_dim3A_145 : vector<16xi1>, vector<16xi32>
      %swap3A_147 = arith.index_cast %scan3A_53 : i32 to index
      %swap3A_148 = arith.constant 64 : index
      %swap3A_149 = tpu.vector_load %arg8[%swap3A_147, %swap3A_148] {strides = array<i32>} : memref<250x80xi32, #tpu.memory_space<vmem>>, vector<1x16xi32>,
      %swap3A_150 = vector.shape_cast %swap3A_149 : vector<1x16xi32> to vector<16xi32>
      %swap3A_151 = vector.shape_cast %select_n3A_146 : vector<16xi32> to vector<1x16xi32>
      tpu.vector_store %arg8[%swap3A_147, %swap3A_148], %swap3A_151 {strides = array<i32>} : memref<250x80xi32, #tpu.memory_space<vmem>>, vector<1x16xi32>,
      %scan3A_152 = arith.constant 0 : i32
      scf.yield %scan3A_152 : i32
    }
    %scan3A_31 = arith.constant 250 : i32
    %barrier3A = arith.constant 0 : index
    tpu.barrier barrier_id(%barrier3A)
    %dma_start3A = arith.constant 0 : i32
    %dma_start3A_32 = arith.constant 0 : i32
    %dma_start3A_33 = tpu.memref_slice %arg7[%dma_start3A, %dma_start3A_32] : memref<250x80xi32, #tpu.memory_space<vmem>> -> memref<1x80xi32, #tpu.memory_space<vmem>>
    %dma_start3A_34 = tpu.memref_squeeze %dma_start3A_33 : memref<1x80xi32, #tpu.memory_space<vmem>> -> memref<80xi32, #tpu.memory_space<vmem>>
    %dma_start3A_35 = arith.constant 0 : i32
    %dma_start3A_36 = arith.constant 0 : i32
    %dma_start3A_37 = tpu.memref_slice %arg2[%dma_start3A_35, %dma_start3A_36] : memref<10000x128xf32, #tpu.memory_space<hbm>> -> memref<10000x128xf32, #tpu.memory_space<hbm>>
    tpu.enqueue_indirect_dma source(%dma_start3A_37 : memref<10000x128xf32, #tpu.memory_space<hbm>>) target(%arg9 : memref<80x128xf32, #tpu.memory_space<vmem>>) offsets(%dma_start3A_34 : memref<80xi32, #tpu.memory_space<vmem>>) semaphore(%arg11 : memref<!tpu.dma_semaphore, #tpu.memory_space<semaphore_mem>>)
    %scan3A_38 = arith.constant 0 : i32
    %scan3A_39 = arith.constant 0 : i32
    %scan3A_40 = arith.constant 125 : i32
    %scan3A_41 = arith.addi %scan3A_39, %scan3A_40 : i32
    %scan3A_42 = arith.constant 1 : i32
    %scan3A_43 = scf.for %scan3A_53 = %scan3A_39 to %scan3A_41 step %scan3A_42 iter_args(%scan3A_54 = %scan3A_38) -> (i32)  : i32 {
      %mul3A_55 = arith.constant 2 : i32
      %mul3A_56 = arith.muli %mul3A_55, %scan3A_53 : i32
      %add3A_57 = arith.constant 1 : i32
      %add3A_58 = arith.addi %mul3A_56, %add3A_57 : i32
      %dma_start3A_59 = arith.constant 0 : i32
      %dma_start3A_60 = tpu.memref_slice %arg7[%add3A_58, %dma_start3A_59] : memref<250x80xi32, #tpu.memory_space<vmem>> -> memref<1x80xi32, #tpu.memory_space<vmem>>
      %dma_start3A_61 = tpu.memref_squeeze %dma_start3A_60 : memref<1x80xi32, #tpu.memory_space<vmem>> -> memref<80xi32, #tpu.memory_space<vmem>>
      %dma_start3A_62 = arith.constant 0 : i32
      %dma_start3A_63 = arith.constant 0 : i32
      %dma_start3A_64 = tpu.memref_slice %arg2[%dma_start3A_62, %dma_start3A_63] : memref<10000x128xf32, #tpu.memory_space<hbm>> -> memref<10000x128xf32, #tpu.memory_space<hbm>>
      tpu.enqueue_indirect_dma source(%dma_start3A_64 : memref<10000x128xf32, #tpu.memory_space<hbm>>) target(%arg10 : memref<80x128xf32, #tpu.memory_space<vmem>>) offsets(%dma_start3A_61 : memref<80xi32, #tpu.memory_space<vmem>>) semaphore(%arg12 : memref<!tpu.dma_semaphore, #tpu.memory_space<semaphore_mem>>)
      %dma_wait3A = arith.constant 0 : i32
      %dma_wait3A_65 = tpu.memref_slice %arg7[%mul3A_56, %dma_wait3A] : memref<250x80xi32, #tpu.memory_space<vmem>> -> memref<1x80xi32, #tpu.memory_space<vmem>>
      %dma_wait3A_66 = tpu.memref_squeeze %dma_wait3A_65 : memref<1x80xi32, #tpu.memory_space<vmem>> -> memref<80xi32, #tpu.memory_space<vmem>>
      %dma_wait3A_67 = arith.constant 0 : i32
      %dma_wait3A_68 = arith.constant 0 : i32
      %dma_wait3A_69 = tpu.memref_slice %arg2[%dma_wait3A_67, %dma_wait3A_68] : memref<10000x128xf32, #tpu.memory_space<hbm>> -> memref<10000x128xf32, #tpu.memory_space<hbm>>
      tpu.wait_indirect_dma semaphore(%arg11 : memref<!tpu.dma_semaphore, #tpu.memory_space<semaphore_mem>>) src(%dma_wait3A_69 : memref<10000x128xf32, #tpu.memory_space<hbm>>) dst(%arg9 : memref<80x128xf32, #tpu.memory_space<vmem>>)
      "tpu.region"() ({
        %run_scoped3A = tpu.sem_alloc : memref<!tpu.dma_semaphore, #tpu.memory_space<semaphore_mem>>
        %dma_start3A_87 = arith.constant 0 : i32
        %dma_start3A_88 = tpu.memref_slice %arg8[%mul3A_56, %dma_start3A_87] : memref<250x80xi32, #tpu.memory_space<vmem>> -> memref<1x80xi32, #tpu.memory_space<vmem>>
        %dma_start3A_89 = tpu.memref_squeeze %dma_start3A_88 : memref<1x80xi32, #tpu.memory_space<vmem>> -> memref<80xi32, #tpu.memory_space<vmem>>
        %dma_start3A_90 = arith.constant 0 : i32
        %dma_start3A_91 = arith.constant 0 : i32
        %dma_start3A_92 = tpu.memref_slice %arg6[%dma_start3A_90, %dma_start3A_91] : memref<5128x128xf32, #tpu.memory_space<vmem_shared>> -> memref<5128x128xf32, #tpu.memory_space<vmem_shared>>
        tpu.enqueue_indirect_dma source(%arg9 : memref<80x128xf32, #tpu.memory_space<vmem>>) target(%dma_start3A_92 : memref<5128x128xf32, #tpu.memory_space<vmem_shared>>) offsets(%dma_start3A_89 : memref<80xi32, #tpu.memory_space<vmem>>) semaphore(%run_scoped3A : memref<!tpu.dma_semaphore, #tpu.memory_space<semaphore_mem>>) {add = true}
        %dma_wait3A_93 = arith.constant 0 : i32
        %dma_wait3A_94 = tpu.memref_slice %arg8[%mul3A_56, %dma_wait3A_93] : memref<250x80xi32, #tpu.memory_space<vmem>> -> memref<1x80xi32, #tpu.memory_space<vmem>>
        %dma_wait3A_95 = tpu.memref_squeeze %dma_wait3A_94 : memref<1x80xi32, #tpu.memory_space<vmem>> -> memref<80xi32, #tpu.memory_space<vmem>>
        %dma_wait3A_96 = arith.constant 0 : i32
        %dma_wait3A_97 = arith.constant 0 : i32
        %dma_wait3A_98 = tpu.memref_slice %arg6[%dma_wait3A_96, %dma_wait3A_97] : memref<5128x128xf32, #tpu.memory_space<vmem_shared>> -> memref<5128x128xf32, #tpu.memory_space<vmem_shared>>
        tpu.wait_indirect_dma semaphore(%run_scoped3A : memref<!tpu.dma_semaphore, #tpu.memory_space<semaphore_mem>>) src(%arg9 : memref<80x128xf32, #tpu.memory_space<vmem>>) dst(%dma_wait3A_98 : memref<5128x128xf32, #tpu.memory_space<vmem_shared>>)
        tpu.yield
      }) : () -> ()
      %add3A_70 = arith.constant 2 : i32
      %add3A_71 = arith.addi %mul3A_56, %add3A_70 : i32
      %lt3A = arith.constant 250 : i32
      %lt3A_72 = arith.cmpi slt, %add3A_71, %lt3A : i32
      %convert_element_type3A_73 = arith.extui %lt3A_72 : i1 to i32
      %cond3A_74 = arith.constant 0 : i32
      %cond3A_75 = arith.cmpi ne, %convert_element_type3A_73, %cond3A_74 : i32
      scf.if %cond3A_75 {
        %add3A_87 = arith.constant 2 : i32
        %add3A_88 = arith.addi %mul3A_56, %add3A_87 : i32
        %dma_start3A_89 = arith.constant 0 : i32
        %dma_start3A_90 = tpu.memref_slice %arg7[%add3A_88, %dma_start3A_89] : memref<250x80xi32, #tpu.memory_space<vmem>> -> memref<1x80xi32, #tpu.memory_space<vmem>>
        %dma_start3A_91 = tpu.memref_squeeze %dma_start3A_90 : memref<1x80xi32, #tpu.memory_space<vmem>> -> memref<80xi32, #tpu.memory_space<vmem>>
        %dma_start3A_92 = arith.constant 0 : i32
        %dma_start3A_93 = arith.constant 0 : i32
        %dma_start3A_94 = tpu.memref_slice %arg2[%dma_start3A_92, %dma_start3A_93] : memref<10000x128xf32, #tpu.memory_space<hbm>> -> memref<10000x128xf32, #tpu.memory_space<hbm>>
        tpu.enqueue_indirect_dma source(%dma_start3A_94 : memref<10000x128xf32, #tpu.memory_space<hbm>>) target(%arg9 : memref<80x128xf32, #tpu.memory_space<vmem>>) offsets(%dma_start3A_91 : memref<80xi32, #tpu.memory_space<vmem>>) semaphore(%arg11 : memref<!tpu.dma_semaphore, #tpu.memory_space<semaphore_mem>>)
      } else {
      }
      %add3A_76 = arith.constant 1 : i32
      %add3A_77 = arith.addi %mul3A_56, %add3A_76 : i32
      %dma_wait3A_78 = arith.constant 0 : i32
      %dma_wait3A_79 = tpu.memref_slice %arg7[%add3A_77, %dma_wait3A_78] : memref<250x80xi32, #tpu.memory_space<vmem>> -> memref<1x80xi32, #tpu.memory_space<vmem>>
      %dma_wait3A_80 = tpu.memref_squeeze %dma_wait3A_79 : memref<1x80xi32, #tpu.memory_space<vmem>> -> memref<80xi32, #tpu.memory_space<vmem>>
      %dma_wait3A_81 = arith.constant 0 : i32
      %dma_wait3A_82 = arith.constant 0 : i32
      %dma_wait3A_83 = tpu.memref_slice %arg2[%dma_wait3A_81, %dma_wait3A_82] : memref<10000x128xf32, #tpu.memory_space<hbm>> -> memref<10000x128xf32, #tpu.memory_space<hbm>>
      tpu.wait_indirect_dma semaphore(%arg12 : memref<!tpu.dma_semaphore, #tpu.memory_space<semaphore_mem>>) src(%dma_wait3A_83 : memref<10000x128xf32, #tpu.memory_space<hbm>>) dst(%arg10 : memref<80x128xf32, #tpu.memory_space<vmem>>)
      %add3A_84 = arith.constant 1 : i32
      %add3A_85 = arith.addi %mul3A_56, %add3A_84 : i32
      "tpu.region"() ({
        %run_scoped3A = tpu.sem_alloc : memref<!tpu.dma_semaphore, #tpu.memory_space<semaphore_mem>>
        %dma_start3A_87 = arith.constant 0 : i32
        %dma_start3A_88 = tpu.memref_slice %arg8[%add3A_85, %dma_start3A_87] : memref<250x80xi32, #tpu.memory_space<vmem>> -> memref<1x80xi32, #tpu.memory_space<vmem>>
        %dma_start3A_89 = tpu.memref_squeeze %dma_start3A_88 : memref<1x80xi32, #tpu.memory_space<vmem>> -> memref<80xi32, #tpu.memory_space<vmem>>
        %dma_start3A_90 = arith.constant 0 : i32
        %dma_start3A_91 = arith.constant 0 : i32
        %dma_start3A_92 = tpu.memref_slice %arg6[%dma_start3A_90, %dma_start3A_91] : memref<5128x128xf32, #tpu.memory_space<vmem_shared>> -> memref<5128x128xf32, #tpu.memory_space<vmem_shared>>
        tpu.enqueue_indirect_dma source(%arg10 : memref<80x128xf32, #tpu.memory_space<vmem>>) target(%dma_start3A_92 : memref<5128x128xf32, #tpu.memory_space<vmem_shared>>) offsets(%dma_start3A_89 : memref<80xi32, #tpu.memory_space<vmem>>) semaphore(%run_scoped3A : memref<!tpu.dma_semaphore, #tpu.memory_space<semaphore_mem>>) {add = true}
        %dma_wait3A_93 = arith.constant 0 : i32
        %dma_wait3A_94 = tpu.memref_slice %arg8[%add3A_85, %dma_wait3A_93] : memref<250x80xi32, #tpu.memory_space<vmem>> -> memref<1x80xi32, #tpu.memory_space<vmem>>
        %dma_wait3A_95 = tpu.memref_squeeze %dma_wait3A_94 : memref<1x80xi32, #tpu.memory_space<vmem>> -> memref<80xi32, #tpu.memory_space<vmem>>
        %dma_wait3A_96 = arith.constant 0 : i32
        %dma_wait3A_97 = arith.constant 0 : i32
        %dma_wait3A_98 = tpu.memref_slice %arg6[%dma_wait3A_96, %dma_wait3A_97] : memref<5128x128xf32, #tpu.memory_space<vmem_shared>> -> memref<5128x128xf32, #tpu.memory_space<vmem_shared>>
        tpu.wait_indirect_dma semaphore(%run_scoped3A : memref<!tpu.dma_semaphore, #tpu.memory_space<semaphore_mem>>) src(%arg10 : memref<80x128xf32, #tpu.memory_space<vmem>>) dst(%dma_wait3A_98 : memref<5128x128xf32, #tpu.memory_space<vmem_shared>>)
        tpu.yield
      }) : () -> ()
      %scan3A_86 = arith.constant 0 : i32
      scf.yield %scan3A_86 : i32
    }
    %scan3A_44 = arith.constant 125 : i32
    %barrier3A_45 = arith.constant 0 : index
    tpu.barrier barrier_id(%barrier3A_45)
    %mul3A_46 = arith.constant 320 : i32
    %mul3A_47 = arith.muli %arg1, %mul3A_46 : i32
    %mul3A_48 = arith.constant 5120 : i32
    %mul3A_49 = arith.muli %arg0, %mul3A_48 : i32
    %mul3A_50 = arith.constant 320 : i32
    %mul3A_51 = arith.muli %arg1, %mul3A_50 : i32
    %add3A_52 = arith.addi %mul3A_49, %mul3A_51 : i32
    "tpu.region"() ({
      %run_scoped3A = tpu.sem_alloc : memref<!tpu.dma_semaphore, #tpu.memory_space<semaphore_mem>>
      %dma_start3A_53 = arith.constant 0 : i32
      %dma_start3A_54 = tpu.memref_slice %arg5[%add3A_52, %dma_start3A_53] : memref<10240x128xf32, #tpu.memory_space<hbm>> -> memref<320x128xf32, #tpu.memory_space<hbm>>
      %dma_start3A_55 = arith.constant 0 : i32
      %dma_start3A_56 = tpu.memref_slice %arg6[%mul3A_47, %dma_start3A_55] : memref<5128x128xf32, #tpu.memory_space<vmem_shared>> -> memref<320x128xf32, #tpu.memory_space<vmem_shared>>
      tpu.enqueue_dma source(%dma_start3A_56 : memref<320x128xf32, #tpu.memory_space<vmem_shared>>) target(%dma_start3A_54 : memref<320x128xf32, #tpu.memory_space<hbm>>) target_semaphore(%run_scoped3A : memref<!tpu.dma_semaphore, #tpu.memory_space<semaphore_mem>>)
      %dma_wait3A = arith.constant 0 : i32
      %dma_wait3A_57 = tpu.memref_slice %arg5[%add3A_52, %dma_wait3A] : memref<10240x128xf32, #tpu.memory_space<hbm>> -> memref<320x128xf32, #tpu.memory_space<hbm>>
      %dma_wait3A_58 = arith.constant 0 : i32
      %dma_wait3A_59 = tpu.memref_slice %arg6[%mul3A_47, %dma_wait3A_58] : memref<5128x128xf32, #tpu.memory_space<vmem_shared>> -> memref<320x128xf32, #tpu.memory_space<vmem_shared>>
      tpu.wait_dma2 semaphore(%run_scoped3A : memref<!tpu.dma_semaphore, #tpu.memory_space<semaphore_mem>>) src(%dma_wait3A_59 : memref<320x128xf32, #tpu.memory_space<vmem_shared>>) dst(%dma_wait3A_57 : memref<320x128xf32, #tpu.memory_space<hbm>>)
      tpu.yield
    }) : () -> ()
    return
  }
}

module attributes {stable_mosaic.version = 14 : i64} {
  func.func @_tc_head_body(%arg0: memref<10240x1xf32, #tpu.memory_space<vmem>>, %arg1: memref<10000x128xf32, #tpu.memory_space<vmem>>, %arg2: memref<128x128xf32, #tpu.memory_space<vmem>>, %arg3: memref<10000x1xf32, #tpu.memory_space<vmem>>, %arg4: memref<10000x128xf32, #tpu.memory_space<vmem>>) attributes {dimension_semantics = [], scalar_prefetch = 0 : i64, scratch_operands = 0 : i64, tpu.core_type = #tpu.core_type<tc>} {
    %get3A = arith.constant 0 : index
    %get3A_0 = arith.constant 0 : index
    %get3A_1 = vector.load %arg0[%get3A, %get3A_0] : memref<10240x1xf32, #tpu.memory_space<vmem>>, vector<10000x1xf32>
    %add3A = arith.constant 1.000000e+00 : f32
    %add3A_2 = vector.broadcast %add3A : f32 to vector<10000x1xf32>
    %add3A_3 = arith.addf %get3A_1, %add3A_2 : vector<10000x1xf32>
    %rsqrt3A = math.rsqrt %add3A_3 : vector<10000x1xf32>
    %get3A_4 = arith.constant 0 : index
    %get3A_5 = arith.constant 0 : index
    %get3A_6 = vector.load %arg1[%get3A_4, %get3A_5] : memref<10000x128xf32, #tpu.memory_space<vmem>>, vector<10000x128xf32>
    %get3A_7 = arith.constant 0 : index
    %get3A_8 = arith.constant 0 : index
    %get3A_9 = vector.load %arg2[%get3A_7, %get3A_8] : memref<128x128xf32, #tpu.memory_space<vmem>>, vector<128x128xf32>
    %dot_general3A = arith.constant dense<0.000000e+00> : vector<10000x128xf32>
    %dot_general3A_10 = tpu.matmul %get3A_6, %get3A_9, %dot_general3A {dimension_numbers = #tpu.dot_dimension_numbers<[1], [0], [0], [1], [0, 0, 1, 1], [], []>, transpose_lhs_hint = false} : vector<10000x128xf32>, vector<128x128xf32>, vector<10000x128xf32> -> vector<10000x128xf32>
    %swap3A = arith.constant 0 : index
    %swap3A_11 = arith.constant 0 : index
    %swap3A_12 = vector.load %arg3[%swap3A, %swap3A_11] : memref<10000x1xf32, #tpu.memory_space<vmem>>, vector<10000x1xf32>
    tpu.vector_store %arg3[%swap3A, %swap3A_11], %rsqrt3A {strides = array<i32>} : memref<10000x1xf32, #tpu.memory_space<vmem>>, vector<10000x1xf32>,
    %mul3A = vector.broadcast %rsqrt3A : vector<10000x1xf32> to vector<10000x128xf32>
    %mul3A_13 = arith.mulf %dot_general3A_10, %mul3A : vector<10000x128xf32>
    %swap3A_14 = arith.constant 0 : index
    %swap3A_15 = arith.constant 0 : index
    %swap3A_16 = vector.load %arg4[%swap3A_14, %swap3A_15] : memref<10000x128xf32, #tpu.memory_space<vmem>>, vector<10000x128xf32>
    tpu.vector_store %arg4[%swap3A_14, %swap3A_15], %mul3A_13 {strides = array<i32>} : memref<10000x128xf32, #tpu.memory_space<vmem>>, vector<10000x128xf32>,
    return
  }
}

module attributes {stable_mosaic.version = 14 : i64} {
  func.func @_tc_mid_body(%arg0: memref<10240x128xf32, #tpu.memory_space<vmem>>, %arg1: memref<10000x128xf32, #tpu.memory_space<vmem>>, %arg2: memref<10000x1xf32, #tpu.memory_space<vmem>>, %arg3: memref<1x128xf32, #tpu.memory_space<vmem>>, %arg4: memref<128x128xf32, #tpu.memory_space<vmem>>, %arg5: memref<10000x128xf32, #tpu.memory_space<vmem>>) attributes {dimension_semantics = [], scalar_prefetch = 0 : i64, scratch_operands = 0 : i64, tpu.core_type = #tpu.core_type<tc>} {
    %get3A = arith.constant 0 : index
    %get3A_0 = arith.constant 0 : index
    %get3A_1 = vector.load %arg2[%get3A, %get3A_0] : memref<10000x1xf32, #tpu.memory_space<vmem>>, vector<10000x1xf32>
    %get3A_2 = arith.constant 0 : index
    %get3A_3 = arith.constant 0 : index
    %get3A_4 = vector.load %arg0[%get3A_2, %get3A_3] : memref<10240x128xf32, #tpu.memory_space<vmem>>, vector<10000x128xf32>
    %get3A_5 = arith.constant 0 : index
    %get3A_6 = arith.constant 0 : index
    %get3A_7 = vector.load %arg1[%get3A_5, %get3A_6] : memref<10000x128xf32, #tpu.memory_space<vmem>>, vector<10000x128xf32>
    %add3A = arith.addf %get3A_4, %get3A_7 : vector<10000x128xf32>
    %mul3A = vector.broadcast %get3A_1 : vector<10000x1xf32> to vector<10000x128xf32>
    %mul3A_8 = arith.mulf %add3A, %mul3A : vector<10000x128xf32>
    %get3A_9 = arith.constant 0 : index
    %get3A_10 = arith.constant 0 : index
    %get3A_11 = vector.load %arg3[%get3A_9, %get3A_10] : memref<1x128xf32, #tpu.memory_space<vmem>>, vector<1x128xf32>
    %add3A_12 = vector.broadcast %get3A_11 : vector<1x128xf32> to vector<10000x128xf32>
    %add3A_13 = arith.addf %mul3A_8, %add3A_12 : vector<10000x128xf32>
    %tanh3A = math.tanh %add3A_13 : vector<10000x128xf32>
    %get3A_14 = arith.constant 0 : index
    %get3A_15 = arith.constant 0 : index
    %get3A_16 = vector.load %arg4[%get3A_14, %get3A_15] : memref<128x128xf32, #tpu.memory_space<vmem>>, vector<128x128xf32>
    %dot_general3A = arith.constant dense<0.000000e+00> : vector<10000x128xf32>
    %dot_general3A_17 = tpu.matmul %tanh3A, %get3A_16, %dot_general3A {dimension_numbers = #tpu.dot_dimension_numbers<[1], [0], [0], [1], [0, 0, 1, 1], [], []>, transpose_lhs_hint = false} : vector<10000x128xf32>, vector<128x128xf32>, vector<10000x128xf32> -> vector<10000x128xf32>
    %mul3A_18 = vector.broadcast %get3A_1 : vector<10000x1xf32> to vector<10000x128xf32>
    %mul3A_19 = arith.mulf %dot_general3A_17, %mul3A_18 : vector<10000x128xf32>
    %swap3A = arith.constant 0 : index
    %swap3A_20 = arith.constant 0 : index
    %swap3A_21 = vector.load %arg5[%swap3A, %swap3A_20] : memref<10000x128xf32, #tpu.memory_space<vmem>>, vector<10000x128xf32>
    tpu.vector_store %arg5[%swap3A, %swap3A_20], %mul3A_19 {strides = array<i32>} : memref<10000x128xf32, #tpu.memory_space<vmem>>, vector<10000x128xf32>,
    return
  }
}

module attributes {stable_mosaic.version = 14 : i64} {
  func.func @_tc_tail_body(%arg0: memref<10240x128xf32, #tpu.memory_space<vmem>>, %arg1: memref<10000x128xf32, #tpu.memory_space<vmem>>, %arg2: memref<10000x1xf32, #tpu.memory_space<vmem>>, %arg3: memref<1x128xf32, #tpu.memory_space<vmem>>, %arg4: memref<10000xi32, #tpu.memory_space<vmem>>, %arg5: memref<128x128xf32, #tpu.memory_space<vmem>>, %arg6: memref<1x128xf32, #tpu.memory_space<vmem>>, %arg7: memref<128x32xf32, #tpu.memory_space<vmem>>, %arg8: memref<1x32xf32, #tpu.memory_space<vmem>>, %arg9: memref<32x1xf32, #tpu.memory_space<vmem>>, %arg10: memref<1x1xf32, #tpu.memory_space<vmem>>, %arg11: memref<64x1xf32, #tpu.memory_space<vmem>>) attributes {dimension_semantics = [], scalar_prefetch = 0 : i64, scratch_operands = 0 : i64, tpu.core_type = #tpu.core_type<tc>} {
    %get3A = arith.constant 0 : index
    %get3A_0 = arith.constant 0 : index
    %get3A_1 = vector.load %arg0[%get3A, %get3A_0] : memref<10240x128xf32, #tpu.memory_space<vmem>>, vector<10000x128xf32>
    %get3A_2 = arith.constant 0 : index
    %get3A_3 = arith.constant 0 : index
    %get3A_4 = vector.load %arg1[%get3A_2, %get3A_3] : memref<10000x128xf32, #tpu.memory_space<vmem>>, vector<10000x128xf32>
    %add3A = arith.addf %get3A_1, %get3A_4 : vector<10000x128xf32>
    %get3A_5 = arith.constant 0 : index
    %get3A_6 = arith.constant 0 : index
    %get3A_7 = vector.load %arg2[%get3A_5, %get3A_6] : memref<10000x1xf32, #tpu.memory_space<vmem>>, vector<10000x1xf32>
    %mul3A = vector.broadcast %get3A_7 : vector<10000x1xf32> to vector<10000x128xf32>
    %mul3A_8 = arith.mulf %add3A, %mul3A : vector<10000x128xf32>
    %get3A_9 = arith.constant 0 : index
    %get3A_10 = arith.constant 0 : index
    %get3A_11 = vector.load %arg3[%get3A_9, %get3A_10] : memref<1x128xf32, #tpu.memory_space<vmem>>, vector<1x128xf32>
    %add3A_12 = vector.broadcast %get3A_11 : vector<1x128xf32> to vector<10000x128xf32>
    %add3A_13 = arith.addf %mul3A_8, %add3A_12 : vector<10000x128xf32>
    %tanh3A = math.tanh %add3A_13 : vector<10000x128xf32>
    %get3A_14 = arith.constant 0 : index
    %get3A_15 = arith.constant 0 : index
    %get3A_16 = vector.load %arg5[%get3A_14, %get3A_15] : memref<128x128xf32, #tpu.memory_space<vmem>>, vector<128x128xf32>
    %dot_general3A = arith.constant dense<0.000000e+00> : vector<10000x128xf32>
    %dot_general3A_17 = tpu.matmul %tanh3A, %get3A_16, %dot_general3A {dimension_numbers = #tpu.dot_dimension_numbers<[1], [0], [0], [1], [0, 0, 1, 1], [], []>, transpose_lhs_hint = false} : vector<10000x128xf32>, vector<128x128xf32>, vector<10000x128xf32> -> vector<10000x128xf32>
    %get3A_18 = arith.constant 0 : index
    %get3A_19 = arith.constant 0 : index
    %get3A_20 = vector.load %arg6[%get3A_18, %get3A_19] : memref<1x128xf32, #tpu.memory_space<vmem>>, vector<1x128xf32>
    %add3A_21 = vector.broadcast %get3A_20 : vector<1x128xf32> to vector<10000x128xf32>
    %add3A_22 = arith.addf %dot_general3A_17, %add3A_21 : vector<10000x128xf32>
    %tanh3A_23 = math.tanh %add3A_22 : vector<10000x128xf32>
    %get3A_24 = arith.constant 0 : index
    %get3A_25 = arith.constant 0 : index
    %get3A_26 = vector.load %arg7[%get3A_24, %get3A_25] : memref<128x32xf32, #tpu.memory_space<vmem>>, vector<128x32xf32>
    %dot_general3A_27 = arith.constant dense<0.000000e+00> : vector<10000x32xf32>
    %dot_general3A_28 = tpu.matmul %tanh3A_23, %get3A_26, %dot_general3A_27 {dimension_numbers = #tpu.dot_dimension_numbers<[1], [0], [0], [1], [0, 0, 1, 1], [], []>, transpose_lhs_hint = false} : vector<10000x128xf32>, vector<128x32xf32>, vector<10000x32xf32> -> vector<10000x32xf32>
    %get3A_29 = arith.constant 0 : index
    %get3A_30 = arith.constant 0 : index
    %get3A_31 = vector.load %arg8[%get3A_29, %get3A_30] : memref<1x32xf32, #tpu.memory_space<vmem>>, vector<1x32xf32>
    %add3A_32 = vector.broadcast %get3A_31 : vector<1x32xf32> to vector<10000x32xf32>
    %add3A_33 = arith.addf %dot_general3A_28, %add3A_32 : vector<10000x32xf32>
    %tanh3A_34 = math.tanh %add3A_33 : vector<10000x32xf32>
    %get3A_35 = arith.constant 0 : index
    %get3A_36 = arith.constant 0 : index
    %get3A_37 = vector.load %arg9[%get3A_35, %get3A_36] : memref<32x1xf32, #tpu.memory_space<vmem>>, vector<32x1xf32>
    %dot_general3A_38 = arith.constant dense<0.000000e+00> : vector<10000x1xf32>
    %dot_general3A_39 = tpu.matmul %tanh3A_34, %get3A_37, %dot_general3A_38 {dimension_numbers = #tpu.dot_dimension_numbers<[1], [0], [0], [1], [0, 0, 1, 1], [], []>, transpose_lhs_hint = false} : vector<10000x32xf32>, vector<32x1xf32>, vector<10000x1xf32> -> vector<10000x1xf32>
    %get3A_40 = arith.constant 0 : index
    %get3A_41 = arith.constant 0 : index
    %get3A_42 = vector.load %arg10[%get3A_40, %get3A_41] : memref<1x1xf32, #tpu.memory_space<vmem>>, vector<1x1xf32>
    %add3A_43 = vector.broadcast %get3A_42 : vector<1x1xf32> to vector<10000x1xf32>
    %add3A_44 = arith.addf %dot_general3A_39, %add3A_43 : vector<10000x1xf32>
    %get3A_45 = arith.constant 0 : index
    %get3A_46 = vector.load %arg4[%get3A_45] : memref<10000xi32, #tpu.memory_space<vmem>>, vector<10000xi32>
    %iota3A = tpu.iota {dimensions = array<i32: 0>} : vector<64x10000xi32>
    %broadcast_in_dim3A = vector.shape_cast %get3A_46 : vector<10000xi32> to vector<1x10000xi32>
    %eq3A = vector.broadcast %broadcast_in_dim3A : vector<1x10000xi32> to vector<64x10000xi32>
    %eq3A_47 = arith.cmpi eq, %eq3A, %iota3A : vector<64x10000xi32>
    %convert_element_type3A = arith.extui %eq3A_47 : vector<64x10000xi1> to vector<64x10000xi32>
    %convert_element_type3A_48 = arith.sitofp %convert_element_type3A : vector<64x10000xi32> to vector<64x10000xf32>
    %dot_general3A_49 = arith.constant dense<0.000000e+00> : vector<64x1xf32>
    %dot_general3A_50 = tpu.matmul %convert_element_type3A_48, %add3A_44, %dot_general3A_49 {dimension_numbers = #tpu.dot_dimension_numbers<[1], [0], [0], [1], [0, 0, 1, 1], [], []>, transpose_lhs_hint = false} : vector<64x10000xf32>, vector<10000x1xf32>, vector<64x1xf32> -> vector<64x1xf32>
    %reduce_sum3A = arith.constant dense<0.000000e+00> : vector<64xf32>
    %reduce_sum3A_51 = vector.multi_reduction <add>, %convert_element_type3A_48, %reduce_sum3A [1] : vector<64x10000xf32> to vector<64xf32>
    %broadcast_in_dim3A_52 = vector.shape_cast %reduce_sum3A_51 : vector<64xf32> to vector<64x1xf32>
    %max3A = arith.constant 1.000000e+00 : f32
    %max3A_53 = vector.broadcast %max3A : f32 to vector<64x1xf32>
    %max3A_54 = arith.maximumf %broadcast_in_dim3A_52, %max3A_53 : vector<64x1xf32>
    %div3A = arith.divf %dot_general3A_50, %max3A_54 : vector<64x1xf32>
    %logistic3A = arith.negf %div3A : vector<64x1xf32>
    %logistic3A_55 = math.exp %logistic3A : vector<64x1xf32>
    %logistic3A_56 = arith.constant 1.000000e+00 : f32
    %logistic3A_57 = vector.broadcast %logistic3A_56 : f32 to vector<64x1xf32>
    %logistic3A_58 = arith.addf %logistic3A_57, %logistic3A_55 : vector<64x1xf32>
    %logistic3A_59 = arith.divf %logistic3A_57, %logistic3A_58 : vector<64x1xf32>
    %swap3A = arith.constant 0 : index
    %swap3A_60 = arith.constant 0 : index
    %swap3A_61 = vector.load %arg11[%swap3A, %swap3A_60] : memref<64x1xf32, #tpu.memory_space<vmem>>, vector<64x1xf32>
    tpu.vector_store %arg11[%swap3A, %swap3A_60], %logistic3A_59 {strides = array<i32>} : memref<64x1xf32, #tpu.memory_space<vmem>>, vector<64x1xf32>,
    return
  }
}

</mosaic_0001>

<sc_bundles>
// kernel: kernel.10.cloned.1.call-start
scs
__scs_entry_jumppad:
0x0: {  	(pc) =	sbr.rel $0x88, $3  }
0x1: {  	(tag) =	ssettag $0x0;
	lr =	simm.s32 $0x1  }
0x2: {  	[smem:$0x3F92] =	sst lr;
	_ =	strace $0xD0000000  }
0x3: {  	_ = 	snop  }
0x4: {  	_ = 	snop  }
0x5: {  	_ = 	snop  }
0x6: {  	_ = 	snop  }
0x7: {  	_ = 	snop  }
__scs_overlays_trampoline_lowered:
0x8: {  	[smem:$0x3FA1] =	sst s0  }
0x9: {  	[smem:$0x3FA2] =	sst s1  }
0xa: {  	[smem:$0x3FA3] =	sst s2  }
0xb: {  	[smem:$0x3FA4] =	sst s3  }
0xc: {  	[smem:$0x3FA5] =	sst s4  }
0xd: {  	[smem:$0x3FA6] =	sst s5  }
0xe: {  	[smem:$0x3FA7] =	sst s6  }
0xf: {  	[smem:$0x3FA8] =	sst s7  }
0x10: {  	[smem:$0x3FA9] =	sst s8  }
0x11: {  	[smem:$0x3FAA] =	sst s9;
	s0 =	simm.s32 @!p0 $0x0  }
0x12: {  	s1 =	sld [smem:$0x3F90];
	s0 =	simm.s32 @p0 $0x1  }
0x13: {  	[smem:$0x3FAB] =	sst s0;
	s0 =	simm.s32 @!p1 $0x0  }
0x14: {  	s2 =	sld [smem:$0x3F8F];
	s0 =	simm.s32 @p1 $0x1  }
0x15: {  	[smem:$0x3FAC] =	sst s0;
	s0 =	simm.s32 @!p2 $0x0  }
0x16: {  	s3 =	sld [smem:$0x3FDB];
	s0 =	simm.s32 @p2 $0x1  }
0x17: {  	s4 =	simm.s32 $0x1BF5;
	[smem:$0x3FAE] =	sst s0  }
0x18: {  	s0 =	sld [smem:$0x3F91];
	_ =	swait.ge [sflag:s4], $0x0  }
0x19: {  	s7 =	sld [smem:$0x3F92]  }
0x1a: {  	s8 =	sadd.s32 $0xFFFFE003, lr  }
0x1b: {  	s9 =	sadd.s32 $0xFFFFFEF7, lr;
	s5 =	simm.s32 $0xFFFFFFFF;
	p2 =	slt.u32 s8, $0xFFFFF086  }
0x1c: {  	p1 =	slt.u32 s9, $0xF7A;
	s5 =	simm.s32 @!p2 $0x0  }
0x1d: {  	s5 =	simm.s32 @p1 $0x1;
	p0 =	seq.s32 s7, s2  }
0x1e: {  	s7 =	smul.u32 @!p0 $0xF7A, s2;
	p2 =	seq.s32 @!p0 s5, $0x0  }
0x1f: {  	s9 =	smul.u32 $0xF7A, s1;
	s8 =	simm.s32 @!p0 $0x1BF5;
	p2 =	por !p2, p0  }
0x20: {  	[sflag:s8] =	ssyncset.s32 @!p0 $0xFFFFF086;
	s6 =	sadd.s32 @!p0 s3, s7;
	s7 =	simm.s32 @!p0 $0x108  }
0x21: {  	s3 =	sadd.s32 s3, s9;
	s6 =	sadd.s32 @!p0 $0x88, s6;
	s7 =	simm.s32 @p2 $0x1082  }
0x22: {  	[simem:s7], [sflag:s8] =	dma.local @!p0 [hbm:s6], $0xF7A  }
0x23: {  	s9 =	sor.u32 $0xD0000000, s2;
	s6 =	simm.s32 $0x108;
	_ =	swait.ge @!p0 [sflag:s8], $0x0  }
0x24: {  	s3 =	sadd.s32 $0x88, s3;
	s6 =	simm.s32 @!p1 $0x1082;
	[sflag:s4] =	ssyncset.s32 $0xFFFFF086  }
0x25: {  	[simem:s6], [sflag:s4] =	dma.local [hbm:s3], $0xF7A  }
0x26: {  	[smem:$0x3F92] =	sst s1;
	(tag) =	ssettag s2;
	_ =	strace s9  }
0x27: {  	s1 =	sld [smem:$0x3FA2]  }
0x28: {  	s2 =	sld [smem:$0x3FA3]  }
0x29: {  	s4 =	sld [smem:$0x3FA5]  }
0x2a: {  	p0 =	seq.s32 s5, $0x0;
	s5 =	sld [smem:$0x3FA6]  }
0x2b: {  	s6 =	sld [smem:$0x3FA7]  }
0x2c: {  	s7 =	sld [smem:$0x3FA8]  }
0x2d: {  	s3 =	simm.s32 $0x108;
	s8 =	sld [smem:$0x3FA9]  }
0x2e: {  	s3 =	simm.s32 @!p0 $0x1082;
	s9 =	sld [smem:$0x3FAA]  }
0x2f: {  	lr =	sadd.s32 s0, s3;
	s0 =	sld [smem:$0x3FA1]  }
0x30: {  	s3 =	sld [smem:$0x3FA4]  }
0x31: {  	[smem:$0x3FAD] =	sst s10  }
0x32: {  	s10 =	sld [smem:$0x3FAB];
	_ =	sdelay $0x3  }
0x33: {  	p0 =	seq.s32 s10, $0x1;
	s10 =	sld [smem:$0x3FAD];
	_ =	sdelay $0x3  }
0x34: {  	[smem:$0x3FAD] =	sst s10  }
0x35: {  	s10 =	sld [smem:$0x3FAC];
	_ =	sdelay $0x3  }
0x36: {  	p1 =	seq.s32 s10, $0x1;
	s10 =	sld [smem:$0x3FAD];
	_ =	sdelay $0x3  }
0x37: {  	[smem:$0x3FAD] =	sst s10  }
0x38: {  	s10 =	sld [smem:$0x3FAE]  }
0x39: {  	_ = 	snop;
	(pc) =	sbr.ind lr, $3  }
0x3a: {  	_ = 	snop  }
0x3b: {  	_ = 	snop  }
0x3c: {  	p2 =	seq.s32 s10, $0x1;
	s10 =	sld [smem:$0x3FAD]  }
0x3d: {  	_ =	shalt  }
0x3e: {  	_ =	shalt  }
0x3f: {  	_ =	shalt  }
0x40: {  	_ =	shalt  }
0x41: {  	_ =	shalt  }
0x42: {  	_ =	shalt  }
0x43: {  	_ =	shalt  }
0x44: {  	_ =	shalt  }
0x45: {  	_ =	shalt  }
0x46: {  	_ =	shalt  }
0x47: {  	_ =	shalt  }
0x48: {  	_ =	shalt  }
0x49: {  	_ =	shalt  }
0x4a: {  	_ =	shalt  }
0x4b: {  	_ =	shalt  }
0x4c: {  	_ =	shalt  }
0x4d: {  	_ =	shalt  }
0x4e: {  	_ =	shalt  }
0x4f: {  	_ =	shalt  }
0x50: {  	_ =	shalt  }
0x51: {  	_ =	shalt  }
0x52: {  	_ =	shalt  }
0x53: {  	_ =	shalt  }
0x54: {  	_ =	shalt  }
0x55: {  	_ =	shalt  }
0x56: {  	_ =	shalt  }
0x57: {  	_ =	shalt  }
0x58: {  	_ =	shalt  }
0x59: {  	_ =	shalt  }
0x5a: {  	_ =	shalt  }
0x5b: {  	_ =	shalt  }
0x5c: {  	_ =	shalt  }
0x5d: {  	_ =	shalt  }
0x5e: {  	_ =	shalt  }
0x5f: {  	_ =	shalt  }
0x60: {  	_ =	shalt  }
0x61: {  	_ =	shalt  }
0x62: {  	_ =	shalt  }
0x63: {  	_ =	shalt  }
0x64: {  	_ =	shalt  }
0x65: {  	_ =	shalt  }
0x66: {  	_ =	shalt  }
0x67: {  	_ =	shalt  }
0x68: {  	_ =	shalt  }
0x69: {  	_ =	shalt  }
0x6a: {  	_ =	shalt  }
0x6b: {  	_ =	shalt  }
0x6c: {  	_ =	shalt  }
0x6d: {  	_ =	shalt  }
0x6e: {  	_ =	shalt  }
0x6f: {  	_ =	shalt  }
0x70: {  	_ =	shalt  }
0x71: {  	_ =	shalt  }
0x72: {  	_ =	shalt  }
0x73: {  	_ =	shalt  }
0x74: {  	_ =	shalt  }
0x75: {  	_ =	shalt  }
0x76: {  	_ =	shalt  }
0x77: {  	_ =	shalt  }
0x78: {  	_ =	shalt  }
0x79: {  	_ =	shalt  }
0x7a: {  	_ =	shalt  }
0x7b: {  	_ =	shalt  }
0x7c: {  	_ =	shalt  }
0x7d: {  	_ =	shalt  }
0x7e: {  	_ =	shalt  }
0x7f: {  	_ =	shalt  }
0x80: {  	_ =	shalt  }
0x81: {  	_ =	shalt  }
0x82: {  	_ =	shalt  }
0x83: {  	_ =	shalt  }
0x84: {  	_ =	shalt  }
0x85: {  	_ =	shalt  }
0x86: {  	_ =	shalt  }
0x87: {  	_ =	shalt  }
.Lfunc_end0:
.L_simem_size_0:
called_computation_lowered:
.L_overlay_start_0:
0x88: {  	s2 =	sld [smem:$0x3FD9]  }
0x89: {  	s3 =	sld [smem:$0x3FFE];
	_ =	sdelay $0x1  }
0x8a: {  	s1 =	srdreg.scid  }
0x8b: {  	s0 =	sand.u32 $0x1, s1  }
0x8c: {  	s16 =	sshll.u32 s0, $0xA;
	s2 =	sadd.s32 s3, s2  }
0x8d: {  	s2 =	sadd.s32 s2, s16  }
0x8e: {  	[smem:$0x3FB9] =	sst s2  }
0x8f: {  	_ = 	snop  }
0x90: {  	(tm) =	ssettm $0x1  }
0x91: {  	s17 =	sld [smem:$0x3FFB];
	_ =	sdelay $0x3  }
0x92: {  	_ =	strace s17  }
0x93: {  	s2 =	sld [smem:$0x3FFC];
	_ =	sdelay $0x3  }
0x94: {  	_ =	strace s2  }
0x95: {  	s2 =	sld [smem:$0x3FFD];
	_ =	sdelay $0x3  }
0x96: {  	_ =	strace s2  }
0x97: {  	_ =	strace $0x8FFFFFFF  }
0x98: {  	s18 =	sld [smem:$0x3FDB];
	_ =	sdelay $0x1  }
0x99: {  	s19 =	simm.s32 $_scs_section_size  }
0x9a: {  	s4 =	simm.s32 $_size__tile_overlayer_lowered;
	s5 =	simm.s32 $_tile_overlayer_lowered  }
0x9b: {  	s22 =	simm.s32 $0x1BFF;
	s21 =	sshll.u32 s5, $0x1;
	s2 =	sadd.s32 s19, s18  }
0x9c: {  	s6 =	simm.s32 $0x0;
	s20 =	sshll.u32 s4, $0x1;
	s4 =	sadd.s32 s21, s2  }
0x9d: {  	[timem:s6], [sflag:s22] =	dma.local [hbm:s4], s20  }
0x9e: {  	_ =	swait.ge [sflag:s22], s20  }
0x9f: {  	s3 =	ssub.s32 $0x0, s20;
	[sflag:s22] =	ssyncset.done $0x0  }
0xa0: {  	[sflag:s22] =	ssyncadd.s32 s3;
	_ =	sdelay $0x1  }
0xa1: {  	s23 =	simm.s32 $0x1B8B  }
0xa2: {  	_ =	swait.ge [sflag:s23], $0x1  }
0xa3: {  	[sflag:s23] =	ssyncset.done $0x0  }
0xa4: {  	s25 =	simm.s32 $0x1B8E;
	s24 =	sld [smem:$0x3FFE];
	[sflag:s23] =	ssyncadd.s32 $0xFFFFFFFF  }
0xa5: {  	s26 =	simm.s32 $execute0_lowered;
	[smem:$0x3FD2] =	sst s25  }
0xa6: {  	s4 =	sshll.u32 s26, $0x1;
	_ =	strace $0x80000046;
	[dreg:$0x1] =	wrdreg $0xFFFFFFFF  }
0xa7: {  	s28 =	simm.s32 $_size_execute0_lowered;
	s2 =	sadd.s32 s2, s4;
	[dreg:$0x0] =	wrdreg $0x0  }
0xa8: {  	s4 =	sshll.u32 s28, $0x1;
	[dreg:$0x2] =	wrdreg s2  }
0xa9: {  	[dreg:$0x3] =	wrdreg s4  }
0xaa: {  	[dreg:$0x4] =	wrdreg $0xC0  }
0xab: {  	_ =	task [dreg:s6], $0x5FFFF  }
0xac: {  	[dreg:$0x1] =	wrdreg $0xFFFFFFFF  }
0xad: {  	[dreg:$0x0] =	wrdreg $0x60  }
0xae: {  	[dreg:$0x2] =	wrdreg s24  }
0xaf: {  	[dreg:$0x3] =	wrdreg $0x0  }
0xb0: {  	[dreg:$0x4] =	wrdreg $0x9  }
0xb1: {  	_ =	task.clear_ibuf [dreg:s6], $0x5FFFF;
	_ =	strace $0x90000046  }
0xb2: {  	s29 =	simm.s32 $0x9;
	_ =	strace $0x80000048  }
0xb3: {  	_ =	swait.ge [sflag:s29], $0x1  }
0xb4: {  	[sflag:s29] =	ssyncadd.s32 $0xFFFFFFFF  }
0xb5: {  	_ =	strace $0x90000048  }
0xb6: {  	_ =	sfence  }
0xb7: {  	s30 =	sld [smem:$0x0];
	_ =	sdelay $0x2  }
0xb8: {  	s31 =	sshll.u32 s1, $0xD;
	s1 =	sshrl.u32 s1, $0x2  }
0xb9: {  	s3 =	sand.u32 $0x4000, s31;
	s1 =	sadd.s32 s1, s30  }
0xba: {  	s0 =	sor.u32 s3, s0;
	s1 =	sshll.u32 s1, $0x11  }
0xbb: {  	s0 =	sor.u32 s1, s0  }
0xbc: {  	s0 =	sadd.s32 $0x8F2B, s0  }
0xbd: {  	[sflag:s0] =	ssyncadd.remote.s32 $0x1  }
0xbe: {  	_ =	sfence.sel $0xFFFF  }
0xbf: {  	[dreg:$0x0] =	wrdreg $0xFFFFFFFF;
	(pc) =	sbr.abs _section_cstart, $3  }
0xc0: {  	[dreg:$0x1] =	wrdreg $0xFFFFFFFF  }
0xc1: {  	_ =	task.clear_ibuf [dreg:s6], $0x2FFFF;
	_ =	strace $0x9FFFFFFF  }
0xc2: {  	(tm) =	ssettm $0x7FFFFFFF  }
0xc3: {  	_ =	shalt  }
tec
execute0_lowered:
.L_overlay_start_1:
0x0: {  	(tag) =	ssettag $0x1  }
0x1: {  	s4 =	rddreg [dreg:$0x0]  }
0x2: {  	s2 =	rddreg [dreg:$0x1]  }
0x3: {  	s0 =	rddreg [dreg:$0x2]  }
0x4: {  	s1 =	stileid.u32;
	s5 =	srdreg.scid;
	s3 =	simm.s32 $0x0  }
0x5: {  	s11 =	simm.s32 $0x1408;
	s13 =	simm.s32 $0x9408;
	s14 =	simm.s32 $0x1  }
0x6: {  	s5 =	sand.u32 $0x1, s5;
	s6 =	smul.u32 $0x140, s1;
	[smem:$0x7FF] =	sst s3  }
0x7: {  	s7 =	sshll.u32 s1, $0xC;
	s8 =	smul.u32 $0x28000, s1;
	p0 =	sne.s32 s1, $0xF  }
0x8: {  	s12 =	smul.u32 $0x1400, s5;
	_ =	strace $0x80000047;
	s5 =	ssub.s32 $0x2, s5  }
0x9: {  	s7 =	sadd.s32 s7, s4;
	s9 =	sshrl.u32 s5, $0x1;
	s31 =	sshrl.u32 s8, $0x2  }
0xa: {  	s6 =	sadd.s32 s6, s12;
	s9 =	ssub.s32 s5, s9;
	s5 =	sadd.s32 $0xA0000, s2  }
0xb: {  	v0 =	vmov s12;
	s12 =	simm.s32 $0x50;
	s6 =	sshll.u32 s6, $0x4;
	s8 =	smax.u32 s9, $0x1  }
0xc: {  	s9 =	simm.s32 $0xBC08;
	s10 =	sadd.s32 s6, s4;
	s4 =	sadd.s32 s31, s2  }
0xd: {  	v1 =	vimm.f32 $1.000000000e+00;
	v2 =	vimm.f32 $0.0e+00;
	s6 =	sadd.s32 $0x4400, s7;
	s7 =	sadd.s32 $0x14400, s10;
	s10 =	simm.s32 $0x2  }
.LBB2_1:
0xe: {  	s15 =	simm.s32 $0x0  }
.LBB2_2:
0xf: {  	p1 =	sne.s32 s15, $0x9E00  }
.Ltmp0:
0x10: {  	_ = 	snop;
	(pc) =	sbr.rel @p1 .LBB2_2-.Ltmp0, $3  }
0x11: {  	_ =	sdelay $0x1  }
0x12: {  	s16 =	sshra.s32 s15, $0x2  }
0x13: {  	s15 =	sadd.s32 $0x200, s15;
	[tilespmem:s16+$0x9408] =	vst v1  }
0x14: {  	s15 =	simm.s32 $0x200;
	s16 =	simm.s32 $0x0  }
.LBB2_4:
0x15: {  	p1 =	sne.s32 s15, $0x27E00;
	[tilespmem:s16+$0xBC08] =	vst v2;
	s16 =	smov.u32 s15;
	s15 =	sadd.s32 $0x200, s15  }
.Ltmp1:
0x16: {  	(pc) =	sbr.rel @p1 .LBB2_4-.Ltmp1, $2  }
0x17: {  	_ =	sdelay $0x2  }
0x18: {  	s16 =	sshra.s32 s16, $0x2  }
0x19: {  	[tilespmem:s16+$0xBC08] =	vst v2  }
0x1a: {  	[spmem:s4] =	stream.linear.scatter [tilespmem:s9], [sflag:$0x2], $0xA000, $0x38;
	[tilespmem:$0x15C08] =	vst v63  }
0x1b: {  	_ =	swait.ge [sflag:s10], $0xA000  }
0x1c: {  	[sflag:s10] =	ssyncset.done $0x0  }
0x1d: {  	s15 =	simm.s32 @!p0 $0xBC08;
	[sflag:s10] =	ssyncadd.s32 $0xFFFF6000  }
0x1e: {  	[spmem:s5] =	stream.linear.scatter @!p0 [tilespmem:s15], [sflag:$0x2], $0x400, $0x38;
	[tilespmem:$0x15C08] =	vst v63  }
0x1f: {  	s15 =	simm.s32 @!p0 $0x2  }
0x20: {  	_ =	swait.ge @!p0 [sflag:s15], $0x400  }
0x21: {  	[sflag:s15] =	ssyncset.done @!p0 $0x0  }
0x22: {  	s31 =	simm.s32 $0x0;
	[sflag:s15] =	ssyncadd.s32 @!p0 $0xFFFFFC00  }
0x23: {  	[tilespmem:s11], [sflag:$0x2] =	stream.linear.gather [hbm4b:s6+s31], $0x7D00, $0x38;
	[tilespmem:$0x15C08] =	vst v63  }
0x24: {  	_ =	swait.ge [sflag:s10], $0x7D00  }
0x25: {  	[sflag:s10] =	ssyncset.done $0x0  }
0x26: {  	s15 =	simm.s32 $0x0;
	[sflag:s10] =	ssyncadd.s32 $0xFFFF8300  }
0x27: {  	v5 =	vld [tilespmem:s15+$0x1408]  }
0x28: {  	v6 =	vld [tilespmem:s15+$0x1418]  }
0x29: {  	v4 =	vld [tilespmem:s15+$0x1428]  }
0x2a: {  	s16 =	simm.s32 $0x200;
	v3 =	vld [tilespmem:s15+$0x1438]  }
.LBB2_6:
0x2b: {  	p1 =	sne.s32 s16, $0x1F200;
	v7 =	vld [tilespmem:s15+$0x1448]  }
0x2c: {  	v5 =	vsub.s32 v5, v0  }
0x2d: {  	v5 =	vmin.u32 v5, $0x1400;
	v6 =	vsub.s32 v6, v0  }
.Ltmp2:
0x2e: {  	s17 =	sshra.s32 s16, $0x2;
	[tilespmem:s15+$0x1408] =	vst v5;
	v6 =	vmin.u32 v6, $0x1400;
	v4 =	vsub.s32 v4, v0;
	(pc) =	sbr.rel @p1 .LBB2_6-.Ltmp2, $4  }
0x2f: {  	v5 =	vld [tilespmem:s17+$0x1408];
	[tilespmem:s15+$0x1418] =	vst v6;
	v4 =	vmin.u32 v4, $0x1400;
	v3 =	vsub.s32 v3, v0  }
0x30: {  	v6 =	vld [tilespmem:s17+$0x1418];
	[tilespmem:s15+$0x1428] =	vst v4;
	v3 =	vmin.u32 v3, $0x1400;
	v7 =	vsub.s32 v7, v0  }
0x31: {  	v4 =	vld [tilespmem:s17+$0x1428];
	[tilespmem:s15+$0x1438] =	vst v3;
	v7 =	vmin.u32 v7, $0x1400  }
0x32: {  	s16 =	sadd.s32 $0x200, s16;
	v3 =	vld [tilespmem:s17+$0x1438];
	[tilespmem:s15+$0x1448] =	vst v7;
	s15 =	smov.u32 s17  }
0x33: {  	v7 =	vld [tilespmem:s15+$0x1448]  }
0x34: {  	v5 =	vsub.s32 v5, v0  }
0x35: {  	v5 =	vmin.u32 v5, $0x1400;
	v6 =	vsub.s32 v6, v0  }
0x36: {  	[tilespmem:s15+$0x1408] =	vst v5;
	v62 =	vmin.u32 v6, $0x1400;
	v4 =	vsub.s32 v4, v0  }
0x37: {  	[tilespmem:s15+$0x1418] =	vst v62;
	v4 =	vmin.u32 v4, $0x1400;
	v3 =	vsub.s32 v3, v0  }
0x38: {  	[tilespmem:s15+$0x1428] =	vst v4;
	v3 =	vmin.u32 v3, $0x1400;
	v63 =	vsub.s32 v7, v0  }
0x39: {  	[tilespmem:s15+$0x1438] =	vst v3;
	v3 =	vmin.u32 v63, $0x1400  }
0x3a: {  	[tilespmem:s15+$0x1448] =	vst v3  }
0x3b: {  	s15 =	simm.s32 $0x0;
	[bflag:$0x0] =	sbarrier.arrive $0xFFFF  }
.LBB2_8:
0x3c: {  	p1 =	sne.s32 s15, $0x1F200  }
.Ltmp3:
0x3d: {  	_ = 	snop;
	(pc) =	sbr.rel @p1 .LBB2_8-.Ltmp3, $4  }
0x3e: {  	_ = 	snop  }
0x3f: {  	s16 =	sshra.s32 s15, $0x2  }
0x40: {  	s15 =	sadd.s32 $0x200, s15;
	s16 =	sadd.s32 $0x1408, s16  }
0x41: {  	[spmem:s2] =	stream.indirect.scatter.add.f32 [tilespmem:s13], [sflag:$0x1], $0x10, s16, s12, $0xb8;
	[tilespmem:$0x15C08] =	vst v63  }
0x42: {  	_ =	swait.ge [sflag:s14], $0x500  }
0x43: {  	s15 =	simm.s32 $0xF9;
	[sflag:s14] =	ssyncset.done $0x0  }
.LBB2_10:
0x44: {  	p1 =	sne.s32 s15, $0x1;
	s15 =	sadd.s32 $0xFFFFFFFF, s15;
	[sflag:s14] =	ssyncadd.s32 $0xFFFFFB00  }
.Ltmp4:
0x45: {  	(pc) =	sbr.rel @p1 .LBB2_10-.Ltmp4, $3  }
0x46: {  	_ =	sdelay $0x1  }
0x47: {  	_ =	swait.ge [sflag:s14], $0x500  }
0x48: {  	[sflag:s14] =	ssyncset.done $0x0  }
0x49: {  	[sflag:s14] =	ssyncadd.s32 $0xFFFFFB00;
	s3 =	sadd.s32 $0x1, s3  }
0x4a: {  	s15 =	sshll.u32 s1, $0x6;
	s16 =	sshrl.u32 s4, $0x3;
	p1 =	sne.s32 s3, s8  }
.Ltmp5:
0x4b: {  	[bflag:$0x0] =	sbarrier.arrive $0xFFFF;
	s15 =	sor.u32 $0x1C02, s15;
	(pc) =	sbr.rel @p1 .LBB2_1-.Ltmp5, $4  }
0x4c: {  	[hbm:s7], [sflag:s15] =	dma.local [spmem:s16], $0x1400  }
0x4d: {  	_ =	swait.ge [sflag:s10], $0x1400  }
0x4e: {  	[sflag:s10] =	ssyncset.done $0x0  }
0x4f: {  	[sflag:s10] =	ssyncadd.s32 $0xFFFFEC00  }
0x50: {  	_ =	sfence.sel $0x180000  }
0x51: {  	[bflag:$0x0] =	sbarrier.arrive $0xFFFF  }
0x52: {  	p0 =	sne.s32 s1, $0x0;
	_ =	strace $0x90000047  }
0x53: {  	s0 =	sadd.s32 @!p0 $0x100000, s0;
	[bflag:$0x2] =	sbarrier.arrive $0xFFFF  }
0x54: {  	[sflag:s0] =	ssyncadd.tile.s32 @!p0 $0x1;
	_ =	shalt  }
.Lfunc_end2:
_tile_overlayer_lowered:
.L_overlay_start_2:
0x55: {  	(tag) =	ssettag $0x2  }
0x56: {  	s0 =	rddreg [dreg:$0x0];
	s2 =	stileid.u32  }
0x57: {  	s1 =	rddreg [dreg:$0x1];
	p0 =	sne.s32 s2, $0x0  }
0x58: {  	s3 =	rddreg [dreg:$0x2];
	[bflag:$0x3] =	sbarrier.arrive $0xFFFF;
	s2 =	simm.s32 @!p0 $0x1C02  }
0x59: {  	[timem:s3], [sflag:s2] =	dma.local @!p0 [hbm:s0], s1  }
0x5a: {  	s0 =	simm.s32 @!p0 $0x2  }
0x5b: {  	_ =	swait.ge @!p0 [sflag:s0], s1  }
0x5c: {  	s1 =	ssub.s32 @!p0 $0x0, s1;
	[sflag:s0] =	ssyncset.done @!p0 $0x0  }
0x5d: {  	[sflag:s0] =	ssyncadd.s32 @!p0 s1  }
0x5e: {  	[bflag:$0x3] =	sbarrier.arrive $0xFFFF  }
0x5f: {  	_ =	shalt  }

// kernel: kernel.13.cloned.1.call-start
scs
__scs_entry_jumppad:
0x0: {  	(pc) =	sbr.rel $0x88, $3  }
0x1: {  	(tag) =	ssettag $0x0;
	lr =	simm.s32 $0x1  }
0x2: {  	[smem:$0x3F92] =	sst lr;
	_ =	strace $0xD0000000  }
0x3: {  	_ = 	snop  }
0x4: {  	_ = 	snop  }
0x5: {  	_ = 	snop  }
0x6: {  	_ = 	snop  }
0x7: {  	_ = 	snop  }
__scs_overlays_trampoline_lowered:
0x8: {  	[smem:$0x3FA1] =	sst s0  }
0x9: {  	[smem:$0x3FA2] =	sst s1  }
0xa: {  	[smem:$0x3FA3] =	sst s2  }
0xb: {  	[smem:$0x3FA4] =	sst s3  }
0xc: {  	[smem:$0x3FA5] =	sst s4  }
0xd: {  	[smem:$0x3FA6] =	sst s5  }
0xe: {  	[smem:$0x3FA7] =	sst s6  }
0xf: {  	[smem:$0x3FA8] =	sst s7  }
0x10: {  	[smem:$0x3FA9] =	sst s8  }
0x11: {  	[smem:$0x3FAA] =	sst s9;
	s0 =	simm.s32 @!p0 $0x0  }
0x12: {  	s1 =	sld [smem:$0x3F90];
	s0 =	simm.s32 @p0 $0x1  }
0x13: {  	[smem:$0x3FAB] =	sst s0;
	s0 =	simm.s32 @!p1 $0x0  }
0x14: {  	s2 =	sld [smem:$0x3F8F];
	s0 =	simm.s32 @p1 $0x1  }
0x15: {  	[smem:$0x3FAC] =	sst s0;
	s0 =	simm.s32 @!p2 $0x0  }
0x16: {  	s3 =	sld [smem:$0x3FDB];
	s0 =	simm.s32 @p2 $0x1  }
0x17: {  	s4 =	simm.s32 $0x1BF5;
	[smem:$0x3FAE] =	sst s0  }
0x18: {  	s0 =	sld [smem:$0x3F91];
	_ =	swait.ge [sflag:s4], $0x0  }
0x19: {  	s7 =	sld [smem:$0x3F92]  }
0x1a: {  	s8 =	sadd.s32 $0xFFFFE003, lr  }
0x1b: {  	s9 =	sadd.s32 $0xFFFFFEF7, lr;
	s5 =	simm.s32 $0xFFFFFFFF;
	p2 =	slt.u32 s8, $0xFFFFF086  }
0x1c: {  	p1 =	slt.u32 s9, $0xF7A;
	s5 =	simm.s32 @!p2 $0x0  }
0x1d: {  	s5 =	simm.s32 @p1 $0x1;
	p0 =	seq.s32 s7, s2  }
0x1e: {  	s7 =	smul.u32 @!p0 $0xF7A, s2;
	p2 =	seq.s32 @!p0 s5, $0x0  }
0x1f: {  	s9 =	smul.u32 $0xF7A, s1;
	s8 =	simm.s32 @!p0 $0x1BF5;
	p2 =	por !p2, p0  }
0x20: {  	[sflag:s8] =	ssyncset.s32 @!p0 $0xFFFFF086;
	s6 =	sadd.s32 @!p0 s3, s7;
	s7 =	simm.s32 @!p0 $0x108  }
0x21: {  	s3 =	sadd.s32 s3, s9;
	s6 =	sadd.s32 @!p0 $0x88, s6;
	s7 =	simm.s32 @p2 $0x1082  }
0x22: {  	[simem:s7], [sflag:s8] =	dma.local @!p0 [hbm:s6], $0xF7A  }
0x23: {  	s9 =	sor.u32 $0xD0000000, s2;
	s6 =	simm.s32 $0x108;
	_ =	swait.ge @!p0 [sflag:s8], $0x0  }
0x24: {  	s3 =	sadd.s32 $0x88, s3;
	s6 =	simm.s32 @!p1 $0x1082;
	[sflag:s4] =	ssyncset.s32 $0xFFFFF086  }
0x25: {  	[simem:s6], [sflag:s4] =	dma.local [hbm:s3], $0xF7A  }
0x26: {  	[smem:$0x3F92] =	sst s1;
	(tag) =	ssettag s2;
	_ =	strace s9  }
0x27: {  	s1 =	sld [smem:$0x3FA2]  }
0x28: {  	s2 =	sld [smem:$0x3FA3]  }
0x29: {  	s4 =	sld [smem:$0x3FA5]  }
0x2a: {  	p0 =	seq.s32 s5, $0x0;
	s5 =	sld [smem:$0x3FA6]  }
0x2b: {  	s6 =	sld [smem:$0x3FA7]  }
0x2c: {  	s7 =	sld [smem:$0x3FA8]  }
0x2d: {  	s3 =	simm.s32 $0x108;
	s8 =	sld [smem:$0x3FA9]  }
0x2e: {  	s3 =	simm.s32 @!p0 $0x1082;
	s9 =	sld [smem:$0x3FAA]  }
0x2f: {  	lr =	sadd.s32 s0, s3;
	s0 =	sld [smem:$0x3FA1]  }
0x30: {  	s3 =	sld [smem:$0x3FA4]  }
0x31: {  	[smem:$0x3FAD] =	sst s10  }
0x32: {  	s10 =	sld [smem:$0x3FAB];
	_ =	sdelay $0x3  }
0x33: {  	p0 =	seq.s32 s10, $0x1;
	s10 =	sld [smem:$0x3FAD];
	_ =	sdelay $0x3  }
0x34: {  	[smem:$0x3FAD] =	sst s10  }
0x35: {  	s10 =	sld [smem:$0x3FAC];
	_ =	sdelay $0x3  }
0x36: {  	p1 =	seq.s32 s10, $0x1;
	s10 =	sld [smem:$0x3FAD];
	_ =	sdelay $0x3  }
0x37: {  	[smem:$0x3FAD] =	sst s10  }
0x38: {  	s10 =	sld [smem:$0x3FAE]  }
0x39: {  	_ = 	snop;
	(pc) =	sbr.ind lr, $3  }
0x3a: {  	_ = 	snop  }
0x3b: {  	_ = 	snop  }
0x3c: {  	p2 =	seq.s32 s10, $0x1;
	s10 =	sld [smem:$0x3FAD]  }
0x3d: {  	_ =	shalt  }
0x3e: {  	_ =	shalt  }
0x3f: {  	_ =	shalt  }
0x40: {  	_ =	shalt  }
0x41: {  	_ =	shalt  }
0x42: {  	_ =	shalt  }
0x43: {  	_ =	shalt  }
0x44: {  	_ =	shalt  }
0x45: {  	_ =	shalt  }
0x46: {  	_ =	shalt  }
0x47: {  	_ =	shalt  }
0x48: {  	_ =	shalt  }
0x49: {  	_ =	shalt  }
0x4a: {  	_ =	shalt  }
0x4b: {  	_ =	shalt  }
0x4c: {  	_ =	shalt  }
0x4d: {  	_ =	shalt  }
0x4e: {  	_ =	shalt  }
0x4f: {  	_ =	shalt  }
0x50: {  	_ =	shalt  }
0x51: {  	_ =	shalt  }
0x52: {  	_ =	shalt  }
0x53: {  	_ =	shalt  }
0x54: {  	_ =	shalt  }
0x55: {  	_ =	shalt  }
0x56: {  	_ =	shalt  }
0x57: {  	_ =	shalt  }
0x58: {  	_ =	shalt  }
0x59: {  	_ =	shalt  }
0x5a: {  	_ =	shalt  }
0x5b: {  	_ =	shalt  }
0x5c: {  	_ =	shalt  }
0x5d: {  	_ =	shalt  }
0x5e: {  	_ =	shalt  }
0x5f: {  	_ =	shalt  }
0x60: {  	_ =	shalt  }
0x61: {  	_ =	shalt  }
0x62: {  	_ =	shalt  }
0x63: {  	_ =	shalt  }
0x64: {  	_ =	shalt  }
0x65: {  	_ =	shalt  }
0x66: {  	_ =	shalt  }
0x67: {  	_ =	shalt  }
0x68: {  	_ =	shalt  }
0x69: {  	_ =	shalt  }
0x6a: {  	_ =	shalt  }
0x6b: {  	_ =	shalt  }
0x6c: {  	_ =	shalt  }
0x6d: {  	_ =	shalt  }
0x6e: {  	_ =	shalt  }
0x6f: {  	_ =	shalt  }
0x70: {  	_ =	shalt  }
0x71: {  	_ =	shalt  }
0x72: {  	_ =	shalt  }
0x73: {  	_ =	shalt  }
0x74: {  	_ =	shalt  }
0x75: {  	_ =	shalt  }
0x76: {  	_ =	shalt  }
0x77: {  	_ =	shalt  }
0x78: {  	_ =	shalt  }
0x79: {  	_ =	shalt  }
0x7a: {  	_ =	shalt  }
0x7b: {  	_ =	shalt  }
0x7c: {  	_ =	shalt  }
0x7d: {  	_ =	shalt  }
0x7e: {  	_ =	shalt  }
0x7f: {  	_ =	shalt  }
0x80: {  	_ =	shalt  }
0x81: {  	_ =	shalt  }
0x82: {  	_ =	shalt  }
0x83: {  	_ =	shalt  }
0x84: {  	_ =	shalt  }
0x85: {  	_ =	shalt  }
0x86: {  	_ =	shalt  }
0x87: {  	_ =	shalt  }
.Lfunc_end0:
.L_simem_size_0:
called_computation.1_lowered:
.L_overlay_start_0:
0x88: {  	s2 =	sld [smem:$0x3FD9]  }
0x89: {  	s3 =	sld [smem:$0x3FFE];
	_ =	sdelay $0x1  }
0x8a: {  	s1 =	srdreg.scid  }
0x8b: {  	s0 =	sand.u32 $0x1, s1  }
0x8c: {  	s16 =	sshll.u32 s0, $0xA;
	s2 =	sadd.s32 s3, s2  }
0x8d: {  	s2 =	sadd.s32 s2, s16  }
0x8e: {  	[smem:$0x3FB9] =	sst s2  }
0x8f: {  	_ = 	snop  }
0x90: {  	(tm) =	ssettm $0x1  }
0x91: {  	s17 =	sld [smem:$0x3FFB];
	_ =	sdelay $0x3  }
0x92: {  	_ =	strace s17  }
0x93: {  	s2 =	sld [smem:$0x3FFC];
	_ =	sdelay $0x3  }
0x94: {  	_ =	strace s2  }
0x95: {  	s2 =	sld [smem:$0x3FFD];
	_ =	sdelay $0x3  }
0x96: {  	_ =	strace s2  }
0x97: {  	_ =	strace $0x8FFFFFFF  }
0x98: {  	s18 =	sld [smem:$0x3FDB];
	_ =	sdelay $0x1  }
0x99: {  	s19 =	simm.s32 $_scs_section_size  }
0x9a: {  	s4 =	simm.s32 $_size__tile_overlayer_lowered;
	s5 =	simm.s32 $_tile_overlayer_lowered  }
0x9b: {  	s22 =	simm.s32 $0x1BFF;
	s21 =	sshll.u32 s5, $0x1;
	s2 =	sadd.s32 s19, s18  }
0x9c: {  	s6 =	simm.s32 $0x0;
	s20 =	sshll.u32 s4, $0x1;
	s4 =	sadd.s32 s21, s2  }
0x9d: {  	[timem:s6], [sflag:s22] =	dma.local [hbm:s4], s20  }
0x9e: {  	_ =	swait.ge [sflag:s22], s20  }
0x9f: {  	s3 =	ssub.s32 $0x0, s20;
	[sflag:s22] =	ssyncset.done $0x0  }
0xa0: {  	[sflag:s22] =	ssyncadd.s32 s3;
	_ =	sdelay $0x1  }
0xa1: {  	s23 =	simm.s32 $0x1B8B  }
0xa2: {  	_ =	swait.ge [sflag:s23], $0x1  }
0xa3: {  	[sflag:s23] =	ssyncset.done $0x0  }
0xa4: {  	s25 =	simm.s32 $0x1B8E;
	s24 =	sld [smem:$0x3FFE];
	[sflag:s23] =	ssyncadd.s32 $0xFFFFFFFF  }
0xa5: {  	s26 =	simm.s32 $execute0_lowered;
	[smem:$0x3FD2] =	sst s25  }
0xa6: {  	s4 =	sshll.u32 s26, $0x1;
	_ =	strace $0x80000049;
	[dreg:$0x1] =	wrdreg $0xFFFFFFFF  }
0xa7: {  	s28 =	simm.s32 $_size_execute0_lowered;
	s2 =	sadd.s32 s2, s4;
	[dreg:$0x0] =	wrdreg $0x0  }
0xa8: {  	s4 =	sshll.u32 s28, $0x1;
	[dreg:$0x2] =	wrdreg s2  }
0xa9: {  	[dreg:$0x3] =	wrdreg s4  }
0xaa: {  	[dreg:$0x4] =	wrdreg $0xC0  }
0xab: {  	_ =	task [dreg:s6], $0x5FFFF  }
0xac: {  	[dreg:$0x1] =	wrdreg $0xFFFFFFFF  }
0xad: {  	[dreg:$0x0] =	wrdreg $0x60  }
0xae: {  	[dreg:$0x2] =	wrdreg s24  }
0xaf: {  	[dreg:$0x3] =	wrdreg $0x0  }
0xb0: {  	[dreg:$0x4] =	wrdreg $0x9  }
0xb1: {  	_ =	task.clear_ibuf [dreg:s6], $0x5FFFF;
	_ =	strace $0x90000049  }
0xb2: {  	s29 =	simm.s32 $0x9;
	_ =	strace $0x8000004B  }
0xb3: {  	_ =	swait.ge [sflag:s29], $0x1  }
0xb4: {  	[sflag:s29] =	ssyncadd.s32 $0xFFFFFFFF  }
0xb5: {  	_ =	strace $0x9000004B  }
0xb6: {  	_ =	sfence  }
0xb7: {  	s30 =	sld [smem:$0x0];
	_ =	sdelay $0x2  }
0xb8: {  	s31 =	sshll.u32 s1, $0xD;
	s1 =	sshrl.u32 s1, $0x2  }
0xb9: {  	s3 =	sand.u32 $0x4000, s31;
	s1 =	sadd.s32 s1, s30  }
0xba: {  	s0 =	sor.u32 s3, s0;
	s1 =	sshll.u32 s1, $0x11  }
0xbb: {  	s0 =	sor.u32 s1, s0  }
0xbc: {  	s0 =	sadd.s32 $0x8F2B, s0  }
0xbd: {  	[sflag:s0] =	ssyncadd.remote.s32 $0x1  }
0xbe: {  	_ =	sfence.sel $0xFFFF  }
0xbf: {  	[dreg:$0x0] =	wrdreg $0xFFFFFFFF;
	(pc) =	sbr.abs _section_cstart, $3  }
0xc0: {  	[dreg:$0x1] =	wrdreg $0xFFFFFFFF  }
0xc1: {  	_ =	task.clear_ibuf [dreg:s6], $0x2FFFF;
	_ =	strace $0x9FFFFFFF  }
0xc2: {  	(tm) =	ssettm $0x7FFFFFFF  }
0xc3: {  	_ =	shalt  }
tec
execute0_lowered:
.L_overlay_start_1:
0x0: {  	(tag) =	ssettag $0x1  }
0x1: {  	s5 =	rddreg [dreg:$0x0]  }
0x2: {  	s2 =	rddreg [dreg:$0x1]  }
0x3: {  	s0 =	rddreg [dreg:$0x2];
	s1 =	stileid.u32  }
0x4: {  	s4 =	srdreg.scid;
	s3 =	simm.s32 $0x0;
	s14 =	simm.s32 $0x1A040  }
0x5: {  	s15 =	simm.s32 $0x3;
	s16 =	simm.s32 $0xA040;
	s17 =	simm.s32 $0x12040  }
0x6: {  	s18 =	simm.s32 $0x50;
	s19 =	simm.s32 $0x1C840;
	s20 =	simm.s32 $0x1  }
0x7: {  	s21 =	simm.s32 $0x2;
	s23 =	simm.s32 $0x19C40;
	s24 =	simm.s32 $0x19CC0  }
0x8: {  	s6 =	sand.u32 $0x1, s4;
	s7 =	smul.u32 $0x140, s1;
	[smem:$0x7FF] =	sst s3  }
0x9: {  	s8 =	sshll.u32 s1, $0xC;
	s9 =	smul.u32 $0x28000, s1;
	s4 =	sadd.s32 $0x14400, s5  }
0xa: {  	p0 =	sne.s32 s1, $0xF;
	s22 =	smul.u32 $0x1400, s6;
	_ =	strace $0x8000004A  }
0xb: {  	s11 =	sadd.s32 s8, s5;
	s6 =	ssub.s32 $0x2, s6;
	s30 =	sshrl.u32 s9, $0x2  }
0xc: {  	s31 =	sshrl.u32 s6, $0x1;
	s9 =	sadd.s32 $0xA0000, s2;
	s7 =	sadd.s32 s7, s22  }
0xd: {  	s10 =	sadd.s32 $0x3C400, s11;
	s11 =	sadd.s32 $0x4400, s11;
	s7 =	sshll.u32 s7, $0x4  }
0xe: {  	s13 =	ssub.s32 s6, s31;
	s12 =	sadd.s32 s7, s5;
	s5 =	sadd.s32 s30, s2  }
0xf: {  	v0 =	vmov s22;
	s22 =	simm.s32 $0x11CC0;
	s13 =	smax.u32 s13, $0x1;
	s6 =	sadd.s32 $0x2800, s5  }
0x10: {  	v1 =	vimm.f32 $0.0e+00;
	s7 =	sadd.s32 $0x5000, s5;
	s8 =	sadd.s32 $0x7800, s5;
	s12 =	sadd.s32 $0x4C400, s12  }
.LBB2_1:
0x11: {  	s25 =	simm.s32 $0x0;
	s26 =	simm.s32 $0x200  }
.LBB2_2:
0x12: {  	p1 =	sne.s32 s26, $0x9E00;
	[tilespmem:s25+$0x1A0B0] =	vst v1  }
0x13: {  	[tilespmem:s25+$0x1A040] =	vst v1  }
0x14: {  	[tilespmem:s25+$0x1A050] =	vst v1  }
.Ltmp0:
0x15: {  	[tilespmem:s25+$0x1A060] =	vst v1;
	(pc) =	sbr.rel @p1 .LBB2_2-.Ltmp0, $4  }
0x16: {  	[tilespmem:s25+$0x1A070] =	vst v1  }
0x17: {  	[tilespmem:s25+$0x1A080] =	vst v1  }
0x18: {  	[tilespmem:s25+$0x1A090] =	vst v1  }
0x19: {  	[tilespmem:s25+$0x1A0A0] =	vst v1;
	s25 =	sshra.s32 s26, $0x2;
	s26 =	sadd.s32 $0x200, s26  }
0x1a: {  	[tilespmem:s25+$0x1A0B0] =	vst v1  }
0x1b: {  	[tilespmem:s25+$0x1A040] =	vst v1  }
0x1c: {  	[tilespmem:s25+$0x1A050] =	vst v1  }
0x1d: {  	[tilespmem:s25+$0x1A060] =	vst v1  }
0x1e: {  	[tilespmem:s25+$0x1A070] =	vst v1  }
0x1f: {  	[tilespmem:s25+$0x1A080] =	vst v1  }
0x20: {  	[tilespmem:s25+$0x1A090] =	vst v1  }
0x21: {  	[tilespmem:s25+$0x1A0A0] =	vst v1  }
0x22: {  	[spmem:s5] =	stream.linear.scatter [tilespmem:s14], [sflag:$0x3], $0x2800, $0x38;
	[tilespmem:$0x1F040] =	vst v63  }
0x23: {  	_ =	swait.ge [sflag:s15], $0x2800  }
0x24: {  	[sflag:s15] =	ssyncset.done $0x0  }
0x25: {  	[sflag:s15] =	ssyncadd.s32 $0xFFFFD800  }
0x26: {  	[spmem:s6] =	stream.linear.scatter [tilespmem:s14], [sflag:$0x3], $0x2800, $0x38;
	[tilespmem:$0x1F040] =	vst v63  }
0x27: {  	_ =	swait.ge [sflag:s15], $0x2800  }
0x28: {  	[sflag:s15] =	ssyncset.done $0x0  }
0x29: {  	[sflag:s15] =	ssyncadd.s32 $0xFFFFD800  }
0x2a: {  	[spmem:s7] =	stream.linear.scatter [tilespmem:s14], [sflag:$0x3], $0x2800, $0x38;
	[tilespmem:$0x1F040] =	vst v63  }
0x2b: {  	_ =	swait.ge [sflag:s15], $0x2800  }
0x2c: {  	[sflag:s15] =	ssyncset.done $0x0  }
0x2d: {  	[sflag:s15] =	ssyncadd.s32 $0xFFFFD800  }
0x2e: {  	[spmem:s8] =	stream.linear.scatter [tilespmem:s14], [sflag:$0x3], $0x2800, $0x38;
	[tilespmem:$0x1F040] =	vst v63  }
0x2f: {  	_ =	swait.ge [sflag:s15], $0x2800  }
0x30: {  	[sflag:s15] =	ssyncset.done $0x0  }
0x31: {  	s25 =	simm.s32 @!p0 $0x1A040;
	[sflag:s15] =	ssyncadd.s32 $0xFFFFD800  }
0x32: {  	[spmem:s9] =	stream.linear.scatter @!p0 [tilespmem:s25], [sflag:$0x3], $0x400, $0x38;
	[tilespmem:$0x1F040] =	vst v63  }
0x33: {  	s25 =	simm.s32 @!p0 $0x3  }
0x34: {  	_ =	swait.ge @!p0 [sflag:s25], $0x400  }
0x35: {  	[sflag:s25] =	ssyncset.done @!p0 $0x0  }
0x36: {  	s31 =	simm.s32 $0x0;
	[sflag:s25] =	ssyncadd.s32 @!p0 $0xFFFFFC00  }
0x37: {  	[tilespmem:s16], [sflag:$0x3] =	stream.linear.gather [hbm4b:s10+s31], $0x7D00, $0x38;
	[tilespmem:$0x1F040] =	vst v63  }
0x38: {  	_ =	swait.ge [sflag:s15], $0x7D00  }
0x39: {  	[sflag:s15] =	ssyncset.done $0x0  }
0x3a: {  	[sflag:s15] =	ssyncadd.s32 $0xFFFF8300  }
0x3b: {  	[tilespmem:s17], [sflag:$0x3] =	stream.linear.gather [hbm4b:s11+s31], $0x7D00, $0x38;
	[tilespmem:$0x1F040] =	vst v63  }
0x3c: {  	_ =	swait.ge [sflag:s15], $0x7D00  }
0x3d: {  	[sflag:s15] =	ssyncset.done $0x0  }
0x3e: {  	s25 =	simm.s32 $0x0;
	[sflag:s15] =	ssyncadd.s32 $0xFFFF8300  }
0x3f: {  	v4 =	vld [tilespmem:s25+$0x12040]  }
0x40: {  	v5 =	vld [tilespmem:s25+$0x12050]  }
0x41: {  	v3 =	vld [tilespmem:s25+$0x12060]  }
0x42: {  	s26 =	simm.s32 $0x200;
	v2 =	vld [tilespmem:s25+$0x12070]  }
.LBB2_4:
0x43: {  	p1 =	sne.s32 s26, $0x1F200;
	v6 =	vld [tilespmem:s25+$0x12080]  }
0x44: {  	v4 =	vsub.s32 v4, v0  }
0x45: {  	v4 =	vmin.u32 v4, $0x1400;
	v5 =	vsub.s32 v5, v0  }
.Ltmp1:
0x46: {  	s28 =	sshra.s32 s26, $0x2;
	[tilespmem:s25+$0x12040] =	vst v4;
	v5 =	vmin.u32 v5, $0x1400;
	v3 =	vsub.s32 v3, v0;
	(pc) =	sbr.rel @p1 .LBB2_4-.Ltmp1, $4  }
0x47: {  	v4 =	vld [tilespmem:s28+$0x12040];
	[tilespmem:s25+$0x12050] =	vst v5;
	v3 =	vmin.u32 v3, $0x1400;
	v2 =	vsub.s32 v2, v0  }
0x48: {  	v5 =	vld [tilespmem:s28+$0x12050];
	[tilespmem:s25+$0x12060] =	vst v3;
	v2 =	vmin.u32 v2, $0x1400;
	v6 =	vsub.s32 v6, v0  }
0x49: {  	v3 =	vld [tilespmem:s28+$0x12060];
	[tilespmem:s25+$0x12070] =	vst v2;
	v6 =	vmin.u32 v6, $0x1400  }
0x4a: {  	s26 =	sadd.s32 $0x200, s26;
	v2 =	vld [tilespmem:s28+$0x12070];
	[tilespmem:s25+$0x12080] =	vst v6;
	s25 =	smov.u32 s28  }
0x4b: {  	v6 =	vld [tilespmem:s25+$0x12080]  }
0x4c: {  	v4 =	vsub.s32 v4, v0  }
0x4d: {  	v4 =	vmin.u32 v4, $0x1400;
	v5 =	vsub.s32 v5, v0  }
0x4e: {  	[tilespmem:s25+$0x12040] =	vst v4;
	v63 =	vmin.u32 v5, $0x1400;
	v3 =	vsub.s32 v3, v0  }
0x4f: {  	[tilespmem:s25+$0x12050] =	vst v63;
	v3 =	vmin.u32 v3, $0x1400;
	v2 =	vsub.s32 v2, v0  }
0x50: {  	[tilespmem:s25+$0x12060] =	vst v3;
	v2 =	vmin.u32 v2, $0x1400;
	v3 =	vsub.s32 v6, v0  }
0x51: {  	[tilespmem:s25+$0x12070] =	vst v2;
	v2 =	vmin.u32 v3, $0x1400  }
0x52: {  	[tilespmem:s25+$0x12080] =	vst v2  }
0x53: {  	[bflag:$0x0] =	sbarrier.arrive $0xFFFF  }
0x54: {  	[tilespmem:s14], [sflag:$0x1] =	stream.indirect.gather [hbm4b:s4+s18], $0x80, s16, s18, $0xb8;
	[tilespmem:$0x1F040] =	vst v63  }
0x55: {  	s28 =	simm.s32 $0xA0C0  }
0x56: {  	[tilespmem:s19], [sflag:$0x2] =	stream.indirect.gather [hbm4b:s4+s18], $0x80, s28, s18, $0xb8;
	[tilespmem:$0x1F040] =	vst v63  }
0x57: {  	_ =	swait.ge [sflag:s20], $0x2800  }
0x58: {  	[sflag:s20] =	ssyncset.done $0x0  }
0x59: {  	s29 =	simm.s32 $0x12040;
	[sflag:s20] =	ssyncadd.s32 $0xFFFFD800  }
0x5a: {  	[spmem:s2] =	stream.indirect.scatter.add.f32 [tilespmem:s14], [sflag:$0x3], $0x80, s29, s18, $0xb8;
	[tilespmem:$0x1F040] =	vst v63  }
0x5b: {  	_ =	swait.ge [sflag:s15], $0x2800  }
0x5c: {  	[sflag:s15] =	ssyncset.done $0x0  }
0x5d: {  	s30 =	simm.s32 $0xA140;
	[sflag:s15] =	ssyncadd.s32 $0xFFFFD800  }
0x5e: {  	[tilespmem:s14], [sflag:$0x1] =	stream.indirect.gather [hbm4b:s4+s18], $0x80, s30, s18, $0xb8;
	[tilespmem:$0x1F040] =	vst v63  }
0x5f: {  	_ =	swait.ge [sflag:s21], $0x2800  }
0x60: {  	[sflag:s21] =	ssyncset.done $0x0  }
0x61: {  	s31 =	simm.s32 $0x120C0;
	[sflag:s21] =	ssyncadd.s32 $0xFFFFD800  }
0x62: {  	[spmem:s2] =	stream.indirect.scatter.add.f32 [tilespmem:s19], [sflag:$0x3], $0x80, s31, s18, $0xb8;
	[tilespmem:$0x1F040] =	vst v63  }
0x63: {  	_ =	swait.ge [sflag:s15], $0x2800  }
0x64: {  	s26 =	simm.s32 $0x800;
	s25 =	simm.s32 $0x100;
	[sflag:s15] =	ssyncset.done $0x0  }
.LBB2_6:
0x65: {  	s28 =	sadd.s32 $0xA0C0, s25  }
0x66: {  	[sflag:s15] =	ssyncadd.s32 $0xFFFFD800;
	s29 =	smov.u32 s26;
	s30 =	sadd.s32 $0x400, s26  }
0x67: {  	[tilespmem:s19], [sflag:$0x2] =	stream.indirect.gather [hbm4b:s4+s18], $0x80, s28, s18, $0xb8;
	[tilespmem:$0x1F040] =	vst v63  }
0x68: {  	p1 =	sne.s32 s26, $0x1EC00;
	_ =	swait.ge [sflag:s20], $0x2800  }
0x69: {  	[sflag:s20] =	ssyncset.done $0x0  }
0x6a: {  	s26 =	sadd.s32 $0x12040, s25;
	[sflag:s20] =	ssyncadd.s32 $0xFFFFD800  }
0x6b: {  	[spmem:s2] =	stream.indirect.scatter.add.f32 [tilespmem:s14], [sflag:$0x3], $0x80, s26, s18, $0xb8;
	[tilespmem:$0x1F040] =	vst v63  }
0x6c: {  	_ =	swait.ge [sflag:s15], $0x2800  }
0x6d: {  	[sflag:s15] =	ssyncset.done $0x0  }
0x6e: {  	s26 =	sadd.s32 $0xA140, s25;
	[sflag:s15] =	ssyncadd.s32 $0xFFFFD800  }
0x6f: {  	[tilespmem:s14], [sflag:$0x1] =	stream.indirect.gather [hbm4b:s4+s18], $0x80, s26, s18, $0xb8;
	[tilespmem:$0x1F040] =	vst v63  }
0x70: {  	_ =	swait.ge [sflag:s21], $0x2800  }
.Ltmp2:
0x71: {  	[sflag:s21] =	ssyncset.done $0x0;
	(pc) =	sbr.rel @p1 .LBB2_6-.Ltmp2, $4  }
0x72: {  	s25 =	sadd.s32 $0x120C0, s25;
	[sflag:s21] =	ssyncadd.s32 $0xFFFFD800  }
0x73: {  	[spmem:s2] =	stream.indirect.scatter.add.f32 [tilespmem:s19], [sflag:$0x3], $0x80, s25, s18, $0xb8;
	[tilespmem:$0x1F040] =	vst v63  }
0x74: {  	_ =	swait.ge [sflag:s15], $0x2800  }
0x75: {  	s26 =	smov.u32 s30;
	s25 =	sshra.s32 s29, $0x2;
	[sflag:s15] =	ssyncset.done $0x0  }
0x76: {  	s26 =	sadd.s32 $0xA0C0, s25;
	[sflag:s15] =	ssyncadd.s32 $0xFFFFD800  }
0x77: {  	[tilespmem:s19], [sflag:$0x2] =	stream.indirect.gather [hbm4b:s4+s18], $0x80, s26, s18, $0xb8;
	[tilespmem:$0x1F040] =	vst v63  }
0x78: {  	_ =	swait.ge [sflag:s20], $0x2800  }
0x79: {  	[sflag:s20] =	ssyncset.done $0x0  }
0x7a: {  	s31 =	sadd.s32 $0x12040, s25;
	[sflag:s20] =	ssyncadd.s32 $0xFFFFD800  }
0x7b: {  	[spmem:s2] =	stream.indirect.scatter.add.f32 [tilespmem:s14], [sflag:$0x3], $0x80, s31, s18, $0xb8;
	[tilespmem:$0x1F040] =	vst v63  }
0x7c: {  	_ =	swait.ge [sflag:s15], $0x2800  }
0x7d: {  	[sflag:s15] =	ssyncset.done $0x0  }
0x7e: {  	s28 =	sadd.s32 $0xA140, s25;
	[sflag:s15] =	ssyncadd.s32 $0xFFFFD800  }
0x7f: {  	[tilespmem:s14], [sflag:$0x1] =	stream.indirect.gather [hbm4b:s4+s18], $0x80, s28, s18, $0xb8;
	[tilespmem:$0x1F040] =	vst v63  }
0x80: {  	_ =	swait.ge [sflag:s21], $0x2800  }
0x81: {  	[sflag:s21] =	ssyncset.done $0x0  }
0x82: {  	s29 =	sadd.s32 $0x120C0, s25;
	[sflag:s21] =	ssyncadd.s32 $0xFFFFD800  }
0x83: {  	[spmem:s2] =	stream.indirect.scatter.add.f32 [tilespmem:s19], [sflag:$0x3], $0x80, s29, s18, $0xb8;
	[tilespmem:$0x1F040] =	vst v63  }
0x84: {  	_ =	swait.ge [sflag:s15], $0x2800  }
0x85: {  	[sflag:s15] =	ssyncset.done $0x0  }
0x86: {  	[sflag:s15] =	ssyncadd.s32 $0xFFFFD800  }
0x87: {  	[tilespmem:s19], [sflag:$0x2] =	stream.indirect.gather [hbm4b:s4+s18], $0x80, s22, s18, $0xb8;
	[tilespmem:$0x1F040] =	vst v63  }
0x88: {  	_ =	swait.ge [sflag:s20], $0x2800  }
0x89: {  	[sflag:s20] =	ssyncset.done $0x0  }
0x8a: {  	[sflag:s20] =	ssyncadd.s32 $0xFFFFD800  }
0x8b: {  	[spmem:s2] =	stream.indirect.scatter.add.f32 [tilespmem:s14], [sflag:$0x3], $0x80, s23, s18, $0xb8;
	[tilespmem:$0x1F040] =	vst v63  }
0x8c: {  	_ =	swait.ge [sflag:s15], $0x2800  }
0x8d: {  	[sflag:s15] =	ssyncset.done $0x0  }
0x8e: {  	[sflag:s15] =	ssyncadd.s32 $0xFFFFD800  }
0x8f: {  	_ =	swait.ge [sflag:s21], $0x2800  }
0x90: {  	[sflag:s21] =	ssyncset.done $0x0  }
0x91: {  	[sflag:s21] =	ssyncadd.s32 $0xFFFFD800  }
0x92: {  	[spmem:s2] =	stream.indirect.scatter.add.f32 [tilespmem:s19], [sflag:$0x3], $0x80, s24, s18, $0xb8;
	[tilespmem:$0x1F040] =	vst v63  }
0x93: {  	_ =	swait.ge [sflag:s15], $0x2800  }
0x94: {  	s30 =	sshll.u32 s1, $0x6;
	s3 =	sadd.s32 $0x1, s3;
	[sflag:s15] =	ssyncset.done $0x0  }
0x95: {  	s25 =	sor.u32 $0x1C03, s30;
	p1 =	sne.s32 s3, s13;
	[sflag:s15] =	ssyncadd.s32 $0xFFFFD800  }
.Ltmp3:
0x96: {  	s31 =	sshrl.u32 s5, $0x3;
	[bflag:$0x0] =	sbarrier.arrive $0xFFFF;
	(pc) =	sbr.rel @p1 .LBB2_1-.Ltmp3, $4  }
0x97: {  	[hbm:s12], [sflag:s25] =	dma.local [spmem:s31], $0x1400  }
0x98: {  	_ =	swait.ge [sflag:s15], $0x1400  }
0x99: {  	[sflag:s15] =	ssyncset.done $0x0  }
0x9a: {  	[sflag:s15] =	ssyncadd.s32 $0xFFFFEC00  }
0x9b: {  	_ =	sfence.sel $0x180000  }
0x9c: {  	[bflag:$0x0] =	sbarrier.arrive $0xFFFF  }
0x9d: {  	p0 =	sne.s32 s1, $0x0;
	_ =	strace $0x9000004A  }
0x9e: {  	s0 =	sadd.s32 @!p0 $0x100000, s0;
	[bflag:$0x2] =	sbarrier.arrive $0xFFFF  }
0x9f: {  	[sflag:s0] =	ssyncadd.tile.s32 @!p0 $0x1;
	_ =	shalt  }
.Lfunc_end2:
_tile_overlayer_lowered:
.L_overlay_start_2:
0xa0: {  	(tag) =	ssettag $0x2  }
0xa1: {  	s0 =	rddreg [dreg:$0x0];
	s2 =	stileid.u32  }
0xa2: {  	s1 =	rddreg [dreg:$0x1];
	p0 =	sne.s32 s2, $0x0  }
0xa3: {  	s3 =	rddreg [dreg:$0x2];
	[bflag:$0x3] =	sbarrier.arrive $0xFFFF;
	s2 =	simm.s32 @!p0 $0x1C03  }
0xa4: {  	[timem:s3], [sflag:s2] =	dma.local @!p0 [hbm:s0], s1  }
0xa5: {  	s0 =	simm.s32 @!p0 $0x3  }
0xa6: {  	_ =	swait.ge @!p0 [sflag:s0], s1  }
0xa7: {  	s1 =	ssub.s32 @!p0 $0x0, s1;
	[sflag:s0] =	ssyncset.done @!p0 $0x0  }
0xa8: {  	[sflag:s0] =	ssyncadd.s32 @!p0 s1  }
0xa9: {  	[bflag:$0x3] =	sbarrier.arrive $0xFFFF  }
0xaa: {  	_ =	shalt  }

// kernel: kernel.16.cloned.1.call-start
scs
__scs_entry_jumppad:
0x0: {  	(pc) =	sbr.rel $0x88, $3  }
0x1: {  	(tag) =	ssettag $0x0;
	lr =	simm.s32 $0x1  }
0x2: {  	[smem:$0x3F92] =	sst lr;
	_ =	strace $0xD0000000  }
0x3: {  	_ = 	snop  }
0x4: {  	_ = 	snop  }
0x5: {  	_ = 	snop  }
0x6: {  	_ = 	snop  }
0x7: {  	_ = 	snop  }
__scs_overlays_trampoline_lowered:
0x8: {  	[smem:$0x3FA1] =	sst s0  }
0x9: {  	[smem:$0x3FA2] =	sst s1  }
0xa: {  	[smem:$0x3FA3] =	sst s2  }
0xb: {  	[smem:$0x3FA4] =	sst s3  }
0xc: {  	[smem:$0x3FA5] =	sst s4  }
0xd: {  	[smem:$0x3FA6] =	sst s5  }
0xe: {  	[smem:$0x3FA7] =	sst s6  }
0xf: {  	[smem:$0x3FA8] =	sst s7  }
0x10: {  	[smem:$0x3FA9] =	sst s8  }
0x11: {  	[smem:$0x3FAA] =	sst s9;
	s0 =	simm.s32 @!p0 $0x0  }
0x12: {  	s1 =	sld [smem:$0x3F90];
	s0 =	simm.s32 @p0 $0x1  }
0x13: {  	[smem:$0x3FAB] =	sst s0;
	s0 =	simm.s32 @!p1 $0x0  }
0x14: {  	s2 =	sld [smem:$0x3F8F];
	s0 =	simm.s32 @p1 $0x1  }
0x15: {  	[smem:$0x3FAC] =	sst s0;
	s0 =	simm.s32 @!p2 $0x0  }
0x16: {  	s3 =	sld [smem:$0x3FDB];
	s0 =	simm.s32 @p2 $0x1  }
0x17: {  	s4 =	simm.s32 $0x1BF5;
	[smem:$0x3FAE] =	sst s0  }
0x18: {  	s0 =	sld [smem:$0x3F91];
	_ =	swait.ge [sflag:s4], $0x0  }
0x19: {  	s7 =	sld [smem:$0x3F92]  }
0x1a: {  	s8 =	sadd.s32 $0xFFFFE003, lr  }
0x1b: {  	s9 =	sadd.s32 $0xFFFFFEF7, lr;
	s5 =	simm.s32 $0xFFFFFFFF;
	p2 =	slt.u32 s8, $0xFFFFF086  }
0x1c: {  	p1 =	slt.u32 s9, $0xF7A;
	s5 =	simm.s32 @!p2 $0x0  }
0x1d: {  	s5 =	simm.s32 @p1 $0x1;
	p0 =	seq.s32 s7, s2  }
0x1e: {  	s7 =	smul.u32 @!p0 $0xF7A, s2;
	p2 =	seq.s32 @!p0 s5, $0x0  }
0x1f: {  	s9 =	smul.u32 $0xF7A, s1;
	s8 =	simm.s32 @!p0 $0x1BF5;
	p2 =	por !p2, p0  }
0x20: {  	[sflag:s8] =	ssyncset.s32 @!p0 $0xFFFFF086;
	s6 =	sadd.s32 @!p0 s3, s7;
	s7 =	simm.s32 @!p0 $0x108  }
0x21: {  	s3 =	sadd.s32 s3, s9;
	s6 =	sadd.s32 @!p0 $0x88, s6;
	s7 =	simm.s32 @p2 $0x1082  }
0x22: {  	[simem:s7], [sflag:s8] =	dma.local @!p0 [hbm:s6], $0xF7A  }
0x23: {  	s9 =	sor.u32 $0xD0000000, s2;
	s6 =	simm.s32 $0x108;
	_ =	swait.ge @!p0 [sflag:s8], $0x0  }
0x24: {  	s3 =	sadd.s32 $0x88, s3;
	s6 =	simm.s32 @!p1 $0x1082;
	[sflag:s4] =	ssyncset.s32 $0xFFFFF086  }
0x25: {  	[simem:s6], [sflag:s4] =	dma.local [hbm:s3], $0xF7A  }
0x26: {  	[smem:$0x3F92] =	sst s1;
	(tag) =	ssettag s2;
	_ =	strace s9  }
0x27: {  	s1 =	sld [smem:$0x3FA2]  }
0x28: {  	s2 =	sld [smem:$0x3FA3]  }
0x29: {  	s4 =	sld [smem:$0x3FA5]  }
0x2a: {  	p0 =	seq.s32 s5, $0x0;
	s5 =	sld [smem:$0x3FA6]  }
0x2b: {  	s6 =	sld [smem:$0x3FA7]  }
0x2c: {  	s7 =	sld [smem:$0x3FA8]  }
0x2d: {  	s3 =	simm.s32 $0x108;
	s8 =	sld [smem:$0x3FA9]  }
0x2e: {  	s3 =	simm.s32 @!p0 $0x1082;
	s9 =	sld [smem:$0x3FAA]  }
0x2f: {  	lr =	sadd.s32 s0, s3;
	s0 =	sld [smem:$0x3FA1]  }
0x30: {  	s3 =	sld [smem:$0x3FA4]  }
0x31: {  	[smem:$0x3FAD] =	sst s10  }
0x32: {  	s10 =	sld [smem:$0x3FAB];
	_ =	sdelay $0x3  }
0x33: {  	p0 =	seq.s32 s10, $0x1;
	s10 =	sld [smem:$0x3FAD];
	_ =	sdelay $0x3  }
0x34: {  	[smem:$0x3FAD] =	sst s10  }
0x35: {  	s10 =	sld [smem:$0x3FAC];
	_ =	sdelay $0x3  }
0x36: {  	p1 =	seq.s32 s10, $0x1;
	s10 =	sld [smem:$0x3FAD];
	_ =	sdelay $0x3  }
0x37: {  	[smem:$0x3FAD] =	sst s10  }
0x38: {  	s10 =	sld [smem:$0x3FAE]  }
0x39: {  	_ = 	snop;
	(pc) =	sbr.ind lr, $3  }
0x3a: {  	_ = 	snop  }
0x3b: {  	_ = 	snop  }
0x3c: {  	p2 =	seq.s32 s10, $0x1;
	s10 =	sld [smem:$0x3FAD]  }
0x3d: {  	_ =	shalt  }
0x3e: {  	_ =	shalt  }
0x3f: {  	_ =	shalt  }
0x40: {  	_ =	shalt  }
0x41: {  	_ =	shalt  }
0x42: {  	_ =	shalt  }
0x43: {  	_ =	shalt  }
0x44: {  	_ =	shalt  }
0x45: {  	_ =	shalt  }
0x46: {  	_ =	shalt  }
0x47: {  	_ =	shalt  }
0x48: {  	_ =	shalt  }
0x49: {  	_ =	shalt  }
0x4a: {  	_ =	shalt  }
0x4b: {  	_ =	shalt  }
0x4c: {  	_ =	shalt  }
0x4d: {  	_ =	shalt  }
0x4e: {  	_ =	shalt  }
0x4f: {  	_ =	shalt  }
0x50: {  	_ =	shalt  }
0x51: {  	_ =	shalt  }
0x52: {  	_ =	shalt  }
0x53: {  	_ =	shalt  }
0x54: {  	_ =	shalt  }
0x55: {  	_ =	shalt  }
0x56: {  	_ =	shalt  }
0x57: {  	_ =	shalt  }
0x58: {  	_ =	shalt  }
0x59: {  	_ =	shalt  }
0x5a: {  	_ =	shalt  }
0x5b: {  	_ =	shalt  }
0x5c: {  	_ =	shalt  }
0x5d: {  	_ =	shalt  }
0x5e: {  	_ =	shalt  }
0x5f: {  	_ =	shalt  }
0x60: {  	_ =	shalt  }
0x61: {  	_ =	shalt  }
0x62: {  	_ =	shalt  }
0x63: {  	_ =	shalt  }
0x64: {  	_ =	shalt  }
0x65: {  	_ =	shalt  }
0x66: {  	_ =	shalt  }
0x67: {  	_ =	shalt  }
0x68: {  	_ =	shalt  }
0x69: {  	_ =	shalt  }
0x6a: {  	_ =	shalt  }
0x6b: {  	_ =	shalt  }
0x6c: {  	_ =	shalt  }
0x6d: {  	_ =	shalt  }
0x6e: {  	_ =	shalt  }
0x6f: {  	_ =	shalt  }
0x70: {  	_ =	shalt  }
0x71: {  	_ =	shalt  }
0x72: {  	_ =	shalt  }
0x73: {  	_ =	shalt  }
0x74: {  	_ =	shalt  }
0x75: {  	_ =	shalt  }
0x76: {  	_ =	shalt  }
0x77: {  	_ =	shalt  }
0x78: {  	_ =	shalt  }
0x79: {  	_ =	shalt  }
0x7a: {  	_ =	shalt  }
0x7b: {  	_ =	shalt  }
0x7c: {  	_ =	shalt  }
0x7d: {  	_ =	shalt  }
0x7e: {  	_ =	shalt  }
0x7f: {  	_ =	shalt  }
0x80: {  	_ =	shalt  }
0x81: {  	_ =	shalt  }
0x82: {  	_ =	shalt  }
0x83: {  	_ =	shalt  }
0x84: {  	_ =	shalt  }
0x85: {  	_ =	shalt  }
0x86: {  	_ =	shalt  }
0x87: {  	_ =	shalt  }
.Lfunc_end0:
.L_simem_size_0:
called_computation.2_lowered:
.L_overlay_start_0:
0x88: {  	s2 =	sld [smem:$0x3FD9]  }
0x89: {  	s3 =	sld [smem:$0x3FFE];
	_ =	sdelay $0x1  }
0x8a: {  	s1 =	srdreg.scid  }
0x8b: {  	s0 =	sand.u32 $0x1, s1  }
0x8c: {  	s16 =	sshll.u32 s0, $0xA;
	s2 =	sadd.s32 s3, s2  }
0x8d: {  	s2 =	sadd.s32 s2, s16  }
0x8e: {  	[smem:$0x3FB9] =	sst s2  }
0x8f: {  	_ = 	snop  }
0x90: {  	(tm) =	ssettm $0x1  }
0x91: {  	s17 =	sld [smem:$0x3FFB];
	_ =	sdelay $0x3  }
0x92: {  	_ =	strace s17  }
0x93: {  	s2 =	sld [smem:$0x3FFC];
	_ =	sdelay $0x3  }
0x94: {  	_ =	strace s2  }
0x95: {  	s2 =	sld [smem:$0x3FFD];
	_ =	sdelay $0x3  }
0x96: {  	_ =	strace s2  }
0x97: {  	_ =	strace $0x8FFFFFFF  }
0x98: {  	s18 =	sld [smem:$0x3FDB];
	_ =	sdelay $0x1  }
0x99: {  	s19 =	simm.s32 $_scs_section_size  }
0x9a: {  	s4 =	simm.s32 $_size__tile_overlayer_lowered;
	s5 =	simm.s32 $_tile_overlayer_lowered  }
0x9b: {  	s22 =	simm.s32 $0x1BFF;
	s21 =	sshll.u32 s5, $0x1;
	s2 =	sadd.s32 s19, s18  }
0x9c: {  	s6 =	simm.s32 $0x0;
	s20 =	sshll.u32 s4, $0x1;
	s4 =	sadd.s32 s21, s2  }
0x9d: {  	[timem:s6], [sflag:s22] =	dma.local [hbm:s4], s20  }
0x9e: {  	_ =	swait.ge [sflag:s22], s20  }
0x9f: {  	s3 =	ssub.s32 $0x0, s20;
	[sflag:s22] =	ssyncset.done $0x0  }
0xa0: {  	[sflag:s22] =	ssyncadd.s32 s3;
	_ =	sdelay $0x1  }
0xa1: {  	s23 =	simm.s32 $0x1B8B  }
0xa2: {  	_ =	swait.ge [sflag:s23], $0x1  }
0xa3: {  	[sflag:s23] =	ssyncset.done $0x0  }
0xa4: {  	s25 =	simm.s32 $0x1B8E;
	s24 =	sld [smem:$0x3FFE];
	[sflag:s23] =	ssyncadd.s32 $0xFFFFFFFF  }
0xa5: {  	s26 =	simm.s32 $execute0_lowered;
	[smem:$0x3FD2] =	sst s25  }
0xa6: {  	s4 =	sshll.u32 s26, $0x1;
	_ =	strace $0x8000004C;
	[dreg:$0x1] =	wrdreg $0xFFFFFFFF  }
0xa7: {  	s28 =	simm.s32 $_size_execute0_lowered;
	s2 =	sadd.s32 s2, s4;
	[dreg:$0x0] =	wrdreg $0x0  }
0xa8: {  	s4 =	sshll.u32 s28, $0x1;
	[dreg:$0x2] =	wrdreg s2  }
0xa9: {  	[dreg:$0x3] =	wrdreg s4  }
0xaa: {  	[dreg:$0x4] =	wrdreg $0xC0  }
0xab: {  	_ =	task [dreg:s6], $0x5FFFF  }
0xac: {  	[dreg:$0x1] =	wrdreg $0xFFFFFFFF  }
0xad: {  	[dreg:$0x0] =	wrdreg $0x60  }
0xae: {  	[dreg:$0x2] =	wrdreg s24  }
0xaf: {  	[dreg:$0x3] =	wrdreg $0x0  }
0xb0: {  	[dreg:$0x4] =	wrdreg $0x9  }
0xb1: {  	_ =	task.clear_ibuf [dreg:s6], $0x5FFFF;
	_ =	strace $0x9000004C  }
0xb2: {  	s29 =	simm.s32 $0x9;
	_ =	strace $0x8000004E  }
0xb3: {  	_ =	swait.ge [sflag:s29], $0x1  }
0xb4: {  	[sflag:s29] =	ssyncadd.s32 $0xFFFFFFFF  }
0xb5: {  	_ =	strace $0x9000004E  }
0xb6: {  	_ =	sfence  }
0xb7: {  	s30 =	sld [smem:$0x0];
	_ =	sdelay $0x2  }
0xb8: {  	s31 =	sshll.u32 s1, $0xD;
	s1 =	sshrl.u32 s1, $0x2  }
0xb9: {  	s3 =	sand.u32 $0x4000, s31;
	s1 =	sadd.s32 s1, s30  }
0xba: {  	s0 =	sor.u32 s3, s0;
	s1 =	sshll.u32 s1, $0x11  }
0xbb: {  	s0 =	sor.u32 s1, s0  }
0xbc: {  	s0 =	sadd.s32 $0x8F2B, s0  }
0xbd: {  	[sflag:s0] =	ssyncadd.remote.s32 $0x1  }
0xbe: {  	_ =	sfence.sel $0xFFFF  }
0xbf: {  	[dreg:$0x0] =	wrdreg $0xFFFFFFFF;
	(pc) =	sbr.abs _section_cstart, $3  }
0xc0: {  	[dreg:$0x1] =	wrdreg $0xFFFFFFFF  }
0xc1: {  	_ =	task.clear_ibuf [dreg:s6], $0x2FFFF;
	_ =	strace $0x9FFFFFFF  }
0xc2: {  	(tm) =	ssettm $0x7FFFFFFF  }
0xc3: {  	_ =	shalt  }
tec
execute0_lowered:
.L_overlay_start_1:
0x0: {  	(tag) =	ssettag $0x1  }
0x1: {  	s5 =	rddreg [dreg:$0x0]  }
0x2: {  	s2 =	rddreg [dreg:$0x1]  }
0x3: {  	s0 =	rddreg [dreg:$0x2];
	s1 =	stileid.u32  }
0x4: {  	s4 =	srdreg.scid;
	s3 =	simm.s32 $0x0;
	s14 =	simm.s32 $0x1A040  }
0x5: {  	s15 =	simm.s32 $0x3;
	s16 =	simm.s32 $0xA040;
	s17 =	simm.s32 $0x12040  }
0x6: {  	s18 =	simm.s32 $0x50;
	s19 =	simm.s32 $0x1C840;
	s20 =	simm.s32 $0x1  }
0x7: {  	s21 =	simm.s32 $0x2;
	s23 =	simm.s32 $0x19C40;
	s24 =	simm.s32 $0x19CC0  }
0x8: {  	s6 =	sand.u32 $0x1, s4;
	s7 =	smul.u32 $0x140, s1;
	[smem:$0x7FF] =	sst s3  }
0x9: {  	s8 =	sshll.u32 s1, $0xC;
	s9 =	smul.u32 $0x28000, s1;
	s4 =	sadd.s32 $0x14400, s5  }
0xa: {  	p0 =	sne.s32 s1, $0xF;
	s22 =	smul.u32 $0x1400, s6;
	_ =	strace $0x8000004D  }
0xb: {  	s11 =	sadd.s32 s8, s5;
	s6 =	ssub.s32 $0x2, s6;
	s30 =	sshrl.u32 s9, $0x2  }
0xc: {  	s31 =	sshrl.u32 s6, $0x1;
	s9 =	sadd.s32 $0xA0000, s2;
	s7 =	sadd.s32 s7, s22  }
0xd: {  	s10 =	sadd.s32 $0x3C400, s11;
	s11 =	sadd.s32 $0x4400, s11;
	s7 =	sshll.u32 s7, $0x4  }
0xe: {  	s13 =	ssub.s32 s6, s31;
	s12 =	sadd.s32 s7, s5;
	s5 =	sadd.s32 s30, s2  }
0xf: {  	v0 =	vmov s22;
	s22 =	simm.s32 $0x11CC0;
	s13 =	smax.u32 s13, $0x1;
	s6 =	sadd.s32 $0x2800, s5  }
0x10: {  	v1 =	vimm.f32 $0.0e+00;
	s7 =	sadd.s32 $0x5000, s5;
	s8 =	sadd.s32 $0x7800, s5;
	s12 =	sadd.s32 $0x4C400, s12  }
.LBB2_1:
0x11: {  	s25 =	simm.s32 $0x0;
	s26 =	simm.s32 $0x200  }
.LBB2_2:
0x12: {  	p1 =	sne.s32 s26, $0x9E00;
	[tilespmem:s25+$0x1A0B0] =	vst v1  }
0x13: {  	[tilespmem:s25+$0x1A040] =	vst v1  }
0x14: {  	[tilespmem:s25+$0x1A050] =	vst v1  }
.Ltmp0:
0x15: {  	[tilespmem:s25+$0x1A060] =	vst v1;
	(pc) =	sbr.rel @p1 .LBB2_2-.Ltmp0, $4  }
0x16: {  	[tilespmem:s25+$0x1A070] =	vst v1  }
0x17: {  	[tilespmem:s25+$0x1A080] =	vst v1  }
0x18: {  	[tilespmem:s25+$0x1A090] =	vst v1  }
0x19: {  	[tilespmem:s25+$0x1A0A0] =	vst v1;
	s25 =	sshra.s32 s26, $0x2;
	s26 =	sadd.s32 $0x200, s26  }
0x1a: {  	[tilespmem:s25+$0x1A0B0] =	vst v1  }
0x1b: {  	[tilespmem:s25+$0x1A040] =	vst v1  }
0x1c: {  	[tilespmem:s25+$0x1A050] =	vst v1  }
0x1d: {  	[tilespmem:s25+$0x1A060] =	vst v1  }
0x1e: {  	[tilespmem:s25+$0x1A070] =	vst v1  }
0x1f: {  	[tilespmem:s25+$0x1A080] =	vst v1  }
0x20: {  	[tilespmem:s25+$0x1A090] =	vst v1  }
0x21: {  	[tilespmem:s25+$0x1A0A0] =	vst v1  }
0x22: {  	[spmem:s5] =	stream.linear.scatter [tilespmem:s14], [sflag:$0x3], $0x2800, $0x38;
	[tilespmem:$0x1F040] =	vst v63  }
0x23: {  	_ =	swait.ge [sflag:s15], $0x2800  }
0x24: {  	[sflag:s15] =	ssyncset.done $0x0  }
0x25: {  	[sflag:s15] =	ssyncadd.s32 $0xFFFFD800  }
0x26: {  	[spmem:s6] =	stream.linear.scatter [tilespmem:s14], [sflag:$0x3], $0x2800, $0x38;
	[tilespmem:$0x1F040] =	vst v63  }
0x27: {  	_ =	swait.ge [sflag:s15], $0x2800  }
0x28: {  	[sflag:s15] =	ssyncset.done $0x0  }
0x29: {  	[sflag:s15] =	ssyncadd.s32 $0xFFFFD800  }
0x2a: {  	[spmem:s7] =	stream.linear.scatter [tilespmem:s14], [sflag:$0x3], $0x2800, $0x38;
	[tilespmem:$0x1F040] =	vst v63  }
0x2b: {  	_ =	swait.ge [sflag:s15], $0x2800  }
0x2c: {  	[sflag:s15] =	ssyncset.done $0x0  }
0x2d: {  	[sflag:s15] =	ssyncadd.s32 $0xFFFFD800  }
0x2e: {  	[spmem:s8] =	stream.linear.scatter [tilespmem:s14], [sflag:$0x3], $0x2800, $0x38;
	[tilespmem:$0x1F040] =	vst v63  }
0x2f: {  	_ =	swait.ge [sflag:s15], $0x2800  }
0x30: {  	[sflag:s15] =	ssyncset.done $0x0  }
0x31: {  	s25 =	simm.s32 @!p0 $0x1A040;
	[sflag:s15] =	ssyncadd.s32 $0xFFFFD800  }
0x32: {  	[spmem:s9] =	stream.linear.scatter @!p0 [tilespmem:s25], [sflag:$0x3], $0x400, $0x38;
	[tilespmem:$0x1F040] =	vst v63  }
0x33: {  	s25 =	simm.s32 @!p0 $0x3  }
0x34: {  	_ =	swait.ge @!p0 [sflag:s25], $0x400  }
0x35: {  	[sflag:s25] =	ssyncset.done @!p0 $0x0  }
0x36: {  	s31 =	simm.s32 $0x0;
	[sflag:s25] =	ssyncadd.s32 @!p0 $0xFFFFFC00  }
0x37: {  	[tilespmem:s16], [sflag:$0x3] =	stream.linear.gather [hbm4b:s10+s31], $0x7D00, $0x38;
	[tilespmem:$0x1F040] =	vst v63  }
0x38: {  	_ =	swait.ge [sflag:s15], $0x7D00  }
0x39: {  	[sflag:s15] =	ssyncset.done $0x0  }
0x3a: {  	[sflag:s15] =	ssyncadd.s32 $0xFFFF8300  }
0x3b: {  	[tilespmem:s17], [sflag:$0x3] =	stream.linear.gather [hbm4b:s11+s31], $0x7D00, $0x38;
	[tilespmem:$0x1F040] =	vst v63  }
0x3c: {  	_ =	swait.ge [sflag:s15], $0x7D00  }
0x3d: {  	[sflag:s15] =	ssyncset.done $0x0  }
0x3e: {  	s25 =	simm.s32 $0x0;
	[sflag:s15] =	ssyncadd.s32 $0xFFFF8300  }
0x3f: {  	v4 =	vld [tilespmem:s25+$0x12040]  }
0x40: {  	v5 =	vld [tilespmem:s25+$0x12050]  }
0x41: {  	v3 =	vld [tilespmem:s25+$0x12060]  }
0x42: {  	s26 =	simm.s32 $0x200;
	v2 =	vld [tilespmem:s25+$0x12070]  }
.LBB2_4:
0x43: {  	p1 =	sne.s32 s26, $0x1F200;
	v6 =	vld [tilespmem:s25+$0x12080]  }
0x44: {  	v4 =	vsub.s32 v4, v0  }
0x45: {  	v4 =	vmin.u32 v4, $0x1400;
	v5 =	vsub.s32 v5, v0  }
.Ltmp1:
0x46: {  	s28 =	sshra.s32 s26, $0x2;
	[tilespmem:s25+$0x12040] =	vst v4;
	v5 =	vmin.u32 v5, $0x1400;
	v3 =	vsub.s32 v3, v0;
	(pc) =	sbr.rel @p1 .LBB2_4-.Ltmp1, $4  }
0x47: {  	v4 =	vld [tilespmem:s28+$0x12040];
	[tilespmem:s25+$0x12050] =	vst v5;
	v3 =	vmin.u32 v3, $0x1400;
	v2 =	vsub.s32 v2, v0  }
0x48: {  	v5 =	vld [tilespmem:s28+$0x12050];
	[tilespmem:s25+$0x12060] =	vst v3;
	v2 =	vmin.u32 v2, $0x1400;
	v6 =	vsub.s32 v6, v0  }
0x49: {  	v3 =	vld [tilespmem:s28+$0x12060];
	[tilespmem:s25+$0x12070] =	vst v2;
	v6 =	vmin.u32 v6, $0x1400  }
0x4a: {  	s26 =	sadd.s32 $0x200, s26;
	v2 =	vld [tilespmem:s28+$0x12070];
	[tilespmem:s25+$0x12080] =	vst v6;
	s25 =	smov.u32 s28  }
0x4b: {  	v6 =	vld [tilespmem:s25+$0x12080]  }
0x4c: {  	v4 =	vsub.s32 v4, v0  }
0x4d: {  	v4 =	vmin.u32 v4, $0x1400;
	v5 =	vsub.s32 v5, v0  }
0x4e: {  	[tilespmem:s25+$0x12040] =	vst v4;
	v63 =	vmin.u32 v5, $0x1400;
	v3 =	vsub.s32 v3, v0  }
0x4f: {  	[tilespmem:s25+$0x12050] =	vst v63;
	v3 =	vmin.u32 v3, $0x1400;
	v2 =	vsub.s32 v2, v0  }
0x50: {  	[tilespmem:s25+$0x12060] =	vst v3;
	v2 =	vmin.u32 v2, $0x1400;
	v3 =	vsub.s32 v6, v0  }
0x51: {  	[tilespmem:s25+$0x12070] =	vst v2;
	v2 =	vmin.u32 v3, $0x1400  }
0x52: {  	[tilespmem:s25+$0x12080] =	vst v2  }
0x53: {  	[bflag:$0x0] =	sbarrier.arrive $0xFFFF  }
0x54: {  	[tilespmem:s14], [sflag:$0x1] =	stream.indirect.gather [hbm4b:s4+s18], $0x80, s16, s18, $0xb8;
	[tilespmem:$0x1F040] =	vst v63  }
0x55: {  	s28 =	simm.s32 $0xA0C0  }
0x56: {  	[tilespmem:s19], [sflag:$0x2] =	stream.indirect.gather [hbm4b:s4+s18], $0x80, s28, s18, $0xb8;
	[tilespmem:$0x1F040] =	vst v63  }
0x57: {  	_ =	swait.ge [sflag:s20], $0x2800  }
0x58: {  	[sflag:s20] =	ssyncset.done $0x0  }
0x59: {  	s29 =	simm.s32 $0x12040;
	[sflag:s20] =	ssyncadd.s32 $0xFFFFD800  }
0x5a: {  	[spmem:s2] =	stream.indirect.scatter.add.f32 [tilespmem:s14], [sflag:$0x3], $0x80, s29, s18, $0xb8;
	[tilespmem:$0x1F040] =	vst v63  }
0x5b: {  	_ =	swait.ge [sflag:s15], $0x2800  }
0x5c: {  	[sflag:s15] =	ssyncset.done $0x0  }
0x5d: {  	s30 =	simm.s32 $0xA140;
	[sflag:s15] =	ssyncadd.s32 $0xFFFFD800  }
0x5e: {  	[tilespmem:s14], [sflag:$0x1] =	stream.indirect.gather [hbm4b:s4+s18], $0x80, s30, s18, $0xb8;
	[tilespmem:$0x1F040] =	vst v63  }
0x5f: {  	_ =	swait.ge [sflag:s21], $0x2800  }
0x60: {  	[sflag:s21] =	ssyncset.done $0x0  }
0x61: {  	s31 =	simm.s32 $0x120C0;
	[sflag:s21] =	ssyncadd.s32 $0xFFFFD800  }
0x62: {  	[spmem:s2] =	stream.indirect.scatter.add.f32 [tilespmem:s19], [sflag:$0x3], $0x80, s31, s18, $0xb8;
	[tilespmem:$0x1F040] =	vst v63  }
0x63: {  	_ =	swait.ge [sflag:s15], $0x2800  }
0x64: {  	s26 =	simm.s32 $0x800;
	s25 =	simm.s32 $0x100;
	[sflag:s15] =	ssyncset.done $0x0  }
.LBB2_6:
0x65: {  	s28 =	sadd.s32 $0xA0C0, s25  }
0x66: {  	[sflag:s15] =	ssyncadd.s32 $0xFFFFD800;
	s29 =	smov.u32 s26;
	s30 =	sadd.s32 $0x400, s26  }
0x67: {  	[tilespmem:s19], [sflag:$0x2] =	stream.indirect.gather [hbm4b:s4+s18], $0x80, s28, s18, $0xb8;
	[tilespmem:$0x1F040] =	vst v63  }
0x68: {  	p1 =	sne.s32 s26, $0x1EC00;
	_ =	swait.ge [sflag:s20], $0x2800  }
0x69: {  	[sflag:s20] =	ssyncset.done $0x0  }
0x6a: {  	s26 =	sadd.s32 $0x12040, s25;
	[sflag:s20] =	ssyncadd.s32 $0xFFFFD800  }
0x6b: {  	[spmem:s2] =	stream.indirect.scatter.add.f32 [tilespmem:s14], [sflag:$0x3], $0x80, s26, s18, $0xb8;
	[tilespmem:$0x1F040] =	vst v63  }
0x6c: {  	_ =	swait.ge [sflag:s15], $0x2800  }
0x6d: {  	[sflag:s15] =	ssyncset.done $0x0  }
0x6e: {  	s26 =	sadd.s32 $0xA140, s25;
	[sflag:s15] =	ssyncadd.s32 $0xFFFFD800  }
0x6f: {  	[tilespmem:s14], [sflag:$0x1] =	stream.indirect.gather [hbm4b:s4+s18], $0x80, s26, s18, $0xb8;
	[tilespmem:$0x1F040] =	vst v63  }
0x70: {  	_ =	swait.ge [sflag:s21], $0x2800  }
.Ltmp2:
0x71: {  	[sflag:s21] =	ssyncset.done $0x0;
	(pc) =	sbr.rel @p1 .LBB2_6-.Ltmp2, $4  }
0x72: {  	s25 =	sadd.s32 $0x120C0, s25;
	[sflag:s21] =	ssyncadd.s32 $0xFFFFD800  }
0x73: {  	[spmem:s2] =	stream.indirect.scatter.add.f32 [tilespmem:s19], [sflag:$0x3], $0x80, s25, s18, $0xb8;
	[tilespmem:$0x1F040] =	vst v63  }
0x74: {  	_ =	swait.ge [sflag:s15], $0x2800  }
0x75: {  	s26 =	smov.u32 s30;
	s25 =	sshra.s32 s29, $0x2;
	[sflag:s15] =	ssyncset.done $0x0  }
0x76: {  	s26 =	sadd.s32 $0xA0C0, s25;
	[sflag:s15] =	ssyncadd.s32 $0xFFFFD800  }
0x77: {  	[tilespmem:s19], [sflag:$0x2] =	stream.indirect.gather [hbm4b:s4+s18], $0x80, s26, s18, $0xb8;
	[tilespmem:$0x1F040] =	vst v63  }
0x78: {  	_ =	swait.ge [sflag:s20], $0x2800  }
0x79: {  	[sflag:s20] =	ssyncset.done $0x0  }
0x7a: {  	s31 =	sadd.s32 $0x12040, s25;
	[sflag:s20] =	ssyncadd.s32 $0xFFFFD800  }
0x7b: {  	[spmem:s2] =	stream.indirect.scatter.add.f32 [tilespmem:s14], [sflag:$0x3], $0x80, s31, s18, $0xb8;
	[tilespmem:$0x1F040] =	vst v63  }
0x7c: {  	_ =	swait.ge [sflag:s15], $0x2800  }
0x7d: {  	[sflag:s15] =	ssyncset.done $0x0  }
0x7e: {  	s28 =	sadd.s32 $0xA140, s25;
	[sflag:s15] =	ssyncadd.s32 $0xFFFFD800  }
0x7f: {  	[tilespmem:s14], [sflag:$0x1] =	stream.indirect.gather [hbm4b:s4+s18], $0x80, s28, s18, $0xb8;
	[tilespmem:$0x1F040] =	vst v63  }
0x80: {  	_ =	swait.ge [sflag:s21], $0x2800  }
0x81: {  	[sflag:s21] =	ssyncset.done $0x0  }
0x82: {  	s29 =	sadd.s32 $0x120C0, s25;
	[sflag:s21] =	ssyncadd.s32 $0xFFFFD800  }
0x83: {  	[spmem:s2] =	stream.indirect.scatter.add.f32 [tilespmem:s19], [sflag:$0x3], $0x80, s29, s18, $0xb8;
	[tilespmem:$0x1F040] =	vst v63  }
0x84: {  	_ =	swait.ge [sflag:s15], $0x2800  }
0x85: {  	[sflag:s15] =	ssyncset.done $0x0  }
0x86: {  	[sflag:s15] =	ssyncadd.s32 $0xFFFFD800  }
0x87: {  	[tilespmem:s19], [sflag:$0x2] =	stream.indirect.gather [hbm4b:s4+s18], $0x80, s22, s18, $0xb8;
	[tilespmem:$0x1F040] =	vst v63  }
0x88: {  	_ =	swait.ge [sflag:s20], $0x2800  }
0x89: {  	[sflag:s20] =	ssyncset.done $0x0  }
0x8a: {  	[sflag:s20] =	ssyncadd.s32 $0xFFFFD800  }
0x8b: {  	[spmem:s2] =	stream.indirect.scatter.add.f32 [tilespmem:s14], [sflag:$0x3], $0x80, s23, s18, $0xb8;
	[tilespmem:$0x1F040] =	vst v63  }
0x8c: {  	_ =	swait.ge [sflag:s15], $0x2800  }
0x8d: {  	[sflag:s15] =	ssyncset.done $0x0  }
0x8e: {  	[sflag:s15] =	ssyncadd.s32 $0xFFFFD800  }
0x8f: {  	_ =	swait.ge [sflag:s21], $0x2800  }
0x90: {  	[sflag:s21] =	ssyncset.done $0x0  }
0x91: {  	[sflag:s21] =	ssyncadd.s32 $0xFFFFD800  }
0x92: {  	[spmem:s2] =	stream.indirect.scatter.add.f32 [tilespmem:s19], [sflag:$0x3], $0x80, s24, s18, $0xb8;
	[tilespmem:$0x1F040] =	vst v63  }
0x93: {  	_ =	swait.ge [sflag:s15], $0x2800  }
0x94: {  	s30 =	sshll.u32 s1, $0x6;
	s3 =	sadd.s32 $0x1, s3;
	[sflag:s15] =	ssyncset.done $0x0  }
0x95: {  	s25 =	sor.u32 $0x1C03, s30;
	p1 =	sne.s32 s3, s13;
	[sflag:s15] =	ssyncadd.s32 $0xFFFFD800  }
.Ltmp3:
0x96: {  	s31 =	sshrl.u32 s5, $0x3;
	[bflag:$0x0] =	sbarrier.arrive $0xFFFF;
	(pc) =	sbr.rel @p1 .LBB2_1-.Ltmp3, $4  }
0x97: {  	[hbm:s12], [sflag:s25] =	dma.local [spmem:s31], $0x1400  }
0x98: {  	_ =	swait.ge [sflag:s15], $0x1400  }
0x99: {  	[sflag:s15] =	ssyncset.done $0x0  }
0x9a: {  	[sflag:s15] =	ssyncadd.s32 $0xFFFFEC00  }
0x9b: {  	_ =	sfence.sel $0x180000  }
0x9c: {  	[bflag:$0x0] =	sbarrier.arrive $0xFFFF  }
0x9d: {  	p0 =	sne.s32 s1, $0x0;
	_ =	strace $0x9000004D  }
0x9e: {  	s0 =	sadd.s32 @!p0 $0x100000, s0;
	[bflag:$0x2] =	sbarrier.arrive $0xFFFF  }
0x9f: {  	[sflag:s0] =	ssyncadd.tile.s32 @!p0 $0x1;
	_ =	shalt  }
.Lfunc_end2:
_tile_overlayer_lowered:
.L_overlay_start_2:
0xa0: {  	(tag) =	ssettag $0x2  }
0xa1: {  	s0 =	rddreg [dreg:$0x0];
	s2 =	stileid.u32  }
0xa2: {  	s1 =	rddreg [dreg:$0x1];
	p0 =	sne.s32 s2, $0x0  }
0xa3: {  	s3 =	rddreg [dreg:$0x2];
	[bflag:$0x3] =	sbarrier.arrive $0xFFFF;
	s2 =	simm.s32 @!p0 $0x1C03  }
0xa4: {  	[timem:s3], [sflag:s2] =	dma.local @!p0 [hbm:s0], s1  }
0xa5: {  	s0 =	simm.s32 @!p0 $0x3  }
0xa6: {  	_ =	swait.ge @!p0 [sflag:s0], s1  }
0xa7: {  	s1 =	ssub.s32 @!p0 $0x0, s1;
	[sflag:s0] =	ssyncset.done @!p0 $0x0  }
0xa8: {  	[sflag:s0] =	ssyncadd.s32 @!p0 s1  }
0xa9: {  	[bflag:$0x3] =	sbarrier.arrive $0xFFFF  }
0xaa: {  	_ =	shalt  }

// kernel: kernel.19.cloned.1.call-start
scs
__scs_entry_jumppad:
0x0: {  	(pc) =	sbr.rel $0x88, $3  }
0x1: {  	(tag) =	ssettag $0x0;
	lr =	simm.s32 $0x1  }
0x2: {  	[smem:$0x3F92] =	sst lr;
	_ =	strace $0xD0000000  }
0x3: {  	_ = 	snop  }
0x4: {  	_ = 	snop  }
0x5: {  	_ = 	snop  }
0x6: {  	_ = 	snop  }
0x7: {  	_ = 	snop  }
__scs_overlays_trampoline_lowered:
0x8: {  	[smem:$0x3FA1] =	sst s0  }
0x9: {  	[smem:$0x3FA2] =	sst s1  }
0xa: {  	[smem:$0x3FA3] =	sst s2  }
0xb: {  	[smem:$0x3FA4] =	sst s3  }
0xc: {  	[smem:$0x3FA5] =	sst s4  }
0xd: {  	[smem:$0x3FA6] =	sst s5  }
0xe: {  	[smem:$0x3FA7] =	sst s6  }
0xf: {  	[smem:$0x3FA8] =	sst s7  }
0x10: {  	[smem:$0x3FA9] =	sst s8  }
0x11: {  	[smem:$0x3FAA] =	sst s9;
	s0 =	simm.s32 @!p0 $0x0  }
0x12: {  	s1 =	sld [smem:$0x3F90];
	s0 =	simm.s32 @p0 $0x1  }
0x13: {  	[smem:$0x3FAB] =	sst s0;
	s0 =	simm.s32 @!p1 $0x0  }
0x14: {  	s2 =	sld [smem:$0x3F8F];
	s0 =	simm.s32 @p1 $0x1  }
0x15: {  	[smem:$0x3FAC] =	sst s0;
	s0 =	simm.s32 @!p2 $0x0  }
0x16: {  	s3 =	sld [smem:$0x3FDB];
	s0 =	simm.s32 @p2 $0x1  }
0x17: {  	s4 =	simm.s32 $0x1BF5;
	[smem:$0x3FAE] =	sst s0  }
0x18: {  	s0 =	sld [smem:$0x3F91];
	_ =	swait.ge [sflag:s4], $0x0  }
0x19: {  	s7 =	sld [smem:$0x3F92]  }
0x1a: {  	s8 =	sadd.s32 $0xFFFFE003, lr  }
0x1b: {  	s9 =	sadd.s32 $0xFFFFFEF7, lr;
	s5 =	simm.s32 $0xFFFFFFFF;
	p2 =	slt.u32 s8, $0xFFFFF086  }
0x1c: {  	p1 =	slt.u32 s9, $0xF7A;
	s5 =	simm.s32 @!p2 $0x0  }
0x1d: {  	s5 =	simm.s32 @p1 $0x1;
	p0 =	seq.s32 s7, s2  }
0x1e: {  	s7 =	smul.u32 @!p0 $0xF7A, s2;
	p2 =	seq.s32 @!p0 s5, $0x0  }
0x1f: {  	s9 =	smul.u32 $0xF7A, s1;
	s8 =	simm.s32 @!p0 $0x1BF5;
	p2 =	por !p2, p0  }
0x20: {  	[sflag:s8] =	ssyncset.s32 @!p0 $0xFFFFF086;
	s6 =	sadd.s32 @!p0 s3, s7;
	s7 =	simm.s32 @!p0 $0x108  }
0x21: {  	s3 =	sadd.s32 s3, s9;
	s6 =	sadd.s32 @!p0 $0x88, s6;
	s7 =	simm.s32 @p2 $0x1082  }
0x22: {  	[simem:s7], [sflag:s8] =	dma.local @!p0 [hbm:s6], $0xF7A  }
0x23: {  	s9 =	sor.u32 $0xD0000000, s2;
	s6 =	simm.s32 $0x108;
	_ =	swait.ge @!p0 [sflag:s8], $0x0  }
0x24: {  	s3 =	sadd.s32 $0x88, s3;
	s6 =	simm.s32 @!p1 $0x1082;
	[sflag:s4] =	ssyncset.s32 $0xFFFFF086  }
0x25: {  	[simem:s6], [sflag:s4] =	dma.local [hbm:s3], $0xF7A  }
0x26: {  	[smem:$0x3F92] =	sst s1;
	(tag) =	ssettag s2;
	_ =	strace s9  }
0x27: {  	s1 =	sld [smem:$0x3FA2]  }
0x28: {  	s2 =	sld [smem:$0x3FA3]  }
0x29: {  	s4 =	sld [smem:$0x3FA5]  }
0x2a: {  	p0 =	seq.s32 s5, $0x0;
	s5 =	sld [smem:$0x3FA6]  }
0x2b: {  	s6 =	sld [smem:$0x3FA7]  }
0x2c: {  	s7 =	sld [smem:$0x3FA8]  }
0x2d: {  	s3 =	simm.s32 $0x108;
	s8 =	sld [smem:$0x3FA9]  }
0x2e: {  	s3 =	simm.s32 @!p0 $0x1082;
	s9 =	sld [smem:$0x3FAA]  }
0x2f: {  	lr =	sadd.s32 s0, s3;
	s0 =	sld [smem:$0x3FA1]  }
0x30: {  	s3 =	sld [smem:$0x3FA4]  }
0x31: {  	[smem:$0x3FAD] =	sst s10  }
0x32: {  	s10 =	sld [smem:$0x3FAB];
	_ =	sdelay $0x3  }
0x33: {  	p0 =	seq.s32 s10, $0x1;
	s10 =	sld [smem:$0x3FAD];
	_ =	sdelay $0x3  }
0x34: {  	[smem:$0x3FAD] =	sst s10  }
0x35: {  	s10 =	sld [smem:$0x3FAC];
	_ =	sdelay $0x3  }
0x36: {  	p1 =	seq.s32 s10, $0x1;
	s10 =	sld [smem:$0x3FAD];
	_ =	sdelay $0x3  }
0x37: {  	[smem:$0x3FAD] =	sst s10  }
0x38: {  	s10 =	sld [smem:$0x3FAE]  }
0x39: {  	_ = 	snop;
	(pc) =	sbr.ind lr, $3  }
0x3a: {  	_ = 	snop  }
0x3b: {  	_ = 	snop  }
0x3c: {  	p2 =	seq.s32 s10, $0x1;
	s10 =	sld [smem:$0x3FAD]  }
0x3d: {  	_ =	shalt  }
0x3e: {  	_ =	shalt  }
0x3f: {  	_ =	shalt  }
0x40: {  	_ =	shalt  }
0x41: {  	_ =	shalt  }
0x42: {  	_ =	shalt  }
0x43: {  	_ =	shalt  }
0x44: {  	_ =	shalt  }
0x45: {  	_ =	shalt  }
0x46: {  	_ =	shalt  }
0x47: {  	_ =	shalt  }
0x48: {  	_ =	shalt  }
0x49: {  	_ =	shalt  }
0x4a: {  	_ =	shalt  }
0x4b: {  	_ =	shalt  }
0x4c: {  	_ =	shalt  }
0x4d: {  	_ =	shalt  }
0x4e: {  	_ =	shalt  }
0x4f: {  	_ =	shalt  }
0x50: {  	_ =	shalt  }
0x51: {  	_ =	shalt  }
0x52: {  	_ =	shalt  }
0x53: {  	_ =	shalt  }
0x54: {  	_ =	shalt  }
0x55: {  	_ =	shalt  }
0x56: {  	_ =	shalt  }
0x57: {  	_ =	shalt  }
0x58: {  	_ =	shalt  }
0x59: {  	_ =	shalt  }
0x5a: {  	_ =	shalt  }
0x5b: {  	_ =	shalt  }
0x5c: {  	_ =	shalt  }
0x5d: {  	_ =	shalt  }
0x5e: {  	_ =	shalt  }
0x5f: {  	_ =	shalt  }
0x60: {  	_ =	shalt  }
0x61: {  	_ =	shalt  }
0x62: {  	_ =	shalt  }
0x63: {  	_ =	shalt  }
0x64: {  	_ =	shalt  }
0x65: {  	_ =	shalt  }
0x66: {  	_ =	shalt  }
0x67: {  	_ =	shalt  }
0x68: {  	_ =	shalt  }
0x69: {  	_ =	shalt  }
0x6a: {  	_ =	shalt  }
0x6b: {  	_ =	shalt  }
0x6c: {  	_ =	shalt  }
0x6d: {  	_ =	shalt  }
0x6e: {  	_ =	shalt  }
0x6f: {  	_ =	shalt  }
0x70: {  	_ =	shalt  }
0x71: {  	_ =	shalt  }
0x72: {  	_ =	shalt  }
0x73: {  	_ =	shalt  }
0x74: {  	_ =	shalt  }
0x75: {  	_ =	shalt  }
0x76: {  	_ =	shalt  }
0x77: {  	_ =	shalt  }
0x78: {  	_ =	shalt  }
0x79: {  	_ =	shalt  }
0x7a: {  	_ =	shalt  }
0x7b: {  	_ =	shalt  }
0x7c: {  	_ =	shalt  }
0x7d: {  	_ =	shalt  }
0x7e: {  	_ =	shalt  }
0x7f: {  	_ =	shalt  }
0x80: {  	_ =	shalt  }
0x81: {  	_ =	shalt  }
0x82: {  	_ =	shalt  }
0x83: {  	_ =	shalt  }
0x84: {  	_ =	shalt  }
0x85: {  	_ =	shalt  }
0x86: {  	_ =	shalt  }
0x87: {  	_ =	shalt  }
.Lfunc_end0:
.L_simem_size_0:
called_computation.3_lowered:
.L_overlay_start_0:
0x88: {  	s2 =	sld [smem:$0x3FD9]  }
0x89: {  	s3 =	sld [smem:$0x3FFE];
	_ =	sdelay $0x1  }
0x8a: {  	s1 =	srdreg.scid  }
0x8b: {  	s0 =	sand.u32 $0x1, s1  }
0x8c: {  	s16 =	sshll.u32 s0, $0xA;
	s2 =	sadd.s32 s3, s2  }
0x8d: {  	s2 =	sadd.s32 s2, s16  }
0x8e: {  	[smem:$0x3FB9] =	sst s2  }
0x8f: {  	_ = 	snop  }
0x90: {  	(tm) =	ssettm $0x1  }
0x91: {  	s17 =	sld [smem:$0x3FFB];
	_ =	sdelay $0x3  }
0x92: {  	_ =	strace s17  }
0x93: {  	s2 =	sld [smem:$0x3FFC];
	_ =	sdelay $0x3  }
0x94: {  	_ =	strace s2  }
0x95: {  	s2 =	sld [smem:$0x3FFD];
	_ =	sdelay $0x3  }
0x96: {  	_ =	strace s2  }
0x97: {  	_ =	strace $0x8FFFFFFF  }
0x98: {  	s18 =	sld [smem:$0x3FDB];
	_ =	sdelay $0x1  }
0x99: {  	s19 =	simm.s32 $_scs_section_size  }
0x9a: {  	s4 =	simm.s32 $_size__tile_overlayer_lowered;
	s5 =	simm.s32 $_tile_overlayer_lowered  }
0x9b: {  	s22 =	simm.s32 $0x1BFF;
	s21 =	sshll.u32 s5, $0x1;
	s2 =	sadd.s32 s19, s18  }
0x9c: {  	s6 =	simm.s32 $0x0;
	s20 =	sshll.u32 s4, $0x1;
	s4 =	sadd.s32 s21, s2  }
0x9d: {  	[timem:s6], [sflag:s22] =	dma.local [hbm:s4], s20  }
0x9e: {  	_ =	swait.ge [sflag:s22], s20  }
0x9f: {  	s3 =	ssub.s32 $0x0, s20;
	[sflag:s22] =	ssyncset.done $0x0  }
0xa0: {  	[sflag:s22] =	ssyncadd.s32 s3;
	_ =	sdelay $0x1  }
0xa1: {  	s23 =	simm.s32 $0x1B8B  }
0xa2: {  	_ =	swait.ge [sflag:s23], $0x1  }
0xa3: {  	[sflag:s23] =	ssyncset.done $0x0  }
0xa4: {  	s25 =	simm.s32 $0x1B8E;
	s24 =	sld [smem:$0x3FFE];
	[sflag:s23] =	ssyncadd.s32 $0xFFFFFFFF  }
0xa5: {  	s26 =	simm.s32 $execute0_lowered;
	[smem:$0x3FD2] =	sst s25  }
0xa6: {  	s4 =	sshll.u32 s26, $0x1;
	_ =	strace $0x8000004F;
	[dreg:$0x1] =	wrdreg $0xFFFFFFFF  }
0xa7: {  	s28 =	simm.s32 $_size_execute0_lowered;
	s2 =	sadd.s32 s2, s4;
	[dreg:$0x0] =	wrdreg $0x0  }
0xa8: {  	s4 =	sshll.u32 s28, $0x1;
	[dreg:$0x2] =	wrdreg s2  }
0xa9: {  	[dreg:$0x3] =	wrdreg s4  }
0xaa: {  	[dreg:$0x4] =	wrdreg $0xC0  }
0xab: {  	_ =	task [dreg:s6], $0x5FFFF  }
0xac: {  	[dreg:$0x1] =	wrdreg $0xFFFFFFFF  }
0xad: {  	[dreg:$0x0] =	wrdreg $0x60  }
0xae: {  	[dreg:$0x2] =	wrdreg s24  }
0xaf: {  	[dreg:$0x3] =	wrdreg $0x0  }
0xb0: {  	[dreg:$0x4] =	wrdreg $0x9  }
0xb1: {  	_ =	task.clear_ibuf [dreg:s6], $0x5FFFF;
	_ =	strace $0x9000004F  }
0xb2: {  	s29 =	simm.s32 $0x9;
	_ =	strace $0x80000051  }
0xb3: {  	_ =	swait.ge [sflag:s29], $0x1  }
0xb4: {  	[sflag:s29] =	ssyncadd.s32 $0xFFFFFFFF  }
0xb5: {  	_ =	strace $0x90000051  }
0xb6: {  	_ =	sfence  }
0xb7: {  	s30 =	sld [smem:$0x0];
	_ =	sdelay $0x2  }
0xb8: {  	s31 =	sshll.u32 s1, $0xD;
	s1 =	sshrl.u32 s1, $0x2  }
0xb9: {  	s3 =	sand.u32 $0x4000, s31;
	s1 =	sadd.s32 s1, s30  }
0xba: {  	s0 =	sor.u32 s3, s0;
	s1 =	sshll.u32 s1, $0x11  }
0xbb: {  	s0 =	sor.u32 s1, s0  }
0xbc: {  	s0 =	sadd.s32 $0x8F2B, s0  }
0xbd: {  	[sflag:s0] =	ssyncadd.remote.s32 $0x1  }
0xbe: {  	_ =	sfence.sel $0xFFFF  }
0xbf: {  	[dreg:$0x0] =	wrdreg $0xFFFFFFFF;
	(pc) =	sbr.abs _section_cstart, $3  }
0xc0: {  	[dreg:$0x1] =	wrdreg $0xFFFFFFFF  }
0xc1: {  	_ =	task.clear_ibuf [dreg:s6], $0x2FFFF;
	_ =	strace $0x9FFFFFFF  }
0xc2: {  	(tm) =	ssettm $0x7FFFFFFF  }
0xc3: {  	_ =	shalt  }
tec
execute0_lowered:
.L_overlay_start_1:
0x0: {  	(tag) =	ssettag $0x1  }
0x1: {  	s5 =	rddreg [dreg:$0x0]  }
0x2: {  	s2 =	rddreg [dreg:$0x1]  }
0x3: {  	s0 =	rddreg [dreg:$0x2];
	s1 =	stileid.u32  }
0x4: {  	s4 =	srdreg.scid;
	s3 =	simm.s32 $0x0;
	s14 =	simm.s32 $0x1A040  }
0x5: {  	s15 =	simm.s32 $0x3;
	s16 =	simm.s32 $0xA040;
	s17 =	simm.s32 $0x12040  }
0x6: {  	s18 =	simm.s32 $0x50;
	s19 =	simm.s32 $0x1C840;
	s20 =	simm.s32 $0x1  }
0x7: {  	s21 =	simm.s32 $0x2;
	s23 =	simm.s32 $0x19C40;
	s24 =	simm.s32 $0x19CC0  }
0x8: {  	s6 =	sand.u32 $0x1, s4;
	s7 =	smul.u32 $0x140, s1;
	[smem:$0x7FF] =	sst s3  }
0x9: {  	s8 =	sshll.u32 s1, $0xC;
	s9 =	smul.u32 $0x28000, s1;
	s4 =	sadd.s32 $0x14400, s5  }
0xa: {  	p0 =	sne.s32 s1, $0xF;
	s22 =	smul.u32 $0x1400, s6;
	_ =	strace $0x80000050  }
0xb: {  	s11 =	sadd.s32 s8, s5;
	s6 =	ssub.s32 $0x2, s6;
	s30 =	sshrl.u32 s9, $0x2  }
0xc: {  	s31 =	sshrl.u32 s6, $0x1;
	s9 =	sadd.s32 $0xA0000, s2;
	s7 =	sadd.s32 s7, s22  }
0xd: {  	s10 =	sadd.s32 $0x3C400, s11;
	s11 =	sadd.s32 $0x4400, s11;
	s7 =	sshll.u32 s7, $0x4  }
0xe: {  	s13 =	ssub.s32 s6, s31;
	s12 =	sadd.s32 s7, s5;
	s5 =	sadd.s32 s30, s2  }
0xf: {  	v0 =	vmov s22;
	s22 =	simm.s32 $0x11CC0;
	s13 =	smax.u32 s13, $0x1;
	s6 =	sadd.s32 $0x2800, s5  }
0x10: {  	v1 =	vimm.f32 $0.0e+00;
	s7 =	sadd.s32 $0x5000, s5;
	s8 =	sadd.s32 $0x7800, s5;
	s12 =	sadd.s32 $0x4C400, s12  }
.LBB2_1:
0x11: {  	s25 =	simm.s32 $0x0;
	s26 =	simm.s32 $0x200  }
.LBB2_2:
0x12: {  	p1 =	sne.s32 s26, $0x9E00;
	[tilespmem:s25+$0x1A0B0] =	vst v1  }
0x13: {  	[tilespmem:s25+$0x1A040] =	vst v1  }
0x14: {  	[tilespmem:s25+$0x1A050] =	vst v1  }
.Ltmp0:
0x15: {  	[tilespmem:s25+$0x1A060] =	vst v1;
	(pc) =	sbr.rel @p1 .LBB2_2-.Ltmp0, $4  }
0x16: {  	[tilespmem:s25+$0x1A070] =	vst v1  }
0x17: {  	[tilespmem:s25+$0x1A080] =	vst v1  }
0x18: {  	[tilespmem:s25+$0x1A090] =	vst v1  }
0x19: {  	[tilespmem:s25+$0x1A0A0] =	vst v1;
	s25 =	sshra.s32 s26, $0x2;
	s26 =	sadd.s32 $0x200, s26  }
0x1a: {  	[tilespmem:s25+$0x1A0B0] =	vst v1  }
0x1b: {  	[tilespmem:s25+$0x1A040] =	vst v1  }
0x1c: {  	[tilespmem:s25+$0x1A050] =	vst v1  }
0x1d: {  	[tilespmem:s25+$0x1A060] =	vst v1  }
0x1e: {  	[tilespmem:s25+$0x1A070] =	vst v1  }
0x1f: {  	[tilespmem:s25+$0x1A080] =	vst v1  }
0x20: {  	[tilespmem:s25+$0x1A090] =	vst v1  }
0x21: {  	[tilespmem:s25+$0x1A0A0] =	vst v1  }
0x22: {  	[spmem:s5] =	stream.linear.scatter [tilespmem:s14], [sflag:$0x3], $0x2800, $0x38;
	[tilespmem:$0x1F040] =	vst v63  }
0x23: {  	_ =	swait.ge [sflag:s15], $0x2800  }
0x24: {  	[sflag:s15] =	ssyncset.done $0x0  }
0x25: {  	[sflag:s15] =	ssyncadd.s32 $0xFFFFD800  }
0x26: {  	[spmem:s6] =	stream.linear.scatter [tilespmem:s14], [sflag:$0x3], $0x2800, $0x38;
	[tilespmem:$0x1F040] =	vst v63  }
0x27: {  	_ =	swait.ge [sflag:s15], $0x2800  }
0x28: {  	[sflag:s15] =	ssyncset.done $0x0  }
0x29: {  	[sflag:s15] =	ssyncadd.s32 $0xFFFFD800  }
0x2a: {  	[spmem:s7] =	stream.linear.scatter [tilespmem:s14], [sflag:$0x3], $0x2800, $0x38;
	[tilespmem:$0x1F040] =	vst v63  }
0x2b: {  	_ =	swait.ge [sflag:s15], $0x2800  }
0x2c: {  	[sflag:s15] =	ssyncset.done $0x0  }
0x2d: {  	[sflag:s15] =	ssyncadd.s32 $0xFFFFD800  }
0x2e: {  	[spmem:s8] =	stream.linear.scatter [tilespmem:s14], [sflag:$0x3], $0x2800, $0x38;
	[tilespmem:$0x1F040] =	vst v63  }
0x2f: {  	_ =	swait.ge [sflag:s15], $0x2800  }
0x30: {  	[sflag:s15] =	ssyncset.done $0x0  }
0x31: {  	s25 =	simm.s32 @!p0 $0x1A040;
	[sflag:s15] =	ssyncadd.s32 $0xFFFFD800  }
0x32: {  	[spmem:s9] =	stream.linear.scatter @!p0 [tilespmem:s25], [sflag:$0x3], $0x400, $0x38;
	[tilespmem:$0x1F040] =	vst v63  }
0x33: {  	s25 =	simm.s32 @!p0 $0x3  }
0x34: {  	_ =	swait.ge @!p0 [sflag:s25], $0x400  }
0x35: {  	[sflag:s25] =	ssyncset.done @!p0 $0x0  }
0x36: {  	s31 =	simm.s32 $0x0;
	[sflag:s25] =	ssyncadd.s32 @!p0 $0xFFFFFC00  }
0x37: {  	[tilespmem:s16], [sflag:$0x3] =	stream.linear.gather [hbm4b:s10+s31], $0x7D00, $0x38;
	[tilespmem:$0x1F040] =	vst v63  }
0x38: {  	_ =	swait.ge [sflag:s15], $0x7D00  }
0x39: {  	[sflag:s15] =	ssyncset.done $0x0  }
0x3a: {  	[sflag:s15] =	ssyncadd.s32 $0xFFFF8300  }
0x3b: {  	[tilespmem:s17], [sflag:$0x3] =	stream.linear.gather [hbm4b:s11+s31], $0x7D00, $0x38;
	[tilespmem:$0x1F040] =	vst v63  }
0x3c: {  	_ =	swait.ge [sflag:s15], $0x7D00  }
0x3d: {  	[sflag:s15] =	ssyncset.done $0x0  }
0x3e: {  	s25 =	simm.s32 $0x0;
	[sflag:s15] =	ssyncadd.s32 $0xFFFF8300  }
0x3f: {  	v4 =	vld [tilespmem:s25+$0x12040]  }
0x40: {  	v5 =	vld [tilespmem:s25+$0x12050]  }
0x41: {  	v3 =	vld [tilespmem:s25+$0x12060]  }
0x42: {  	s26 =	simm.s32 $0x200;
	v2 =	vld [tilespmem:s25+$0x12070]  }
.LBB2_4:
0x43: {  	p1 =	sne.s32 s26, $0x1F200;
	v6 =	vld [tilespmem:s25+$0x12080]  }
0x44: {  	v4 =	vsub.s32 v4, v0  }
0x45: {  	v4 =	vmin.u32 v4, $0x1400;
	v5 =	vsub.s32 v5, v0  }
.Ltmp1:
0x46: {  	s28 =	sshra.s32 s26, $0x2;
	[tilespmem:s25+$0x12040] =	vst v4;
	v5 =	vmin.u32 v5, $0x1400;
	v3 =	vsub.s32 v3, v0;
	(pc) =	sbr.rel @p1 .LBB2_4-.Ltmp1, $4  }
0x47: {  	v4 =	vld [tilespmem:s28+$0x12040];
	[tilespmem:s25+$0x12050] =	vst v5;
	v3 =	vmin.u32 v3, $0x1400;
	v2 =	vsub.s32 v2, v0  }
0x48: {  	v5 =	vld [tilespmem:s28+$0x12050];
	[tilespmem:s25+$0x12060] =	vst v3;
	v2 =	vmin.u32 v2, $0x1400;
	v6 =	vsub.s32 v6, v0  }
0x49: {  	v3 =	vld [tilespmem:s28+$0x12060];
	[tilespmem:s25+$0x12070] =	vst v2;
	v6 =	vmin.u32 v6, $0x1400  }
0x4a: {  	s26 =	sadd.s32 $0x200, s26;
	v2 =	vld [tilespmem:s28+$0x12070];
	[tilespmem:s25+$0x12080] =	vst v6;
	s25 =	smov.u32 s28  }
0x4b: {  	v6 =	vld [tilespmem:s25+$0x12080]  }
0x4c: {  	v4 =	vsub.s32 v4, v0  }
0x4d: {  	v4 =	vmin.u32 v4, $0x1400;
	v5 =	vsub.s32 v5, v0  }
0x4e: {  	[tilespmem:s25+$0x12040] =	vst v4;
	v63 =	vmin.u32 v5, $0x1400;
	v3 =	vsub.s32 v3, v0  }
0x4f: {  	[tilespmem:s25+$0x12050] =	vst v63;
	v3 =	vmin.u32 v3, $0x1400;
	v2 =	vsub.s32 v2, v0  }
0x50: {  	[tilespmem:s25+$0x12060] =	vst v3;
	v2 =	vmin.u32 v2, $0x1400;
	v3 =	vsub.s32 v6, v0  }
0x51: {  	[tilespmem:s25+$0x12070] =	vst v2;
	v2 =	vmin.u32 v3, $0x1400  }
0x52: {  	[tilespmem:s25+$0x12080] =	vst v2  }
0x53: {  	[bflag:$0x0] =	sbarrier.arrive $0xFFFF  }
0x54: {  	[tilespmem:s14], [sflag:$0x1] =	stream.indirect.gather [hbm4b:s4+s18], $0x80, s16, s18, $0xb8;
	[tilespmem:$0x1F040] =	vst v63  }
0x55: {  	s28 =	simm.s32 $0xA0C0  }
0x56: {  	[tilespmem:s19], [sflag:$0x2] =	stream.indirect.gather [hbm4b:s4+s18], $0x80, s28, s18, $0xb8;
	[tilespmem:$0x1F040] =	vst v63  }
0x57: {  	_ =	swait.ge [sflag:s20], $0x2800  }
0x58: {  	[sflag:s20] =	ssyncset.done $0x0  }
0x59: {  	s29 =	simm.s32 $0x12040;
	[sflag:s20] =	ssyncadd.s32 $0xFFFFD800  }
0x5a: {  	[spmem:s2] =	stream.indirect.scatter.add.f32 [tilespmem:s14], [sflag:$0x3], $0x80, s29, s18, $0xb8;
	[tilespmem:$0x1F040] =	vst v63  }
0x5b: {  	_ =	swait.ge [sflag:s15], $0x2800  }
0x5c: {  	[sflag:s15] =	ssyncset.done $0x0  }
0x5d: {  	s30 =	simm.s32 $0xA140;
	[sflag:s15] =	ssyncadd.s32 $0xFFFFD800  }
0x5e: {  	[tilespmem:s14], [sflag:$0x1] =	stream.indirect.gather [hbm4b:s4+s18], $0x80, s30, s18, $0xb8;
	[tilespmem:$0x1F040] =	vst v63  }
0x5f: {  	_ =	swait.ge [sflag:s21], $0x2800  }
0x60: {  	[sflag:s21] =	ssyncset.done $0x0  }
0x61: {  	s31 =	simm.s32 $0x120C0;
	[sflag:s21] =	ssyncadd.s32 $0xFFFFD800  }
0x62: {  	[spmem:s2] =	stream.indirect.scatter.add.f32 [tilespmem:s19], [sflag:$0x3], $0x80, s31, s18, $0xb8;
	[tilespmem:$0x1F040] =	vst v63  }
0x63: {  	_ =	swait.ge [sflag:s15], $0x2800  }
0x64: {  	s26 =	simm.s32 $0x800;
	s25 =	simm.s32 $0x100;
	[sflag:s15] =	ssyncset.done $0x0  }
.LBB2_6:
0x65: {  	s28 =	sadd.s32 $0xA0C0, s25  }
0x66: {  	[sflag:s15] =	ssyncadd.s32 $0xFFFFD800;
	s29 =	smov.u32 s26;
	s30 =	sadd.s32 $0x400, s26  }
0x67: {  	[tilespmem:s19], [sflag:$0x2] =	stream.indirect.gather [hbm4b:s4+s18], $0x80, s28, s18, $0xb8;
	[tilespmem:$0x1F040] =	vst v63  }
0x68: {  	p1 =	sne.s32 s26, $0x1EC00;
	_ =	swait.ge [sflag:s20], $0x2800  }
0x69: {  	[sflag:s20] =	ssyncset.done $0x0  }
0x6a: {  	s26 =	sadd.s32 $0x12040, s25;
	[sflag:s20] =	ssyncadd.s32 $0xFFFFD800  }
0x6b: {  	[spmem:s2] =	stream.indirect.scatter.add.f32 [tilespmem:s14], [sflag:$0x3], $0x80, s26, s18, $0xb8;
	[tilespmem:$0x1F040] =	vst v63  }
0x6c: {  	_ =	swait.ge [sflag:s15], $0x2800  }
0x6d: {  	[sflag:s15] =	ssyncset.done $0x0  }
0x6e: {  	s26 =	sadd.s32 $0xA140, s25;
	[sflag:s15] =	ssyncadd.s32 $0xFFFFD800  }
0x6f: {  	[tilespmem:s14], [sflag:$0x1] =	stream.indirect.gather [hbm4b:s4+s18], $0x80, s26, s18, $0xb8;
	[tilespmem:$0x1F040] =	vst v63  }
0x70: {  	_ =	swait.ge [sflag:s21], $0x2800  }
.Ltmp2:
0x71: {  	[sflag:s21] =	ssyncset.done $0x0;
	(pc) =	sbr.rel @p1 .LBB2_6-.Ltmp2, $4  }
0x72: {  	s25 =	sadd.s32 $0x120C0, s25;
	[sflag:s21] =	ssyncadd.s32 $0xFFFFD800  }
0x73: {  	[spmem:s2] =	stream.indirect.scatter.add.f32 [tilespmem:s19], [sflag:$0x3], $0x80, s25, s18, $0xb8;
	[tilespmem:$0x1F040] =	vst v63  }
0x74: {  	_ =	swait.ge [sflag:s15], $0x2800  }
0x75: {  	s26 =	smov.u32 s30;
	s25 =	sshra.s32 s29, $0x2;
	[sflag:s15] =	ssyncset.done $0x0  }
0x76: {  	s26 =	sadd.s32 $0xA0C0, s25;
	[sflag:s15] =	ssyncadd.s32 $0xFFFFD800  }
0x77: {  	[tilespmem:s19], [sflag:$0x2] =	stream.indirect.gather [hbm4b:s4+s18], $0x80, s26, s18, $0xb8;
	[tilespmem:$0x1F040] =	vst v63  }
0x78: {  	_ =	swait.ge [sflag:s20], $0x2800  }
0x79: {  	[sflag:s20] =	ssyncset.done $0x0  }
0x7a: {  	s31 =	sadd.s32 $0x12040, s25;
	[sflag:s20] =	ssyncadd.s32 $0xFFFFD800  }
0x7b: {  	[spmem:s2] =	stream.indirect.scatter.add.f32 [tilespmem:s14], [sflag:$0x3], $0x80, s31, s18, $0xb8;
	[tilespmem:$0x1F040] =	vst v63  }
0x7c: {  	_ =	swait.ge [sflag:s15], $0x2800  }
0x7d: {  	[sflag:s15] =	ssyncset.done $0x0  }
0x7e: {  	s28 =	sadd.s32 $0xA140, s25;
	[sflag:s15] =	ssyncadd.s32 $0xFFFFD800  }
0x7f: {  	[tilespmem:s14], [sflag:$0x1] =	stream.indirect.gather [hbm4b:s4+s18], $0x80, s28, s18, $0xb8;
	[tilespmem:$0x1F040] =	vst v63  }
0x80: {  	_ =	swait.ge [sflag:s21], $0x2800  }
0x81: {  	[sflag:s21] =	ssyncset.done $0x0  }
0x82: {  	s29 =	sadd.s32 $0x120C0, s25;
	[sflag:s21] =	ssyncadd.s32 $0xFFFFD800  }
0x83: {  	[spmem:s2] =	stream.indirect.scatter.add.f32 [tilespmem:s19], [sflag:$0x3], $0x80, s29, s18, $0xb8;
	[tilespmem:$0x1F040] =	vst v63  }
0x84: {  	_ =	swait.ge [sflag:s15], $0x2800  }
0x85: {  	[sflag:s15] =	ssyncset.done $0x0  }
0x86: {  	[sflag:s15] =	ssyncadd.s32 $0xFFFFD800  }
0x87: {  	[tilespmem:s19], [sflag:$0x2] =	stream.indirect.gather [hbm4b:s4+s18], $0x80, s22, s18, $0xb8;
	[tilespmem:$0x1F040] =	vst v63  }
0x88: {  	_ =	swait.ge [sflag:s20], $0x2800  }
0x89: {  	[sflag:s20] =	ssyncset.done $0x0  }
0x8a: {  	[sflag:s20] =	ssyncadd.s32 $0xFFFFD800  }
0x8b: {  	[spmem:s2] =	stream.indirect.scatter.add.f32 [tilespmem:s14], [sflag:$0x3], $0x80, s23, s18, $0xb8;
	[tilespmem:$0x1F040] =	vst v63  }
0x8c: {  	_ =	swait.ge [sflag:s15], $0x2800  }
0x8d: {  	[sflag:s15] =	ssyncset.done $0x0  }
0x8e: {  	[sflag:s15] =	ssyncadd.s32 $0xFFFFD800  }
0x8f: {  	_ =	swait.ge [sflag:s21], $0x2800  }
0x90: {  	[sflag:s21] =	ssyncset.done $0x0  }
0x91: {  	[sflag:s21] =	ssyncadd.s32 $0xFFFFD800  }
0x92: {  	[spmem:s2] =	stream.indirect.scatter.add.f32 [tilespmem:s19], [sflag:$0x3], $0x80, s24, s18, $0xb8;
	[tilespmem:$0x1F040] =	vst v63  }
0x93: {  	_ =	swait.ge [sflag:s15], $0x2800  }
0x94: {  	s30 =	sshll.u32 s1, $0x6;
	s3 =	sadd.s32 $0x1, s3;
	[sflag:s15] =	ssyncset.done $0x0  }
0x95: {  	s25 =	sor.u32 $0x1C03, s30;
	p1 =	sne.s32 s3, s13;
	[sflag:s15] =	ssyncadd.s32 $0xFFFFD800  }
.Ltmp3:
0x96: {  	s31 =	sshrl.u32 s5, $0x3;
	[bflag:$0x0] =	sbarrier.arrive $0xFFFF;
	(pc) =	sbr.rel @p1 .LBB2_1-.Ltmp3, $4  }
0x97: {  	[hbm:s12], [sflag:s25] =	dma.local [spmem:s31], $0x1400  }
0x98: {  	_ =	swait.ge [sflag:s15], $0x1400  }
0x99: {  	[sflag:s15] =	ssyncset.done $0x0  }
0x9a: {  	[sflag:s15] =	ssyncadd.s32 $0xFFFFEC00  }
0x9b: {  	_ =	sfence.sel $0x180000  }
0x9c: {  	[bflag:$0x0] =	sbarrier.arrive $0xFFFF  }
0x9d: {  	p0 =	sne.s32 s1, $0x0;
	_ =	strace $0x90000050  }
0x9e: {  	s0 =	sadd.s32 @!p0 $0x100000, s0;
	[bflag:$0x2] =	sbarrier.arrive $0xFFFF  }
0x9f: {  	[sflag:s0] =	ssyncadd.tile.s32 @!p0 $0x1;
	_ =	shalt  }
.Lfunc_end2:
_tile_overlayer_lowered:
.L_overlay_start_2:
0xa0: {  	(tag) =	ssettag $0x2  }
0xa1: {  	s0 =	rddreg [dreg:$0x0];
	s2 =	stileid.u32  }
0xa2: {  	s1 =	rddreg [dreg:$0x1];
	p0 =	sne.s32 s2, $0x0  }
0xa3: {  	s3 =	rddreg [dreg:$0x2];
	[bflag:$0x3] =	sbarrier.arrive $0xFFFF;
	s2 =	simm.s32 @!p0 $0x1C03  }
0xa4: {  	[timem:s3], [sflag:s2] =	dma.local @!p0 [hbm:s0], s1  }
0xa5: {  	s0 =	simm.s32 @!p0 $0x3  }
0xa6: {  	_ =	swait.ge @!p0 [sflag:s0], s1  }
0xa7: {  	s1 =	ssub.s32 @!p0 $0x0, s1;
	[sflag:s0] =	ssyncset.done @!p0 $0x0  }
0xa8: {  	[sflag:s0] =	ssyncadd.s32 @!p0 s1  }
0xa9: {  	[bflag:$0x3] =	sbarrier.arrive $0xFFFF  }
0xaa: {  	_ =	shalt  }

</sc_bundles>
